<compile_context>
chip_gen: v7x
topology: tpu7x:2x2x1
jax: 0.10.2.dev20260603
libtpu: 0.0.44.dev20260713+nightly
codegen_flags: <defaults>
</compile_context>

<pallas_src>
import functools

import jax
import jax.numpy as jnp
from jax import lax
from jax.experimental import pallas as pl
from jax.experimental.pallas import tpu as pltpu
from jax.experimental.pallas import tpu_sc as plsc

N = 10000
E = 320000
D = 128
H = 8
DH = 16

NC = 2
NS = 16
NW = NC * NS
EPW = E // NW
C = 80
NCHUNK = EPW // C
NPS = N // NS
DRA = 632
DRB = N - (NS - 1) * DRA
BN = 1000


def _qkv_body(x_ref, wt_ref, b_ref, q_ref, k_ref, v_ref):
    acc = jnp.dot(x_ref[...], wt_ref[...], preferred_element_type=jnp.float32)
    acc = acc + b_ref[...]
    q_ref[...] = acc[:, 0 * D:1 * D]
    k_ref[...] = acc[:, 1 * D:2 * D]
    v_ref[...] = acc[:, 2 * D:3 * D]


def _qkv_project(x2, wt, b):
    grid = N // BN
    out = jax.ShapeDtypeStruct((N, D), jnp.float32)
    return pl.pallas_call(
        _qkv_body,
        grid=(grid,),
        in_specs=[
            pl.BlockSpec((BN, D), lambda i: (i, 0)),
            pl.BlockSpec((D, 3 * D), lambda i: (0, 0)),
            pl.BlockSpec((1, 3 * D), lambda i: (0, 0)),
        ],
        out_specs=[
            pl.BlockSpec((BN, D), lambda i: (i, 0)),
            pl.BlockSpec((BN, D), lambda i: (i, 0)),
            pl.BlockSpec((BN, D), lambda i: (i, 0)),
        ],
        out_shape=[out, out, out],
    )(x2, wt, b)


def _edge_body(q_hbm, k_hbm, v_hbm, src_hbm, tgt_hbm,
               wn_out, vs_out,
               sidx, tidx, qbuf, kbuf, vbuf, zbuf,
               wn_sh, vs_sh, sem):
    cid = lax.axis_index("c")
    sid = lax.axis_index("s")
    zero16 = jnp.zeros((16,), jnp.float32)

    def _z_row(i, _):
        for j in range(D // 16):
            qbuf[i, pl.ds(j * 16, 16)] = zero16
        zbuf[i, :] = zero16
        return 0
    lax.fori_loop(0, C, _z_row, 0)

    for t in range((NCHUNK + NS - 1) // NS):
        ch = sid + t * NS

        @pl.when(ch < NCHUNK)
        def _init_chunk():
            pltpu.sync_copy(qbuf, vs_sh.at[pl.ds(ch * C, C)])
            pltpu.sync_copy(zbuf, wn_sh.at[pl.ds(ch * C, C)])
    plsc.subcore_barrier()

    w = cid * NS + sid
    lanes = jnp.arange(16, dtype=jnp.int32)

    def _chunk(ci, _):
        off = w * EPW + ci * C
        pltpu.sync_copy(src_hbm.at[pl.ds(off, C)], sidx)
        pltpu.sync_copy(tgt_hbm.at[pl.ds(off, C)], tidx)
        cp_q = pltpu.async_copy(q_hbm.at[sidx], qbuf, sem)
        cp_k = pltpu.async_copy(k_hbm.at[tidx], kbuf, sem)
        cp_v = pltpu.async_copy(v_hbm.at[tidx], vbuf, sem)
        cp_q.wait()
        cp_k.wait()
        cp_v.wait()

        def _group(g, _):
            ev = lanes + g * 16
            for h in range(H):
                acc = zero16
                for dd in range(DH):
                    col = jnp.full((16,), h * DH + dd, jnp.int32)
                    qg = plsc.load_gather(qbuf, [ev, col])
                    kg = plsc.load_gather(kbuf, [ev, col])
                    acc = acc + qg * kg
                z = jnp.exp(acc * 0.25)
                plsc.store_scatter(zbuf, [ev, jnp.full((16,), h, jnp.int32)], z)
            return 0
        lax.fori_loop(0, C // 16, _group, 0)

        pltpu.sync_copy(zbuf, wn_sh.at[sidx], add=True)
        pltpu.sync_copy(vbuf, vs_sh.at[sidx], add=True)
        return 0

    lax.fori_loop(0, NCHUNK, _chunk, 0)
    plsc.subcore_barrier()

    @pl.when(sid != NS - 1)
    def _drain_main():
        pltpu.sync_copy(wn_sh.at[pl.ds(sid * DRA, DRA)],
                        wn_out.at[cid, pl.ds(sid * DRA, DRA)])
        pltpu.sync_copy(vs_sh.at[pl.ds(sid * DRA, DRA)],
                        vs_out.at[cid, pl.ds(sid * DRA, DRA)])

    @pl.when(sid == NS - 1)
    def _drain_last():
        pltpu.sync_copy(wn_sh.at[pl.ds((NS - 1) * DRA, DRB)],
                        wn_out.at[cid, pl.ds((NS - 1) * DRA, DRB)])
        pltpu.sync_copy(vs_sh.at[pl.ds((NS - 1) * DRA, DRB)],
                        vs_out.at[cid, pl.ds((NS - 1) * DRA, DRB)])


def _edge_pass(q, k, v, src, tgt):
    mesh = plsc.VectorSubcoreMesh(core_axis_name="c", subcore_axis_name="s")
    fn = pl.kernel(
        _edge_body,
        out_type=(
            jax.ShapeDtypeStruct((NC, N, 16), jnp.float32),
            jax.ShapeDtypeStruct((NC, N, D), jnp.float32),
        ),
        mesh=mesh,
        compiler_params=pltpu.CompilerParams(needs_layout_passes=False,
                                             use_tc_tiling_on_sc=False),
        scratch_types=(
            pltpu.VMEM((C,), jnp.int32),
            pltpu.VMEM((C,), jnp.int32),
            pltpu.VMEM((C, D), jnp.float32),
            pltpu.VMEM((C, D), jnp.float32),
            pltpu.VMEM((C, D), jnp.float32),
            pltpu.VMEM((C, 16), jnp.float32),
            pltpu.VMEM_SHARED((N, 16), jnp.float32),
            pltpu.VMEM_SHARED((N, D), jnp.float32),
            pltpu.SemaphoreType.DMA,
        ),
    )
    return fn(q, k, v, src, tgt)


def _combine_body(x_ref, wnf_ref, wnb_ref, vsb_ref, w1t_ref, b1_ref,
                  w2t_ref, b2_ref, g1_ref, bb1_ref, g2_ref, bb2_ref, y_ref):
    wn_all = wnf_ref[0] + wnf_ref[1]
    zh = jnp.sum(wn_all, axis=0, keepdims=True)
    zh = jnp.maximum(zh, 1e-30)
    attn = (wnb_ref[0] + wnb_ref[1]) / zh
    r16 = lax.broadcasted_iota(jnp.int32, (16, D), 0)
    c16 = lax.broadcasted_iota(jnp.int32, (16, D), 1)
    expand = (c16 // DH == r16).astype(jnp.float32)
    att128 = jnp.dot(attn, expand, preferred_element_type=jnp.float32)
    vs = vsb_ref[0] + vsb_ref[1]
    out = att128 * vs
    xb = x_ref[...]

    def _ln(t, g, b):
        mu = jnp.mean(t, axis=-1, keepdims=True)
        var = jnp.mean((t - mu) ** 2, axis=-1, keepdims=True)
        return (t - mu) * lax.rsqrt(var + 1e-5) * g + b

    h1 = _ln(xb + out, g1_ref[...], bb1_ref[...])
    f = jnp.maximum(jnp.dot(h1, w1t_ref[...],
                            preferred_element_type=jnp.float32) + b1_ref[...], 0.0)
    f = jnp.dot(f, w2t_ref[...], preferred_element_type=jnp.float32) + b2_ref[...]
    y_ref[...] = _ln(h1 + f, g2_ref[...], bb2_ref[...])


def _combine(x2, wn_p, vs_p, w1t, b1, w2t, b2, g1, bb1, g2, bb2):
    grid = N // BN
    full = lambda shape: pl.BlockSpec(shape, lambda i: tuple(0 for _ in shape))
    return pl.pallas_call(
        _combine_body,
        grid=(grid,),
        in_specs=[
            pl.BlockSpec((BN, D), lambda i: (i, 0)),
            full((NC, N, 16)),
            pl.BlockSpec((NC, BN, 16), lambda i: (0, i, 0)),
            pl.BlockSpec((NC, BN, D), lambda i: (0, i, 0)),
            full((D, 4 * D)),
            full((1, 4 * D)),
            full((4 * D, D)),
            full((1, D)),
            full((1, D)),
            full((1, D)),
            full((1, D)),
            full((1, D)),
        ],
        out_specs=pl.BlockSpec((BN, D), lambda i: (i, 0)),
        out_shape=jax.ShapeDtypeStruct((N, D), jnp.float32),
    )(x2, wn_p, wn_p, vs_p, w1t, b1, w2t, b2, g1, bb1, g2, bb2)


def kernel(x, node_indices, src, tgt, W_qkv, b_qkv, W1, b1, W2, b2,
           ln1_g, ln1_b, ln2_g, ln2_b):
    x2 = x.reshape(N, D)
    q, k, v = _qkv_project(x2, W_qkv.T, b_qkv.reshape(1, 3 * D))
    wn_p, vs_p = _edge_pass(q, k, v, src, tgt)
    y = _combine(x2, wn_p, vs_p, W1.T, b1.reshape(1, 4 * D), W2.T,
                 b2.reshape(1, D), ln1_g.reshape(1, D), ln1_b.reshape(1, D),
                 ln2_g.reshape(1, D), ln2_b.reshape(1, D))
    return y.reshape(1, N, D)

# --- scband reference (transcript-rebuilt; emitter-appended) ---
"""Pipeline reference for scband-transformer-block-89180700934786 (READ-ONLY COPY).

The authoritative reference and input builder live on the scoring server;
editing this copy changes nothing except your own understanding.
"""

import jax, jax.numpy as jnp
import numpy as np

N_NODES = 10000
N_EDGES = 320000
D = 128
H = 8
DH = D // H


def layer_norm(x, g, b, eps=1e-5):
    mu = jnp.mean(x, axis=-1, keepdims=True)
    var = jnp.mean((x - mu) ** 2, axis=-1, keepdims=True)
    return (x - mu) / jnp.sqrt(var + eps) * g + b


def setup_inputs(seed: int = 0) -> dict:
    key = jax.random.key(seed)
    ks = jax.random.split(key, 8)
    x = jax.random.normal(ks[0], (1, N_NODES, D), dtype=jnp.float32)
    node_indices = jnp.arange(N_NODES, dtype=jnp.int32)
    # edges derived from adj_matrix.nonzero() in the torch module; here sampled directly
    src = jax.random.randint(ks[1], (N_EDGES,), 0, N_NODES, dtype=jnp.int32)
    tgt = jax.random.randint(ks[2], (N_EDGES,), 0, N_NODES, dtype=jnp.int32)
    W_qkv = jax.random.normal(ks[3], (3 * D, D), dtype=jnp.float32) * 0.02
    b_qkv = jnp.zeros((3 * D,), dtype=jnp.float32)
    W1 = jax.random.normal(ks[4], (4 * D, D), dtype=jnp.float32) * 0.02
    b1 = jnp.zeros((4 * D,), dtype=jnp.float32)
    W2 = jax.random.normal(ks[5], (D, 4 * D), dtype=jnp.float32) * 0.02
    b2 = jnp.zeros((D,), dtype=jnp.float32)
    ln1_g = jnp.ones((D,), dtype=jnp.float32)
    ln1_b = jnp.zeros((D,), dtype=jnp.float32)
    ln2_g = jnp.ones((D,), dtype=jnp.float32)
    ln2_b = jnp.zeros((D,), dtype=jnp.float32)
    return {"x": x, "node_indices": node_indices, "src": src, "tgt": tgt,
            "W_qkv": W_qkv, "b_qkv": b_qkv, "W1": W1, "b1": b1, "W2": W2, "b2": b2,
            "ln1_g": ln1_g, "ln1_b": ln1_b, "ln2_g": ln2_g, "ln2_b": ln2_b}


def reference(x, node_indices, src, tgt, W_qkv, b_qkv, W1, b1, W2, b2, ln1_g, ln1_b, ln2_g, ln2_b):
    num_nodes = x.shape[1]
    # index_map: original node id -> position in x (filter + remap edges)
    pos = jnp.full((N_NODES,), -1, dtype=jnp.int32).at[node_indices].set(
        jnp.arange(num_nodes, dtype=jnp.int32))
    mask = (pos[src] >= 0) & (pos[tgt] >= 0)
    src_mapped = jnp.where(mask, pos[src], 0)
    tgt_mapped = jnp.where(mask, pos[tgt], 0)
    # qkv projection (torch Linear: y = x @ W.T + b)
    qkv = (x @ W_qkv.T + b_qkv).reshape(num_nodes, 3 * D)
    q, k, v = jnp.split(qkv, 3, axis=-1)
    q = q.reshape(num_nodes, H, DH)
    k = k.reshape(num_nodes, H, DH)
    v = v.reshape(num_nodes, H, DH)
    q_edges = q[src_mapped]
    k_edges = k[tgt_mapped]
    attn_scores = (q_edges * k_edges).sum(axis=-1) / (DH ** 0.5)  # (E, H)
    attn_scores = jnp.where(mask[:, None], attn_scores, -jnp.inf)
    # faithful to torch: per-head softmax over ALL edges, then scatter-add per src node,
    # then gather back per edge
    soft = jax.nn.softmax(attn_scores, axis=0)
    soft = jnp.where(mask[:, None], soft, 0.0)
    weights_node = jnp.zeros((num_nodes, H), dtype=x.dtype).at[src_mapped].add(soft)
    attn_weights = jnp.where(mask[:, None], weights_node[src_mapped], 0.0)  # (E, H)
    v_edges = v[tgt_mapped]
    out = jnp.zeros((num_nodes, H, DH), dtype=x.dtype).at[src_mapped].add(
        attn_weights[..., None] * v_edges)
    out = out.reshape(num_nodes, D)
    # dropout is identity in eval mode
    h = layer_norm(x.reshape(num_nodes, D) + out, ln1_g, ln1_b)
    ffn = jnp.maximum(h @ W1.T + b1, 0.0) @ W2.T + b2
    return layer_norm(h + ffn, ln2_g, ln2_b)[None, :, :]

if __name__ == "__main__":
    import jax
    _d = setup_inputs()
    print(jax.jit(kernel)(*tuple(_d.values())))

</pallas_src>

<mosaic_0001>
#map = affine_map<(d0, d1) -> (0, 0)>
#map1 = affine_map<(d0, d1) -> (0)>
#map2 = affine_map<(d0, d1) -> (0, 0, 0)>
module attributes {stable_mosaic.version = 14 : i64} {
  func.func @_edge_body(%arg0: i32, %arg1: i32, %arg2: memref<10000x128xf32, #tpu.memory_space<hbm>>, %arg3: memref<10000x128xf32, #tpu.memory_space<hbm>>, %arg4: memref<10000x128xf32, #tpu.memory_space<hbm>>, %arg5: memref<320000xi32, #tpu.memory_space<hbm>>, %arg6: memref<320000xi32, #tpu.memory_space<hbm>>, %arg7: memref<2x10000x16xf32, #tpu.memory_space<hbm>>, %arg8: memref<2x10000x128xf32, #tpu.memory_space<hbm>>, %arg9: memref<80xi32, #tpu.memory_space<vmem>>, %arg10: memref<80xi32, #tpu.memory_space<vmem>>, %arg11: memref<80x128xf32, #tpu.memory_space<vmem>>, %arg12: memref<80x128xf32, #tpu.memory_space<vmem>>, %arg13: memref<80x128xf32, #tpu.memory_space<vmem>>, %arg14: memref<80x16xf32, #tpu.memory_space<vmem>>, %arg15: memref<10000x16xf32, #tpu.memory_space<vmem_shared>>, %arg16: memref<10000x128xf32, #tpu.memory_space<vmem_shared>>, %arg17: memref<!tpu.dma_semaphore, #tpu.memory_space<semaphore_mem>>) attributes {dimension_semantics = [#tpu.dimension_semantics<core_parallel>, #tpu.dimension_semantics<subcore_parallel>], iteration_bounds = array<i64: 2, 16>, scalar_prefetch = 0 : i64, scratch_operands = 9 : i64, tpu.core_type = #tpu.core_type<sc_vector_subcore>, window_params = [{transform_indices = #map}, {transform_indices = #map}, {transform_indices = #map}, {transform_indices = #map1}, {transform_indices = #map1}, {transform_indices = #map2}, {transform_indices = #map2}]} {
    %broadcast_in_dim3A = arith.constant 0.000000e+00 : f32
    %broadcast_in_dim3A_0 = vector.broadcast %broadcast_in_dim3A : f32 to vector<16xf32>
    %scan3A = arith.constant 0 : i32
    %scan3A_1 = arith.constant 0 : i32
    %scan3A_2 = arith.constant 80 : i32
    %scan3A_3 = arith.addi %scan3A_1, %scan3A_2 : i32
    %scan3A_4 = arith.constant 1 : i32
    %scan3A_5 = scf.for %scan3A_77 = %scan3A_1 to %scan3A_3 step %scan3A_4 iter_args(%scan3A_78 = %scan3A) -> (i32)  : i32 {
      %swap3A = arith.index_cast %scan3A_77 : i32 to index
      %swap3A_79 = arith.constant 0 : index
      %swap3A_80 = tpu.vector_load %arg11[%swap3A, %swap3A_79] {strides = array<i32>} : memref<80x128xf32, #tpu.memory_space<vmem>>, vector<16xf32>,
      tpu.vector_store %arg11[%swap3A, %swap3A_79], %broadcast_in_dim3A_0 {strides = array<i32>} : memref<80x128xf32, #tpu.memory_space<vmem>>, vector<16xf32>,
      %swap3A_81 = arith.index_cast %scan3A_77 : i32 to index
      %swap3A_82 = arith.constant 16 : index
      %swap3A_83 = tpu.vector_load %arg11[%swap3A_81, %swap3A_82] {strides = array<i32>} : memref<80x128xf32, #tpu.memory_space<vmem>>, vector<16xf32>,
      tpu.vector_store %arg11[%swap3A_81, %swap3A_82], %broadcast_in_dim3A_0 {strides = array<i32>} : memref<80x128xf32, #tpu.memory_space<vmem>>, vector<16xf32>,
      %swap3A_84 = arith.index_cast %scan3A_77 : i32 to index
      %swap3A_85 = arith.constant 32 : index
      %swap3A_86 = tpu.vector_load %arg11[%swap3A_84, %swap3A_85] {strides = array<i32>} : memref<80x128xf32, #tpu.memory_space<vmem>>, vector<16xf32>,
      tpu.vector_store %arg11[%swap3A_84, %swap3A_85], %broadcast_in_dim3A_0 {strides = array<i32>} : memref<80x128xf32, #tpu.memory_space<vmem>>, vector<16xf32>,
      %swap3A_87 = arith.index_cast %scan3A_77 : i32 to index
      %swap3A_88 = arith.constant 48 : index
      %swap3A_89 = tpu.vector_load %arg11[%swap3A_87, %swap3A_88] {strides = array<i32>} : memref<80x128xf32, #tpu.memory_space<vmem>>, vector<16xf32>,
      tpu.vector_store %arg11[%swap3A_87, %swap3A_88], %broadcast_in_dim3A_0 {strides = array<i32>} : memref<80x128xf32, #tpu.memory_space<vmem>>, vector<16xf32>,
      %swap3A_90 = arith.index_cast %scan3A_77 : i32 to index
      %swap3A_91 = arith.constant 64 : index
      %swap3A_92 = tpu.vector_load %arg11[%swap3A_90, %swap3A_91] {strides = array<i32>} : memref<80x128xf32, #tpu.memory_space<vmem>>, vector<16xf32>,
      tpu.vector_store %arg11[%swap3A_90, %swap3A_91], %broadcast_in_dim3A_0 {strides = array<i32>} : memref<80x128xf32, #tpu.memory_space<vmem>>, vector<16xf32>,
      %swap3A_93 = arith.index_cast %scan3A_77 : i32 to index
      %swap3A_94 = arith.constant 80 : index
      %swap3A_95 = tpu.vector_load %arg11[%swap3A_93, %swap3A_94] {strides = array<i32>} : memref<80x128xf32, #tpu.memory_space<vmem>>, vector<16xf32>,
      tpu.vector_store %arg11[%swap3A_93, %swap3A_94], %broadcast_in_dim3A_0 {strides = array<i32>} : memref<80x128xf32, #tpu.memory_space<vmem>>, vector<16xf32>,
      %swap3A_96 = arith.index_cast %scan3A_77 : i32 to index
      %swap3A_97 = arith.constant 96 : index
      %swap3A_98 = tpu.vector_load %arg11[%swap3A_96, %swap3A_97] {strides = array<i32>} : memref<80x128xf32, #tpu.memory_space<vmem>>, vector<16xf32>,
      tpu.vector_store %arg11[%swap3A_96, %swap3A_97], %broadcast_in_dim3A_0 {strides = array<i32>} : memref<80x128xf32, #tpu.memory_space<vmem>>, vector<16xf32>,
      %swap3A_99 = arith.index_cast %scan3A_77 : i32 to index
      %swap3A_100 = arith.constant 112 : index
      %swap3A_101 = tpu.vector_load %arg11[%swap3A_99, %swap3A_100] {strides = array<i32>} : memref<80x128xf32, #tpu.memory_space<vmem>>, vector<16xf32>,
      tpu.vector_store %arg11[%swap3A_99, %swap3A_100], %broadcast_in_dim3A_0 {strides = array<i32>} : memref<80x128xf32, #tpu.memory_space<vmem>>, vector<16xf32>,
      %swap3A_102 = arith.index_cast %scan3A_77 : i32 to index
      %swap3A_103 = arith.constant 0 : index
      %swap3A_104 = tpu.vector_load %arg14[%swap3A_102, %swap3A_103] {strides = array<i32>} : memref<80x16xf32, #tpu.memory_space<vmem>>, vector<16xf32>,
      tpu.vector_store %arg14[%swap3A_102, %swap3A_103], %broadcast_in_dim3A_0 {strides = array<i32>} : memref<80x16xf32, #tpu.memory_space<vmem>>, vector<16xf32>,
      %scan3A_105 = arith.constant 0 : i32
      scf.yield %scan3A_105 : i32
    }
    %scan3A_6 = arith.constant 80 : i32
    %add3A = arith.constant 0 : i32
    %add3A_7 = arith.addi %arg1, %add3A : i32
    %lt3A = arith.constant 125 : i32
    %lt3A_8 = arith.cmpi slt, %add3A_7, %lt3A : i32
    %convert_element_type3A = arith.extui %lt3A_8 : i1 to i32
    %cond3A = arith.constant 0 : i32
    %cond3A_9 = arith.cmpi ne, %convert_element_type3A, %cond3A : i32
    scf.if %cond3A_9 {
      %mul3A_77 = arith.constant 80 : i32
      %mul3A_78 = arith.muli %add3A_7, %mul3A_77 : i32
      "tpu.region"() ({
        %run_scoped3A = tpu.sem_alloc : memref<!tpu.dma_semaphore, #tpu.memory_space<semaphore_mem>>
        %dma_start3A = arith.constant 0 : i32
        %dma_start3A_81 = tpu.memref_slice %arg16[%mul3A_78, %dma_start3A] : memref<10000x128xf32, #tpu.memory_space<vmem_shared>> -> memref<80x128xf32, #tpu.memory_space<vmem_shared>>
        %dma_start3A_82 = arith.constant 0 : i32
        %dma_start3A_83 = tpu.memref_slice %arg16[%mul3A_78, %dma_start3A_82] : memref<10000x128xf32, #tpu.memory_space<vmem_shared>> -> memref<80x128xf32, #tpu.memory_space<vmem_shared>>
        tpu.enqueue_dma source(%arg11 : memref<80x128xf32, #tpu.memory_space<vmem>>) target(%dma_start3A_83 : memref<80x128xf32, #tpu.memory_space<vmem_shared>>) target_semaphore(%run_scoped3A : memref<!tpu.dma_semaphore, #tpu.memory_space<semaphore_mem>>)
        %dma_wait3A = arith.constant 0 : i32
        %dma_wait3A_84 = tpu.memref_slice %arg16[%mul3A_78, %dma_wait3A] : memref<10000x128xf32, #tpu.memory_space<vmem_shared>> -> memref<80x128xf32, #tpu.memory_space<vmem_shared>>
        %dma_wait3A_85 = arith.constant 0 : i32
        %dma_wait3A_86 = tpu.memref_slice %arg16[%mul3A_78, %dma_wait3A_85] : memref<10000x128xf32, #tpu.memory_space<vmem_shared>> -> memref<80x128xf32, #tpu.memory_space<vmem_shared>>
        tpu.wait_dma2 semaphore(%run_scoped3A : memref<!tpu.dma_semaphore, #tpu.memory_space<semaphore_mem>>) src(%arg11 : memref<80x128xf32, #tpu.memory_space<vmem>>) dst(%dma_wait3A_86 : memref<80x128xf32, #tpu.memory_space<vmem_shared>>)
        tpu.yield
      }) : () -> ()
      %mul3A_79 = arith.constant 80 : i32
      %mul3A_80 = arith.muli %add3A_7, %mul3A_79 : i32
      "tpu.region"() ({
        %run_scoped3A = tpu.sem_alloc : memref<!tpu.dma_semaphore, #tpu.memory_space<semaphore_mem>>
        %dma_start3A = arith.constant 0 : i32
        %dma_start3A_81 = tpu.memref_slice %arg15[%mul3A_80, %dma_start3A] : memref<10000x16xf32, #tpu.memory_space<vmem_shared>> -> memref<80x16xf32, #tpu.memory_space<vmem_shared>>
        %dma_start3A_82 = arith.constant 0 : i32
        %dma_start3A_83 = tpu.memref_slice %arg15[%mul3A_80, %dma_start3A_82] : memref<10000x16xf32, #tpu.memory_space<vmem_shared>> -> memref<80x16xf32, #tpu.memory_space<vmem_shared>>
        tpu.enqueue_dma source(%arg14 : memref<80x16xf32, #tpu.memory_space<vmem>>) target(%dma_start3A_83 : memref<80x16xf32, #tpu.memory_space<vmem_shared>>) target_semaphore(%run_scoped3A : memref<!tpu.dma_semaphore, #tpu.memory_space<semaphore_mem>>)
        %dma_wait3A = arith.constant 0 : i32
        %dma_wait3A_84 = tpu.memref_slice %arg15[%mul3A_80, %dma_wait3A] : memref<10000x16xf32, #tpu.memory_space<vmem_shared>> -> memref<80x16xf32, #tpu.memory_space<vmem_shared>>
        %dma_wait3A_85 = arith.constant 0 : i32
        %dma_wait3A_86 = tpu.memref_slice %arg15[%mul3A_80, %dma_wait3A_85] : memref<10000x16xf32, #tpu.memory_space<vmem_shared>> -> memref<80x16xf32, #tpu.memory_space<vmem_shared>>
        tpu.wait_dma2 semaphore(%run_scoped3A : memref<!tpu.dma_semaphore, #tpu.memory_space<semaphore_mem>>) src(%arg14 : memref<80x16xf32, #tpu.memory_space<vmem>>) dst(%dma_wait3A_86 : memref<80x16xf32, #tpu.memory_space<vmem_shared>>)
        tpu.yield
      }) : () -> ()
    } else {
    }
    %add3A_10 = arith.constant 16 : i32
    %add3A_11 = arith.addi %arg1, %add3A_10 : i32
    %lt3A_12 = arith.constant 125 : i32
    %lt3A_13 = arith.cmpi slt, %add3A_11, %lt3A_12 : i32
    %convert_element_type3A_14 = arith.extui %lt3A_13 : i1 to i32
    %cond3A_15 = arith.constant 0 : i32
    %cond3A_16 = arith.cmpi ne, %convert_element_type3A_14, %cond3A_15 : i32
    scf.if %cond3A_16 {
      %mul3A_77 = arith.constant 80 : i32
      %mul3A_78 = arith.muli %add3A_11, %mul3A_77 : i32
      "tpu.region"() ({
        %run_scoped3A = tpu.sem_alloc : memref<!tpu.dma_semaphore, #tpu.memory_space<semaphore_mem>>
        %dma_start3A = arith.constant 0 : i32
        %dma_start3A_81 = tpu.memref_slice %arg16[%mul3A_78, %dma_start3A] : memref<10000x128xf32, #tpu.memory_space<vmem_shared>> -> memref<80x128xf32, #tpu.memory_space<vmem_shared>>
        %dma_start3A_82 = arith.constant 0 : i32
        %dma_start3A_83 = tpu.memref_slice %arg16[%mul3A_78, %dma_start3A_82] : memref<10000x128xf32, #tpu.memory_space<vmem_shared>> -> memref<80x128xf32, #tpu.memory_space<vmem_shared>>
        tpu.enqueue_dma source(%arg11 : memref<80x128xf32, #tpu.memory_space<vmem>>) target(%dma_start3A_83 : memref<80x128xf32, #tpu.memory_space<vmem_shared>>) target_semaphore(%run_scoped3A : memref<!tpu.dma_semaphore, #tpu.memory_space<semaphore_mem>>)
        %dma_wait3A = arith.constant 0 : i32
        %dma_wait3A_84 = tpu.memref_slice %arg16[%mul3A_78, %dma_wait3A] : memref<10000x128xf32, #tpu.memory_space<vmem_shared>> -> memref<80x128xf32, #tpu.memory_space<vmem_shared>>
        %dma_wait3A_85 = arith.constant 0 : i32
        %dma_wait3A_86 = tpu.memref_slice %arg16[%mul3A_78, %dma_wait3A_85] : memref<10000x128xf32, #tpu.memory_space<vmem_shared>> -> memref<80x128xf32, #tpu.memory_space<vmem_shared>>
        tpu.wait_dma2 semaphore(%run_scoped3A : memref<!tpu.dma_semaphore, #tpu.memory_space<semaphore_mem>>) src(%arg11 : memref<80x128xf32, #tpu.memory_space<vmem>>) dst(%dma_wait3A_86 : memref<80x128xf32, #tpu.memory_space<vmem_shared>>)
        tpu.yield
      }) : () -> ()
      %mul3A_79 = arith.constant 80 : i32
      %mul3A_80 = arith.muli %add3A_11, %mul3A_79 : i32
      "tpu.region"() ({
        %run_scoped3A = tpu.sem_alloc : memref<!tpu.dma_semaphore, #tpu.memory_space<semaphore_mem>>
        %dma_start3A = arith.constant 0 : i32
        %dma_start3A_81 = tpu.memref_slice %arg15[%mul3A_80, %dma_start3A] : memref<10000x16xf32, #tpu.memory_space<vmem_shared>> -> memref<80x16xf32, #tpu.memory_space<vmem_shared>>
        %dma_start3A_82 = arith.constant 0 : i32
        %dma_start3A_83 = tpu.memref_slice %arg15[%mul3A_80, %dma_start3A_82] : memref<10000x16xf32, #tpu.memory_space<vmem_shared>> -> memref<80x16xf32, #tpu.memory_space<vmem_shared>>
        tpu.enqueue_dma source(%arg14 : memref<80x16xf32, #tpu.memory_space<vmem>>) target(%dma_start3A_83 : memref<80x16xf32, #tpu.memory_space<vmem_shared>>) target_semaphore(%run_scoped3A : memref<!tpu.dma_semaphore, #tpu.memory_space<semaphore_mem>>)
        %dma_wait3A = arith.constant 0 : i32
        %dma_wait3A_84 = tpu.memref_slice %arg15[%mul3A_80, %dma_wait3A] : memref<10000x16xf32, #tpu.memory_space<vmem_shared>> -> memref<80x16xf32, #tpu.memory_space<vmem_shared>>
        %dma_wait3A_85 = arith.constant 0 : i32
        %dma_wait3A_86 = tpu.memref_slice %arg15[%mul3A_80, %dma_wait3A_85] : memref<10000x16xf32, #tpu.memory_space<vmem_shared>> -> memref<80x16xf32, #tpu.memory_space<vmem_shared>>
        tpu.wait_dma2 semaphore(%run_scoped3A : memref<!tpu.dma_semaphore, #tpu.memory_space<semaphore_mem>>) src(%arg14 : memref<80x16xf32, #tpu.memory_space<vmem>>) dst(%dma_wait3A_86 : memref<80x16xf32, #tpu.memory_space<vmem_shared>>)
        tpu.yield
      }) : () -> ()
    } else {
    }
    %add3A_17 = arith.constant 32 : i32
    %add3A_18 = arith.addi %arg1, %add3A_17 : i32
    %lt3A_19 = arith.constant 125 : i32
    %lt3A_20 = arith.cmpi slt, %add3A_18, %lt3A_19 : i32
    %convert_element_type3A_21 = arith.extui %lt3A_20 : i1 to i32
    %cond3A_22 = arith.constant 0 : i32
    %cond3A_23 = arith.cmpi ne, %convert_element_type3A_21, %cond3A_22 : i32
    scf.if %cond3A_23 {
      %mul3A_77 = arith.constant 80 : i32
      %mul3A_78 = arith.muli %add3A_18, %mul3A_77 : i32
      "tpu.region"() ({
        %run_scoped3A = tpu.sem_alloc : memref<!tpu.dma_semaphore, #tpu.memory_space<semaphore_mem>>
        %dma_start3A = arith.constant 0 : i32
        %dma_start3A_81 = tpu.memref_slice %arg16[%mul3A_78, %dma_start3A] : memref<10000x128xf32, #tpu.memory_space<vmem_shared>> -> memref<80x128xf32, #tpu.memory_space<vmem_shared>>
        %dma_start3A_82 = arith.constant 0 : i32
        %dma_start3A_83 = tpu.memref_slice %arg16[%mul3A_78, %dma_start3A_82] : memref<10000x128xf32, #tpu.memory_space<vmem_shared>> -> memref<80x128xf32, #tpu.memory_space<vmem_shared>>
        tpu.enqueue_dma source(%arg11 : memref<80x128xf32, #tpu.memory_space<vmem>>) target(%dma_start3A_83 : memref<80x128xf32, #tpu.memory_space<vmem_shared>>) target_semaphore(%run_scoped3A : memref<!tpu.dma_semaphore, #tpu.memory_space<semaphore_mem>>)
        %dma_wait3A = arith.constant 0 : i32
        %dma_wait3A_84 = tpu.memref_slice %arg16[%mul3A_78, %dma_wait3A] : memref<10000x128xf32, #tpu.memory_space<vmem_shared>> -> memref<80x128xf32, #tpu.memory_space<vmem_shared>>
        %dma_wait3A_85 = arith.constant 0 : i32
        %dma_wait3A_86 = tpu.memref_slice %arg16[%mul3A_78, %dma_wait3A_85] : memref<10000x128xf32, #tpu.memory_space<vmem_shared>> -> memref<80x128xf32, #tpu.memory_space<vmem_shared>>
        tpu.wait_dma2 semaphore(%run_scoped3A : memref<!tpu.dma_semaphore, #tpu.memory_space<semaphore_mem>>) src(%arg11 : memref<80x128xf32, #tpu.memory_space<vmem>>) dst(%dma_wait3A_86 : memref<80x128xf32, #tpu.memory_space<vmem_shared>>)
        tpu.yield
      }) : () -> ()
      %mul3A_79 = arith.constant 80 : i32
      %mul3A_80 = arith.muli %add3A_18, %mul3A_79 : i32
      "tpu.region"() ({
        %run_scoped3A = tpu.sem_alloc : memref<!tpu.dma_semaphore, #tpu.memory_space<semaphore_mem>>
        %dma_start3A = arith.constant 0 : i32
        %dma_start3A_81 = tpu.memref_slice %arg15[%mul3A_80, %dma_start3A] : memref<10000x16xf32, #tpu.memory_space<vmem_shared>> -> memref<80x16xf32, #tpu.memory_space<vmem_shared>>
        %dma_start3A_82 = arith.constant 0 : i32
        %dma_start3A_83 = tpu.memref_slice %arg15[%mul3A_80, %dma_start3A_82] : memref<10000x16xf32, #tpu.memory_space<vmem_shared>> -> memref<80x16xf32, #tpu.memory_space<vmem_shared>>
        tpu.enqueue_dma source(%arg14 : memref<80x16xf32, #tpu.memory_space<vmem>>) target(%dma_start3A_83 : memref<80x16xf32, #tpu.memory_space<vmem_shared>>) target_semaphore(%run_scoped3A : memref<!tpu.dma_semaphore, #tpu.memory_space<semaphore_mem>>)
        %dma_wait3A = arith.constant 0 : i32
        %dma_wait3A_84 = tpu.memref_slice %arg15[%mul3A_80, %dma_wait3A] : memref<10000x16xf32, #tpu.memory_space<vmem_shared>> -> memref<80x16xf32, #tpu.memory_space<vmem_shared>>
        %dma_wait3A_85 = arith.constant 0 : i32
        %dma_wait3A_86 = tpu.memref_slice %arg15[%mul3A_80, %dma_wait3A_85] : memref<10000x16xf32, #tpu.memory_space<vmem_shared>> -> memref<80x16xf32, #tpu.memory_space<vmem_shared>>
        tpu.wait_dma2 semaphore(%run_scoped3A : memref<!tpu.dma_semaphore, #tpu.memory_space<semaphore_mem>>) src(%arg14 : memref<80x16xf32, #tpu.memory_space<vmem>>) dst(%dma_wait3A_86 : memref<80x16xf32, #tpu.memory_space<vmem_shared>>)
        tpu.yield
      }) : () -> ()
    } else {
    }
    %add3A_24 = arith.constant 48 : i32
    %add3A_25 = arith.addi %arg1, %add3A_24 : i32
    %lt3A_26 = arith.constant 125 : i32
    %lt3A_27 = arith.cmpi slt, %add3A_25, %lt3A_26 : i32
    %convert_element_type3A_28 = arith.extui %lt3A_27 : i1 to i32
    %cond3A_29 = arith.constant 0 : i32
    %cond3A_30 = arith.cmpi ne, %convert_element_type3A_28, %cond3A_29 : i32
    scf.if %cond3A_30 {
      %mul3A_77 = arith.constant 80 : i32
      %mul3A_78 = arith.muli %add3A_25, %mul3A_77 : i32
      "tpu.region"() ({
        %run_scoped3A = tpu.sem_alloc : memref<!tpu.dma_semaphore, #tpu.memory_space<semaphore_mem>>
        %dma_start3A = arith.constant 0 : i32
        %dma_start3A_81 = tpu.memref_slice %arg16[%mul3A_78, %dma_start3A] : memref<10000x128xf32, #tpu.memory_space<vmem_shared>> -> memref<80x128xf32, #tpu.memory_space<vmem_shared>>
        %dma_start3A_82 = arith.constant 0 : i32
        %dma_start3A_83 = tpu.memref_slice %arg16[%mul3A_78, %dma_start3A_82] : memref<10000x128xf32, #tpu.memory_space<vmem_shared>> -> memref<80x128xf32, #tpu.memory_space<vmem_shared>>
        tpu.enqueue_dma source(%arg11 : memref<80x128xf32, #tpu.memory_space<vmem>>) target(%dma_start3A_83 : memref<80x128xf32, #tpu.memory_space<vmem_shared>>) target_semaphore(%run_scoped3A : memref<!tpu.dma_semaphore, #tpu.memory_space<semaphore_mem>>)
        %dma_wait3A = arith.constant 0 : i32
        %dma_wait3A_84 = tpu.memref_slice %arg16[%mul3A_78, %dma_wait3A] : memref<10000x128xf32, #tpu.memory_space<vmem_shared>> -> memref<80x128xf32, #tpu.memory_space<vmem_shared>>
        %dma_wait3A_85 = arith.constant 0 : i32
        %dma_wait3A_86 = tpu.memref_slice %arg16[%mul3A_78, %dma_wait3A_85] : memref<10000x128xf32, #tpu.memory_space<vmem_shared>> -> memref<80x128xf32, #tpu.memory_space<vmem_shared>>
        tpu.wait_dma2 semaphore(%run_scoped3A : memref<!tpu.dma_semaphore, #tpu.memory_space<semaphore_mem>>) src(%arg11 : memref<80x128xf32, #tpu.memory_space<vmem>>) dst(%dma_wait3A_86 : memref<80x128xf32, #tpu.memory_space<vmem_shared>>)
        tpu.yield
      }) : () -> ()
      %mul3A_79 = arith.constant 80 : i32
      %mul3A_80 = arith.muli %add3A_25, %mul3A_79 : i32
      "tpu.region"() ({
        %run_scoped3A = tpu.sem_alloc : memref<!tpu.dma_semaphore, #tpu.memory_space<semaphore_mem>>
        %dma_start3A = arith.constant 0 : i32
        %dma_start3A_81 = tpu.memref_slice %arg15[%mul3A_80, %dma_start3A] : memref<10000x16xf32, #tpu.memory_space<vmem_shared>> -> memref<80x16xf32, #tpu.memory_space<vmem_shared>>
        %dma_start3A_82 = arith.constant 0 : i32
        %dma_start3A_83 = tpu.memref_slice %arg15[%mul3A_80, %dma_start3A_82] : memref<10000x16xf32, #tpu.memory_space<vmem_shared>> -> memref<80x16xf32, #tpu.memory_space<vmem_shared>>
        tpu.enqueue_dma source(%arg14 : memref<80x16xf32, #tpu.memory_space<vmem>>) target(%dma_start3A_83 : memref<80x16xf32, #tpu.memory_space<vmem_shared>>) target_semaphore(%run_scoped3A : memref<!tpu.dma_semaphore, #tpu.memory_space<semaphore_mem>>)
        %dma_wait3A = arith.constant 0 : i32
        %dma_wait3A_84 = tpu.memref_slice %arg15[%mul3A_80, %dma_wait3A] : memref<10000x16xf32, #tpu.memory_space<vmem_shared>> -> memref<80x16xf32, #tpu.memory_space<vmem_shared>>
        %dma_wait3A_85 = arith.constant 0 : i32
        %dma_wait3A_86 = tpu.memref_slice %arg15[%mul3A_80, %dma_wait3A_85] : memref<10000x16xf32, #tpu.memory_space<vmem_shared>> -> memref<80x16xf32, #tpu.memory_space<vmem_shared>>
        tpu.wait_dma2 semaphore(%run_scoped3A : memref<!tpu.dma_semaphore, #tpu.memory_space<semaphore_mem>>) src(%arg14 : memref<80x16xf32, #tpu.memory_space<vmem>>) dst(%dma_wait3A_86 : memref<80x16xf32, #tpu.memory_space<vmem_shared>>)
        tpu.yield
      }) : () -> ()
    } else {
    }
    %add3A_31 = arith.constant 64 : i32
    %add3A_32 = arith.addi %arg1, %add3A_31 : i32
    %lt3A_33 = arith.constant 125 : i32
    %lt3A_34 = arith.cmpi slt, %add3A_32, %lt3A_33 : i32
    %convert_element_type3A_35 = arith.extui %lt3A_34 : i1 to i32
    %cond3A_36 = arith.constant 0 : i32
    %cond3A_37 = arith.cmpi ne, %convert_element_type3A_35, %cond3A_36 : i32
    scf.if %cond3A_37 {
      %mul3A_77 = arith.constant 80 : i32
      %mul3A_78 = arith.muli %add3A_32, %mul3A_77 : i32
      "tpu.region"() ({
        %run_scoped3A = tpu.sem_alloc : memref<!tpu.dma_semaphore, #tpu.memory_space<semaphore_mem>>
        %dma_start3A = arith.constant 0 : i32
        %dma_start3A_81 = tpu.memref_slice %arg16[%mul3A_78, %dma_start3A] : memref<10000x128xf32, #tpu.memory_space<vmem_shared>> -> memref<80x128xf32, #tpu.memory_space<vmem_shared>>
        %dma_start3A_82 = arith.constant 0 : i32
        %dma_start3A_83 = tpu.memref_slice %arg16[%mul3A_78, %dma_start3A_82] : memref<10000x128xf32, #tpu.memory_space<vmem_shared>> -> memref<80x128xf32, #tpu.memory_space<vmem_shared>>
        tpu.enqueue_dma source(%arg11 : memref<80x128xf32, #tpu.memory_space<vmem>>) target(%dma_start3A_83 : memref<80x128xf32, #tpu.memory_space<vmem_shared>>) target_semaphore(%run_scoped3A : memref<!tpu.dma_semaphore, #tpu.memory_space<semaphore_mem>>)
        %dma_wait3A = arith.constant 0 : i32
        %dma_wait3A_84 = tpu.memref_slice %arg16[%mul3A_78, %dma_wait3A] : memref<10000x128xf32, #tpu.memory_space<vmem_shared>> -> memref<80x128xf32, #tpu.memory_space<vmem_shared>>
        %dma_wait3A_85 = arith.constant 0 : i32
        %dma_wait3A_86 = tpu.memref_slice %arg16[%mul3A_78, %dma_wait3A_85] : memref<10000x128xf32, #tpu.memory_space<vmem_shared>> -> memref<80x128xf32, #tpu.memory_space<vmem_shared>>
        tpu.wait_dma2 semaphore(%run_scoped3A : memref<!tpu.dma_semaphore, #tpu.memory_space<semaphore_mem>>) src(%arg11 : memref<80x128xf32, #tpu.memory_space<vmem>>) dst(%dma_wait3A_86 : memref<80x128xf32, #tpu.memory_space<vmem_shared>>)
        tpu.yield
      }) : () -> ()
      %mul3A_79 = arith.constant 80 : i32
      %mul3A_80 = arith.muli %add3A_32, %mul3A_79 : i32
      "tpu.region"() ({
        %run_scoped3A = tpu.sem_alloc : memref<!tpu.dma_semaphore, #tpu.memory_space<semaphore_mem>>
        %dma_start3A = arith.constant 0 : i32
        %dma_start3A_81 = tpu.memref_slice %arg15[%mul3A_80, %dma_start3A] : memref<10000x16xf32, #tpu.memory_space<vmem_shared>> -> memref<80x16xf32, #tpu.memory_space<vmem_shared>>
        %dma_start3A_82 = arith.constant 0 : i32
        %dma_start3A_83 = tpu.memref_slice %arg15[%mul3A_80, %dma_start3A_82] : memref<10000x16xf32, #tpu.memory_space<vmem_shared>> -> memref<80x16xf32, #tpu.memory_space<vmem_shared>>
        tpu.enqueue_dma source(%arg14 : memref<80x16xf32, #tpu.memory_space<vmem>>) target(%dma_start3A_83 : memref<80x16xf32, #tpu.memory_space<vmem_shared>>) target_semaphore(%run_scoped3A : memref<!tpu.dma_semaphore, #tpu.memory_space<semaphore_mem>>)
        %dma_wait3A = arith.constant 0 : i32
        %dma_wait3A_84 = tpu.memref_slice %arg15[%mul3A_80, %dma_wait3A] : memref<10000x16xf32, #tpu.memory_space<vmem_shared>> -> memref<80x16xf32, #tpu.memory_space<vmem_shared>>
        %dma_wait3A_85 = arith.constant 0 : i32
        %dma_wait3A_86 = tpu.memref_slice %arg15[%mul3A_80, %dma_wait3A_85] : memref<10000x16xf32, #tpu.memory_space<vmem_shared>> -> memref<80x16xf32, #tpu.memory_space<vmem_shared>>
        tpu.wait_dma2 semaphore(%run_scoped3A : memref<!tpu.dma_semaphore, #tpu.memory_space<semaphore_mem>>) src(%arg14 : memref<80x16xf32, #tpu.memory_space<vmem>>) dst(%dma_wait3A_86 : memref<80x16xf32, #tpu.memory_space<vmem_shared>>)
        tpu.yield
      }) : () -> ()
    } else {
    }
    %add3A_38 = arith.constant 80 : i32
    %add3A_39 = arith.addi %arg1, %add3A_38 : i32
    %lt3A_40 = arith.constant 125 : i32
    %lt3A_41 = arith.cmpi slt, %add3A_39, %lt3A_40 : i32
    %convert_element_type3A_42 = arith.extui %lt3A_41 : i1 to i32
    %cond3A_43 = arith.constant 0 : i32
    %cond3A_44 = arith.cmpi ne, %convert_element_type3A_42, %cond3A_43 : i32
    scf.if %cond3A_44 {
      %mul3A_77 = arith.constant 80 : i32
      %mul3A_78 = arith.muli %add3A_39, %mul3A_77 : i32
      "tpu.region"() ({
        %run_scoped3A = tpu.sem_alloc : memref<!tpu.dma_semaphore, #tpu.memory_space<semaphore_mem>>
        %dma_start3A = arith.constant 0 : i32
        %dma_start3A_81 = tpu.memref_slice %arg16[%mul3A_78, %dma_start3A] : memref<10000x128xf32, #tpu.memory_space<vmem_shared>> -> memref<80x128xf32, #tpu.memory_space<vmem_shared>>
        %dma_start3A_82 = arith.constant 0 : i32
        %dma_start3A_83 = tpu.memref_slice %arg16[%mul3A_78, %dma_start3A_82] : memref<10000x128xf32, #tpu.memory_space<vmem_shared>> -> memref<80x128xf32, #tpu.memory_space<vmem_shared>>
        tpu.enqueue_dma source(%arg11 : memref<80x128xf32, #tpu.memory_space<vmem>>) target(%dma_start3A_83 : memref<80x128xf32, #tpu.memory_space<vmem_shared>>) target_semaphore(%run_scoped3A : memref<!tpu.dma_semaphore, #tpu.memory_space<semaphore_mem>>)
        %dma_wait3A = arith.constant 0 : i32
        %dma_wait3A_84 = tpu.memref_slice %arg16[%mul3A_78, %dma_wait3A] : memref<10000x128xf32, #tpu.memory_space<vmem_shared>> -> memref<80x128xf32, #tpu.memory_space<vmem_shared>>
        %dma_wait3A_85 = arith.constant 0 : i32
        %dma_wait3A_86 = tpu.memref_slice %arg16[%mul3A_78, %dma_wait3A_85] : memref<10000x128xf32, #tpu.memory_space<vmem_shared>> -> memref<80x128xf32, #tpu.memory_space<vmem_shared>>
        tpu.wait_dma2 semaphore(%run_scoped3A : memref<!tpu.dma_semaphore, #tpu.memory_space<semaphore_mem>>) src(%arg11 : memref<80x128xf32, #tpu.memory_space<vmem>>) dst(%dma_wait3A_86 : memref<80x128xf32, #tpu.memory_space<vmem_shared>>)
        tpu.yield
      }) : () -> ()
      %mul3A_79 = arith.constant 80 : i32
      %mul3A_80 = arith.muli %add3A_39, %mul3A_79 : i32
      "tpu.region"() ({
        %run_scoped3A = tpu.sem_alloc : memref<!tpu.dma_semaphore, #tpu.memory_space<semaphore_mem>>
        %dma_start3A = arith.constant 0 : i32
        %dma_start3A_81 = tpu.memref_slice %arg15[%mul3A_80, %dma_start3A] : memref<10000x16xf32, #tpu.memory_space<vmem_shared>> -> memref<80x16xf32, #tpu.memory_space<vmem_shared>>
        %dma_start3A_82 = arith.constant 0 : i32
        %dma_start3A_83 = tpu.memref_slice %arg15[%mul3A_80, %dma_start3A_82] : memref<10000x16xf32, #tpu.memory_space<vmem_shared>> -> memref<80x16xf32, #tpu.memory_space<vmem_shared>>
        tpu.enqueue_dma source(%arg14 : memref<80x16xf32, #tpu.memory_space<vmem>>) target(%dma_start3A_83 : memref<80x16xf32, #tpu.memory_space<vmem_shared>>) target_semaphore(%run_scoped3A : memref<!tpu.dma_semaphore, #tpu.memory_space<semaphore_mem>>)
        %dma_wait3A = arith.constant 0 : i32
        %dma_wait3A_84 = tpu.memref_slice %arg15[%mul3A_80, %dma_wait3A] : memref<10000x16xf32, #tpu.memory_space<vmem_shared>> -> memref<80x16xf32, #tpu.memory_space<vmem_shared>>
        %dma_wait3A_85 = arith.constant 0 : i32
        %dma_wait3A_86 = tpu.memref_slice %arg15[%mul3A_80, %dma_wait3A_85] : memref<10000x16xf32, #tpu.memory_space<vmem_shared>> -> memref<80x16xf32, #tpu.memory_space<vmem_shared>>
        tpu.wait_dma2 semaphore(%run_scoped3A : memref<!tpu.dma_semaphore, #tpu.memory_space<semaphore_mem>>) src(%arg14 : memref<80x16xf32, #tpu.memory_space<vmem>>) dst(%dma_wait3A_86 : memref<80x16xf32, #tpu.memory_space<vmem_shared>>)
        tpu.yield
      }) : () -> ()
    } else {
    }
    %add3A_45 = arith.constant 96 : i32
    %add3A_46 = arith.addi %arg1, %add3A_45 : i32
    %lt3A_47 = arith.constant 125 : i32
    %lt3A_48 = arith.cmpi slt, %add3A_46, %lt3A_47 : i32
    %convert_element_type3A_49 = arith.extui %lt3A_48 : i1 to i32
    %cond3A_50 = arith.constant 0 : i32
    %cond3A_51 = arith.cmpi ne, %convert_element_type3A_49, %cond3A_50 : i32
    scf.if %cond3A_51 {
      %mul3A_77 = arith.constant 80 : i32
      %mul3A_78 = arith.muli %add3A_46, %mul3A_77 : i32
      "tpu.region"() ({
        %run_scoped3A = tpu.sem_alloc : memref<!tpu.dma_semaphore, #tpu.memory_space<semaphore_mem>>
        %dma_start3A = arith.constant 0 : i32
        %dma_start3A_81 = tpu.memref_slice %arg16[%mul3A_78, %dma_start3A] : memref<10000x128xf32, #tpu.memory_space<vmem_shared>> -> memref<80x128xf32, #tpu.memory_space<vmem_shared>>
        %dma_start3A_82 = arith.constant 0 : i32
        %dma_start3A_83 = tpu.memref_slice %arg16[%mul3A_78, %dma_start3A_82] : memref<10000x128xf32, #tpu.memory_space<vmem_shared>> -> memref<80x128xf32, #tpu.memory_space<vmem_shared>>
        tpu.enqueue_dma source(%arg11 : memref<80x128xf32, #tpu.memory_space<vmem>>) target(%dma_start3A_83 : memref<80x128xf32, #tpu.memory_space<vmem_shared>>) target_semaphore(%run_scoped3A : memref<!tpu.dma_semaphore, #tpu.memory_space<semaphore_mem>>)
        %dma_wait3A = arith.constant 0 : i32
        %dma_wait3A_84 = tpu.memref_slice %arg16[%mul3A_78, %dma_wait3A] : memref<10000x128xf32, #tpu.memory_space<vmem_shared>> -> memref<80x128xf32, #tpu.memory_space<vmem_shared>>
        %dma_wait3A_85 = arith.constant 0 : i32
        %dma_wait3A_86 = tpu.memref_slice %arg16[%mul3A_78, %dma_wait3A_85] : memref<10000x128xf32, #tpu.memory_space<vmem_shared>> -> memref<80x128xf32, #tpu.memory_space<vmem_shared>>
        tpu.wait_dma2 semaphore(%run_scoped3A : memref<!tpu.dma_semaphore, #tpu.memory_space<semaphore_mem>>) src(%arg11 : memref<80x128xf32, #tpu.memory_space<vmem>>) dst(%dma_wait3A_86 : memref<80x128xf32, #tpu.memory_space<vmem_shared>>)
        tpu.yield
      }) : () -> ()
      %mul3A_79 = arith.constant 80 : i32
      %mul3A_80 = arith.muli %add3A_46, %mul3A_79 : i32
      "tpu.region"() ({
        %run_scoped3A = tpu.sem_alloc : memref<!tpu.dma_semaphore, #tpu.memory_space<semaphore_mem>>
        %dma_start3A = arith.constant 0 : i32
        %dma_start3A_81 = tpu.memref_slice %arg15[%mul3A_80, %dma_start3A] : memref<10000x16xf32, #tpu.memory_space<vmem_shared>> -> memref<80x16xf32, #tpu.memory_space<vmem_shared>>
        %dma_start3A_82 = arith.constant 0 : i32
        %dma_start3A_83 = tpu.memref_slice %arg15[%mul3A_80, %dma_start3A_82] : memref<10000x16xf32, #tpu.memory_space<vmem_shared>> -> memref<80x16xf32, #tpu.memory_space<vmem_shared>>
        tpu.enqueue_dma source(%arg14 : memref<80x16xf32, #tpu.memory_space<vmem>>) target(%dma_start3A_83 : memref<80x16xf32, #tpu.memory_space<vmem_shared>>) target_semaphore(%run_scoped3A : memref<!tpu.dma_semaphore, #tpu.memory_space<semaphore_mem>>)
        %dma_wait3A = arith.constant 0 : i32
        %dma_wait3A_84 = tpu.memref_slice %arg15[%mul3A_80, %dma_wait3A] : memref<10000x16xf32, #tpu.memory_space<vmem_shared>> -> memref<80x16xf32, #tpu.memory_space<vmem_shared>>
        %dma_wait3A_85 = arith.constant 0 : i32
        %dma_wait3A_86 = tpu.memref_slice %arg15[%mul3A_80, %dma_wait3A_85] : memref<10000x16xf32, #tpu.memory_space<vmem_shared>> -> memref<80x16xf32, #tpu.memory_space<vmem_shared>>
        tpu.wait_dma2 semaphore(%run_scoped3A : memref<!tpu.dma_semaphore, #tpu.memory_space<semaphore_mem>>) src(%arg14 : memref<80x16xf32, #tpu.memory_space<vmem>>) dst(%dma_wait3A_86 : memref<80x16xf32, #tpu.memory_space<vmem_shared>>)
        tpu.yield
      }) : () -> ()
    } else {
    }
    %add3A_52 = arith.constant 112 : i32
    %add3A_53 = arith.addi %arg1, %add3A_52 : i32
    %lt3A_54 = arith.constant 125 : i32
    %lt3A_55 = arith.cmpi slt, %add3A_53, %lt3A_54 : i32
    %convert_element_type3A_56 = arith.extui %lt3A_55 : i1 to i32
    %cond3A_57 = arith.constant 0 : i32
    %cond3A_58 = arith.cmpi ne, %convert_element_type3A_56, %cond3A_57 : i32
    scf.if %cond3A_58 {
      %mul3A_77 = arith.constant 80 : i32
      %mul3A_78 = arith.muli %add3A_53, %mul3A_77 : i32
      "tpu.region"() ({
        %run_scoped3A = tpu.sem_alloc : memref<!tpu.dma_semaphore, #tpu.memory_space<semaphore_mem>>
        %dma_start3A = arith.constant 0 : i32
        %dma_start3A_81 = tpu.memref_slice %arg16[%mul3A_78, %dma_start3A] : memref<10000x128xf32, #tpu.memory_space<vmem_shared>> -> memref<80x128xf32, #tpu.memory_space<vmem_shared>>
        %dma_start3A_82 = arith.constant 0 : i32
        %dma_start3A_83 = tpu.memref_slice %arg16[%mul3A_78, %dma_start3A_82] : memref<10000x128xf32, #tpu.memory_space<vmem_shared>> -> memref<80x128xf32, #tpu.memory_space<vmem_shared>>
        tpu.enqueue_dma source(%arg11 : memref<80x128xf32, #tpu.memory_space<vmem>>) target(%dma_start3A_83 : memref<80x128xf32, #tpu.memory_space<vmem_shared>>) target_semaphore(%run_scoped3A : memref<!tpu.dma_semaphore, #tpu.memory_space<semaphore_mem>>)
        %dma_wait3A = arith.constant 0 : i32
        %dma_wait3A_84 = tpu.memref_slice %arg16[%mul3A_78, %dma_wait3A] : memref<10000x128xf32, #tpu.memory_space<vmem_shared>> -> memref<80x128xf32, #tpu.memory_space<vmem_shared>>
        %dma_wait3A_85 = arith.constant 0 : i32
        %dma_wait3A_86 = tpu.memref_slice %arg16[%mul3A_78, %dma_wait3A_85] : memref<10000x128xf32, #tpu.memory_space<vmem_shared>> -> memref<80x128xf32, #tpu.memory_space<vmem_shared>>
        tpu.wait_dma2 semaphore(%run_scoped3A : memref<!tpu.dma_semaphore, #tpu.memory_space<semaphore_mem>>) src(%arg11 : memref<80x128xf32, #tpu.memory_space<vmem>>) dst(%dma_wait3A_86 : memref<80x128xf32, #tpu.memory_space<vmem_shared>>)
        tpu.yield
      }) : () -> ()
      %mul3A_79 = arith.constant 80 : i32
      %mul3A_80 = arith.muli %add3A_53, %mul3A_79 : i32
      "tpu.region"() ({
        %run_scoped3A = tpu.sem_alloc : memref<!tpu.dma_semaphore, #tpu.memory_space<semaphore_mem>>
        %dma_start3A = arith.constant 0 : i32
        %dma_start3A_81 = tpu.memref_slice %arg15[%mul3A_80, %dma_start3A] : memref<10000x16xf32, #tpu.memory_space<vmem_shared>> -> memref<80x16xf32, #tpu.memory_space<vmem_shared>>
        %dma_start3A_82 = arith.constant 0 : i32
        %dma_start3A_83 = tpu.memref_slice %arg15[%mul3A_80, %dma_start3A_82] : memref<10000x16xf32, #tpu.memory_space<vmem_shared>> -> memref<80x16xf32, #tpu.memory_space<vmem_shared>>
        tpu.enqueue_dma source(%arg14 : memref<80x16xf32, #tpu.memory_space<vmem>>) target(%dma_start3A_83 : memref<80x16xf32, #tpu.memory_space<vmem_shared>>) target_semaphore(%run_scoped3A : memref<!tpu.dma_semaphore, #tpu.memory_space<semaphore_mem>>)
        %dma_wait3A = arith.constant 0 : i32
        %dma_wait3A_84 = tpu.memref_slice %arg15[%mul3A_80, %dma_wait3A] : memref<10000x16xf32, #tpu.memory_space<vmem_shared>> -> memref<80x16xf32, #tpu.memory_space<vmem_shared>>
        %dma_wait3A_85 = arith.constant 0 : i32
        %dma_wait3A_86 = tpu.memref_slice %arg15[%mul3A_80, %dma_wait3A_85] : memref<10000x16xf32, #tpu.memory_space<vmem_shared>> -> memref<80x16xf32, #tpu.memory_space<vmem_shared>>
        tpu.wait_dma2 semaphore(%run_scoped3A : memref<!tpu.dma_semaphore, #tpu.memory_space<semaphore_mem>>) src(%arg14 : memref<80x16xf32, #tpu.memory_space<vmem>>) dst(%dma_wait3A_86 : memref<80x16xf32, #tpu.memory_space<vmem_shared>>)
        tpu.yield
      }) : () -> ()
    } else {
    }
    %barrier3A = arith.constant 0 : index
    tpu.barrier barrier_id(%barrier3A)
    %mul3A = arith.constant 16 : i32
    %mul3A_59 = arith.muli %arg0, %mul3A : i32
    %add3A_60 = arith.addi %mul3A_59, %arg1 : i32
    %iota3A = tpu.iota {dimensions = array<i32: 0>} : vector<16xi32>
    %scan3A_61 = arith.constant 0 : i32
    %scan3A_62 = arith.constant 0 : i32
    %scan3A_63 = arith.constant 125 : i32
    %scan3A_64 = arith.addi %scan3A_62, %scan3A_63 : i32
    %scan3A_65 = arith.constant 1 : i32
    %scan3A_66 = scf.for %scan3A_77 = %scan3A_62 to %scan3A_64 step %scan3A_65 iter_args(%scan3A_78 = %scan3A_61) -> (i32)  : i32 {
      %mul3A_79 = arith.constant 10000 : i32
      %mul3A_80 = arith.muli %add3A_60, %mul3A_79 : i32
      %mul3A_81 = arith.constant 80 : i32
      %mul3A_82 = arith.muli %scan3A_77, %mul3A_81 : i32
      %add3A_83 = arith.addi %mul3A_80, %mul3A_82 : i32
      "tpu.region"() ({
        %run_scoped3A = tpu.sem_alloc : memref<!tpu.dma_semaphore, #tpu.memory_space<semaphore_mem>>
        %dma_start3A_108 = tpu.memref_slice %arg5[%add3A_83] : memref<320000xi32, #tpu.memory_space<hbm>> -> memref<80xi32, #tpu.memory_space<hbm>>
        %dma_start3A_109 = tpu.memref_slice %arg5[%add3A_83] : memref<320000xi32, #tpu.memory_space<hbm>> -> memref<80xi32, #tpu.memory_space<hbm>>
        tpu.enqueue_dma source(%dma_start3A_109 : memref<80xi32, #tpu.memory_space<hbm>>) target(%arg9 : memref<80xi32, #tpu.memory_space<vmem>>) target_semaphore(%run_scoped3A : memref<!tpu.dma_semaphore, #tpu.memory_space<semaphore_mem>>)
        %dma_wait3A_110 = tpu.memref_slice %arg5[%add3A_83] : memref<320000xi32, #tpu.memory_space<hbm>> -> memref<80xi32, #tpu.memory_space<hbm>>
        %dma_wait3A_111 = tpu.memref_slice %arg5[%add3A_83] : memref<320000xi32, #tpu.memory_space<hbm>> -> memref<80xi32, #tpu.memory_space<hbm>>
        tpu.wait_dma2 semaphore(%run_scoped3A : memref<!tpu.dma_semaphore, #tpu.memory_space<semaphore_mem>>) src(%dma_wait3A_111 : memref<80xi32, #tpu.memory_space<hbm>>) dst(%arg9 : memref<80xi32, #tpu.memory_space<vmem>>)
        tpu.yield
      }) : () -> ()
      "tpu.region"() ({
        %run_scoped3A = tpu.sem_alloc : memref<!tpu.dma_semaphore, #tpu.memory_space<semaphore_mem>>
        %dma_start3A_108 = tpu.memref_slice %arg6[%add3A_83] : memref<320000xi32, #tpu.memory_space<hbm>> -> memref<80xi32, #tpu.memory_space<hbm>>
        %dma_start3A_109 = tpu.memref_slice %arg6[%add3A_83] : memref<320000xi32, #tpu.memory_space<hbm>> -> memref<80xi32, #tpu.memory_space<hbm>>
        tpu.enqueue_dma source(%dma_start3A_109 : memref<80xi32, #tpu.memory_space<hbm>>) target(%arg10 : memref<80xi32, #tpu.memory_space<vmem>>) target_semaphore(%run_scoped3A : memref<!tpu.dma_semaphore, #tpu.memory_space<semaphore_mem>>)
        %dma_wait3A_110 = tpu.memref_slice %arg6[%add3A_83] : memref<320000xi32, #tpu.memory_space<hbm>> -> memref<80xi32, #tpu.memory_space<hbm>>
        %dma_wait3A_111 = tpu.memref_slice %arg6[%add3A_83] : memref<320000xi32, #tpu.memory_space<hbm>> -> memref<80xi32, #tpu.memory_space<hbm>>
        tpu.wait_dma2 semaphore(%run_scoped3A : memref<!tpu.dma_semaphore, #tpu.memory_space<semaphore_mem>>) src(%dma_wait3A_111 : memref<80xi32, #tpu.memory_space<hbm>>) dst(%arg10 : memref<80xi32, #tpu.memory_space<vmem>>)
        tpu.yield
      }) : () -> ()
      %dma_start3A = arith.constant 0 : i32
      %dma_start3A_84 = arith.constant 0 : i32
      %dma_start3A_85 = tpu.memref_slice %arg2[%dma_start3A, %dma_start3A_84] : memref<10000x128xf32, #tpu.memory_space<hbm>> -> memref<10000x128xf32, #tpu.memory_space<hbm>>
      tpu.enqueue_indirect_dma source(%dma_start3A_85 : memref<10000x128xf32, #tpu.memory_space<hbm>>) target(%arg11 : memref<80x128xf32, #tpu.memory_space<vmem>>) offsets(%arg9 : memref<80xi32, #tpu.memory_space<vmem>>) semaphore(%arg17 : memref<!tpu.dma_semaphore, #tpu.memory_space<semaphore_mem>>)
      %dma_start3A_86 = arith.constant 0 : i32
      %dma_start3A_87 = arith.constant 0 : i32
      %dma_start3A_88 = tpu.memref_slice %arg3[%dma_start3A_86, %dma_start3A_87] : memref<10000x128xf32, #tpu.memory_space<hbm>> -> memref<10000x128xf32, #tpu.memory_space<hbm>>
      tpu.enqueue_indirect_dma source(%dma_start3A_88 : memref<10000x128xf32, #tpu.memory_space<hbm>>) target(%arg12 : memref<80x128xf32, #tpu.memory_space<vmem>>) offsets(%arg10 : memref<80xi32, #tpu.memory_space<vmem>>) semaphore(%arg17 : memref<!tpu.dma_semaphore, #tpu.memory_space<semaphore_mem>>)
      %dma_start3A_89 = arith.constant 0 : i32
      %dma_start3A_90 = arith.constant 0 : i32
      %dma_start3A_91 = tpu.memref_slice %arg4[%dma_start3A_89, %dma_start3A_90] : memref<10000x128xf32, #tpu.memory_space<hbm>> -> memref<10000x128xf32, #tpu.memory_space<hbm>>
      tpu.enqueue_indirect_dma source(%dma_start3A_91 : memref<10000x128xf32, #tpu.memory_space<hbm>>) target(%arg13 : memref<80x128xf32, #tpu.memory_space<vmem>>) offsets(%arg10 : memref<80xi32, #tpu.memory_space<vmem>>) semaphore(%arg17 : memref<!tpu.dma_semaphore, #tpu.memory_space<semaphore_mem>>)
      %dma_wait3A = arith.constant 0 : i32
      %dma_wait3A_92 = arith.constant 0 : i32
      %dma_wait3A_93 = tpu.memref_slice %arg2[%dma_wait3A, %dma_wait3A_92] : memref<10000x128xf32, #tpu.memory_space<hbm>> -> memref<10000x128xf32, #tpu.memory_space<hbm>>
      tpu.wait_indirect_dma semaphore(%arg17 : memref<!tpu.dma_semaphore, #tpu.memory_space<semaphore_mem>>) src(%dma_wait3A_93 : memref<10000x128xf32, #tpu.memory_space<hbm>>) dst(%arg11 : memref<80x128xf32, #tpu.memory_space<vmem>>)
      %dma_wait3A_94 = arith.constant 0 : i32
      %dma_wait3A_95 = arith.constant 0 : i32
      %dma_wait3A_96 = tpu.memref_slice %arg3[%dma_wait3A_94, %dma_wait3A_95] : memref<10000x128xf32, #tpu.memory_space<hbm>> -> memref<10000x128xf32, #tpu.memory_space<hbm>>
      tpu.wait_indirect_dma semaphore(%arg17 : memref<!tpu.dma_semaphore, #tpu.memory_space<semaphore_mem>>) src(%dma_wait3A_96 : memref<10000x128xf32, #tpu.memory_space<hbm>>) dst(%arg12 : memref<80x128xf32, #tpu.memory_space<vmem>>)
      %dma_wait3A_97 = arith.constant 0 : i32
      %dma_wait3A_98 = arith.constant 0 : i32
      %dma_wait3A_99 = tpu.memref_slice %arg4[%dma_wait3A_97, %dma_wait3A_98] : memref<10000x128xf32, #tpu.memory_space<hbm>> -> memref<10000x128xf32, #tpu.memory_space<hbm>>
      tpu.wait_indirect_dma semaphore(%arg17 : memref<!tpu.dma_semaphore, #tpu.memory_space<semaphore_mem>>) src(%dma_wait3A_99 : memref<10000x128xf32, #tpu.memory_space<hbm>>) dst(%arg13 : memref<80x128xf32, #tpu.memory_space<vmem>>)
      %scan3A_100 = arith.constant 0 : i32
      %scan3A_101 = arith.constant 0 : i32
      %scan3A_102 = arith.constant 5 : i32
      %scan3A_103 = arith.addi %scan3A_101, %scan3A_102 : i32
      %scan3A_104 = arith.constant 1 : i32
      %scan3A_105 = scf.for %scan3A_108 = %scan3A_101 to %scan3A_103 step %scan3A_104 iter_args(%scan3A_109 = %scan3A_100) -> (i32)  : i32 {
        %mul3A_110 = arith.constant 16 : i32
        %mul3A_111 = arith.muli %scan3A_108, %mul3A_110 : i32
        %add3A_112 = vector.broadcast %mul3A_111 : i32 to vector<16xi32>
        %add3A_113 = arith.addi %iota3A, %add3A_112 : vector<16xi32>
        %broadcast_in_dim3A_114 = arith.constant 0 : i32
        %broadcast_in_dim3A_115 = vector.broadcast %broadcast_in_dim3A_114 : i32 to vector<16xi32>
        %gather3A = tpu.vector_load_idx %arg11[%add3A_113, %broadcast_in_dim3A_115] : memref<80x128xf32, #tpu.memory_space<vmem>>[vector<16xi32>, vector<16xi32>], vector<16xf32>,
        %gather3A_116 = tpu.vector_load_idx %arg12[%add3A_113, %broadcast_in_dim3A_115] : memref<80x128xf32, #tpu.memory_space<vmem>>[vector<16xi32>, vector<16xi32>], vector<16xf32>,
        %mul3A_117 = arith.mulf %gather3A, %gather3A_116 : vector<16xf32>
        %add3A_118 = arith.addf %broadcast_in_dim3A_0, %mul3A_117 : vector<16xf32>
        %broadcast_in_dim3A_119 = arith.constant 1 : i32
        %broadcast_in_dim3A_120 = vector.broadcast %broadcast_in_dim3A_119 : i32 to vector<16xi32>
        %gather3A_121 = tpu.vector_load_idx %arg11[%add3A_113, %broadcast_in_dim3A_120] : memref<80x128xf32, #tpu.memory_space<vmem>>[vector<16xi32>, vector<16xi32>], vector<16xf32>,
        %gather3A_122 = tpu.vector_load_idx %arg12[%add3A_113, %broadcast_in_dim3A_120] : memref<80x128xf32, #tpu.memory_space<vmem>>[vector<16xi32>, vector<16xi32>], vector<16xf32>,
        %mul3A_123 = arith.mulf %gather3A_121, %gather3A_122 : vector<16xf32>
        %add3A_124 = arith.addf %add3A_118, %mul3A_123 : vector<16xf32>
        %broadcast_in_dim3A_125 = arith.constant 2 : i32
        %broadcast_in_dim3A_126 = vector.broadcast %broadcast_in_dim3A_125 : i32 to vector<16xi32>
        %gather3A_127 = tpu.vector_load_idx %arg11[%add3A_113, %broadcast_in_dim3A_126] : memref<80x128xf32, #tpu.memory_space<vmem>>[vector<16xi32>, vector<16xi32>], vector<16xf32>,
        %gather3A_128 = tpu.vector_load_idx %arg12[%add3A_113, %broadcast_in_dim3A_126] : memref<80x128xf32, #tpu.memory_space<vmem>>[vector<16xi32>, vector<16xi32>], vector<16xf32>,
        %mul3A_129 = arith.mulf %gather3A_127, %gather3A_128 : vector<16xf32>
        %add3A_130 = arith.addf %add3A_124, %mul3A_129 : vector<16xf32>
        %broadcast_in_dim3A_131 = arith.constant 3 : i32
        %broadcast_in_dim3A_132 = vector.broadcast %broadcast_in_dim3A_131 : i32 to vector<16xi32>
        %gather3A_133 = tpu.vector_load_idx %arg11[%add3A_113, %broadcast_in_dim3A_132] : memref<80x128xf32, #tpu.memory_space<vmem>>[vector<16xi32>, vector<16xi32>], vector<16xf32>,
        %gather3A_134 = tpu.vector_load_idx %arg12[%add3A_113, %broadcast_in_dim3A_132] : memref<80x128xf32, #tpu.memory_space<vmem>>[vector<16xi32>, vector<16xi32>], vector<16xf32>,
        %mul3A_135 = arith.mulf %gather3A_133, %gather3A_134 : vector<16xf32>
        %add3A_136 = arith.addf %add3A_130, %mul3A_135 : vector<16xf32>
        %broadcast_in_dim3A_137 = arith.constant 4 : i32
        %broadcast_in_dim3A_138 = vector.broadcast %broadcast_in_dim3A_137 : i32 to vector<16xi32>
        %gather3A_139 = tpu.vector_load_idx %arg11[%add3A_113, %broadcast_in_dim3A_138] : memref<80x128xf32, #tpu.memory_space<vmem>>[vector<16xi32>, vector<16xi32>], vector<16xf32>,
        %gather3A_140 = tpu.vector_load_idx %arg12[%add3A_113, %broadcast_in_dim3A_138] : memref<80x128xf32, #tpu.memory_space<vmem>>[vector<16xi32>, vector<16xi32>], vector<16xf32>,
        %mul3A_141 = arith.mulf %gather3A_139, %gather3A_140 : vector<16xf32>
        %add3A_142 = arith.addf %add3A_136, %mul3A_141 : vector<16xf32>
        %broadcast_in_dim3A_143 = arith.constant 5 : i32
        %broadcast_in_dim3A_144 = vector.broadcast %broadcast_in_dim3A_143 : i32 to vector<16xi32>
        %gather3A_145 = tpu.vector_load_idx %arg11[%add3A_113, %broadcast_in_dim3A_144] : memref<80x128xf32, #tpu.memory_space<vmem>>[vector<16xi32>, vector<16xi32>], vector<16xf32>,
        %gather3A_146 = tpu.vector_load_idx %arg12[%add3A_113, %broadcast_in_dim3A_144] : memref<80x128xf32, #tpu.memory_space<vmem>>[vector<16xi32>, vector<16xi32>], vector<16xf32>,
        %mul3A_147 = arith.mulf %gather3A_145, %gather3A_146 : vector<16xf32>
        %add3A_148 = arith.addf %add3A_142, %mul3A_147 : vector<16xf32>
        %broadcast_in_dim3A_149 = arith.constant 6 : i32
        %broadcast_in_dim3A_150 = vector.broadcast %broadcast_in_dim3A_149 : i32 to vector<16xi32>
        %gather3A_151 = tpu.vector_load_idx %arg11[%add3A_113, %broadcast_in_dim3A_150] : memref<80x128xf32, #tpu.memory_space<vmem>>[vector<16xi32>, vector<16xi32>], vector<16xf32>,
        %gather3A_152 = tpu.vector_load_idx %arg12[%add3A_113, %broadcast_in_dim3A_150] : memref<80x128xf32, #tpu.memory_space<vmem>>[vector<16xi32>, vector<16xi32>], vector<16xf32>,
        %mul3A_153 = arith.mulf %gather3A_151, %gather3A_152 : vector<16xf32>
        %add3A_154 = arith.addf %add3A_148, %mul3A_153 : vector<16xf32>
        %broadcast_in_dim3A_155 = arith.constant 7 : i32
        %broadcast_in_dim3A_156 = vector.broadcast %broadcast_in_dim3A_155 : i32 to vector<16xi32>
        %gather3A_157 = tpu.vector_load_idx %arg11[%add3A_113, %broadcast_in_dim3A_156] : memref<80x128xf32, #tpu.memory_space<vmem>>[vector<16xi32>, vector<16xi32>], vector<16xf32>,
        %gather3A_158 = tpu.vector_load_idx %arg12[%add3A_113, %broadcast_in_dim3A_156] : memref<80x128xf32, #tpu.memory_space<vmem>>[vector<16xi32>, vector<16xi32>], vector<16xf32>,
        %mul3A_159 = arith.mulf %gather3A_157, %gather3A_158 : vector<16xf32>
        %add3A_160 = arith.addf %add3A_154, %mul3A_159 : vector<16xf32>
        %broadcast_in_dim3A_161 = arith.constant 8 : i32
        %broadcast_in_dim3A_162 = vector.broadcast %broadcast_in_dim3A_161 : i32 to vector<16xi32>
        %gather3A_163 = tpu.vector_load_idx %arg11[%add3A_113, %broadcast_in_dim3A_162] : memref<80x128xf32, #tpu.memory_space<vmem>>[vector<16xi32>, vector<16xi32>], vector<16xf32>,
        %gather3A_164 = tpu.vector_load_idx %arg12[%add3A_113, %broadcast_in_dim3A_162] : memref<80x128xf32, #tpu.memory_space<vmem>>[vector<16xi32>, vector<16xi32>], vector<16xf32>,
        %mul3A_165 = arith.mulf %gather3A_163, %gather3A_164 : vector<16xf32>
        %add3A_166 = arith.addf %add3A_160, %mul3A_165 : vector<16xf32>
        %broadcast_in_dim3A_167 = arith.constant 9 : i32
        %broadcast_in_dim3A_168 = vector.broadcast %broadcast_in_dim3A_167 : i32 to vector<16xi32>
        %gather3A_169 = tpu.vector_load_idx %arg11[%add3A_113, %broadcast_in_dim3A_168] : memref<80x128xf32, #tpu.memory_space<vmem>>[vector<16xi32>, vector<16xi32>], vector<16xf32>,
        %gather3A_170 = tpu.vector_load_idx %arg12[%add3A_113, %broadcast_in_dim3A_168] : memref<80x128xf32, #tpu.memory_space<vmem>>[vector<16xi32>, vector<16xi32>], vector<16xf32>,
        %mul3A_171 = arith.mulf %gather3A_169, %gather3A_170 : vector<16xf32>
        %add3A_172 = arith.addf %add3A_166, %mul3A_171 : vector<16xf32>
        %broadcast_in_dim3A_173 = arith.constant 10 : i32
        %broadcast_in_dim3A_174 = vector.broadcast %broadcast_in_dim3A_173 : i32 to vector<16xi32>
        %gather3A_175 = tpu.vector_load_idx %arg11[%add3A_113, %broadcast_in_dim3A_174] : memref<80x128xf32, #tpu.memory_space<vmem>>[vector<16xi32>, vector<16xi32>], vector<16xf32>,
        %gather3A_176 = tpu.vector_load_idx %arg12[%add3A_113, %broadcast_in_dim3A_174] : memref<80x128xf32, #tpu.memory_space<vmem>>[vector<16xi32>, vector<16xi32>], vector<16xf32>,
        %mul3A_177 = arith.mulf %gather3A_175, %gather3A_176 : vector<16xf32>
        %add3A_178 = arith.addf %add3A_172, %mul3A_177 : vector<16xf32>
        %broadcast_in_dim3A_179 = arith.constant 11 : i32
        %broadcast_in_dim3A_180 = vector.broadcast %broadcast_in_dim3A_179 : i32 to vector<16xi32>
        %gather3A_181 = tpu.vector_load_idx %arg11[%add3A_113, %broadcast_in_dim3A_180] : memref<80x128xf32, #tpu.memory_space<vmem>>[vector<16xi32>, vector<16xi32>], vector<16xf32>,
        %gather3A_182 = tpu.vector_load_idx %arg12[%add3A_113, %broadcast_in_dim3A_180] : memref<80x128xf32, #tpu.memory_space<vmem>>[vector<16xi32>, vector<16xi32>], vector<16xf32>,
        %mul3A_183 = arith.mulf %gather3A_181, %gather3A_182 : vector<16xf32>
        %add3A_184 = arith.addf %add3A_178, %mul3A_183 : vector<16xf32>
        %broadcast_in_dim3A_185 = arith.constant 12 : i32
        %broadcast_in_dim3A_186 = vector.broadcast %broadcast_in_dim3A_185 : i32 to vector<16xi32>
        %gather3A_187 = tpu.vector_load_idx %arg11[%add3A_113, %broadcast_in_dim3A_186] : memref<80x128xf32, #tpu.memory_space<vmem>>[vector<16xi32>, vector<16xi32>], vector<16xf32>,
        %gather3A_188 = tpu.vector_load_idx %arg12[%add3A_113, %broadcast_in_dim3A_186] : memref<80x128xf32, #tpu.memory_space<vmem>>[vector<16xi32>, vector<16xi32>], vector<16xf32>,
        %mul3A_189 = arith.mulf %gather3A_187, %gather3A_188 : vector<16xf32>
        %add3A_190 = arith.addf %add3A_184, %mul3A_189 : vector<16xf32>
        %broadcast_in_dim3A_191 = arith.constant 13 : i32
        %broadcast_in_dim3A_192 = vector.broadcast %broadcast_in_dim3A_191 : i32 to vector<16xi32>
        %gather3A_193 = tpu.vector_load_idx %arg11[%add3A_113, %broadcast_in_dim3A_192] : memref<80x128xf32, #tpu.memory_space<vmem>>[vector<16xi32>, vector<16xi32>], vector<16xf32>,
        %gather3A_194 = tpu.vector_load_idx %arg12[%add3A_113, %broadcast_in_dim3A_192] : memref<80x128xf32, #tpu.memory_space<vmem>>[vector<16xi32>, vector<16xi32>], vector<16xf32>,
        %mul3A_195 = arith.mulf %gather3A_193, %gather3A_194 : vector<16xf32>
        %add3A_196 = arith.addf %add3A_190, %mul3A_195 : vector<16xf32>
        %broadcast_in_dim3A_197 = arith.constant 14 : i32
        %broadcast_in_dim3A_198 = vector.broadcast %broadcast_in_dim3A_197 : i32 to vector<16xi32>
        %gather3A_199 = tpu.vector_load_idx %arg11[%add3A_113, %broadcast_in_dim3A_198] : memref<80x128xf32, #tpu.memory_space<vmem>>[vector<16xi32>, vector<16xi32>], vector<16xf32>,
        %gather3A_200 = tpu.vector_load_idx %arg12[%add3A_113, %broadcast_in_dim3A_198] : memref<80x128xf32, #tpu.memory_space<vmem>>[vector<16xi32>, vector<16xi32>], vector<16xf32>,
        %mul3A_201 = arith.mulf %gather3A_199, %gather3A_200 : vector<16xf32>
        %add3A_202 = arith.addf %add3A_196, %mul3A_201 : vector<16xf32>
        %broadcast_in_dim3A_203 = arith.constant 15 : i32
        %broadcast_in_dim3A_204 = vector.broadcast %broadcast_in_dim3A_203 : i32 to vector<16xi32>
        %gather3A_205 = tpu.vector_load_idx %arg11[%add3A_113, %broadcast_in_dim3A_204] : memref<80x128xf32, #tpu.memory_space<vmem>>[vector<16xi32>, vector<16xi32>], vector<16xf32>,
        %gather3A_206 = tpu.vector_load_idx %arg12[%add3A_113, %broadcast_in_dim3A_204] : memref<80x128xf32, #tpu.memory_space<vmem>>[vector<16xi32>, vector<16xi32>], vector<16xf32>,
        %mul3A_207 = arith.mulf %gather3A_205, %gather3A_206 : vector<16xf32>
        %add3A_208 = arith.addf %add3A_202, %mul3A_207 : vector<16xf32>
        %mul3A_209 = arith.constant 2.500000e-01 : f32
        %mul3A_210 = vector.broadcast %mul3A_209 : f32 to vector<16xf32>
        %mul3A_211 = arith.mulf %add3A_208, %mul3A_210 : vector<16xf32>
        %exp3A = math.exp %mul3A_211 : vector<16xf32>
        %broadcast_in_dim3A_212 = arith.constant 0 : i32
        %broadcast_in_dim3A_213 = vector.broadcast %broadcast_in_dim3A_212 : i32 to vector<16xi32>
        tpu.vector_store_idx %arg14[%add3A_113, %broadcast_in_dim3A_213], %exp3A : memref<80x16xf32, #tpu.memory_space<vmem>>[vector<16xi32>, vector<16xi32>], vector<16xf32>,
        %broadcast_in_dim3A_214 = arith.constant 16 : i32
        %broadcast_in_dim3A_215 = vector.broadcast %broadcast_in_dim3A_214 : i32 to vector<16xi32>
        %gather3A_216 = tpu.vector_load_idx %arg11[%add3A_113, %broadcast_in_dim3A_215] : memref<80x128xf32, #tpu.memory_space<vmem>>[vector<16xi32>, vector<16xi32>], vector<16xf32>,
        %gather3A_217 = tpu.vector_load_idx %arg12[%add3A_113, %broadcast_in_dim3A_215] : memref<80x128xf32, #tpu.memory_space<vmem>>[vector<16xi32>, vector<16xi32>], vector<16xf32>,
        %mul3A_218 = arith.mulf %gather3A_216, %gather3A_217 : vector<16xf32>
        %add3A_219 = arith.addf %broadcast_in_dim3A_0, %mul3A_218 : vector<16xf32>
        %broadcast_in_dim3A_220 = arith.constant 17 : i32
        %broadcast_in_dim3A_221 = vector.broadcast %broadcast_in_dim3A_220 : i32 to vector<16xi32>
        %gather3A_222 = tpu.vector_load_idx %arg11[%add3A_113, %broadcast_in_dim3A_221] : memref<80x128xf32, #tpu.memory_space<vmem>>[vector<16xi32>, vector<16xi32>], vector<16xf32>,
        %gather3A_223 = tpu.vector_load_idx %arg12[%add3A_113, %broadcast_in_dim3A_221] : memref<80x128xf32, #tpu.memory_space<vmem>>[vector<16xi32>, vector<16xi32>], vector<16xf32>,
        %mul3A_224 = arith.mulf %gather3A_222, %gather3A_223 : vector<16xf32>
        %add3A_225 = arith.addf %add3A_219, %mul3A_224 : vector<16xf32>
        %broadcast_in_dim3A_226 = arith.constant 18 : i32
        %broadcast_in_dim3A_227 = vector.broadcast %broadcast_in_dim3A_226 : i32 to vector<16xi32>
        %gather3A_228 = tpu.vector_load_idx %arg11[%add3A_113, %broadcast_in_dim3A_227] : memref<80x128xf32, #tpu.memory_space<vmem>>[vector<16xi32>, vector<16xi32>], vector<16xf32>,
        %gather3A_229 = tpu.vector_load_idx %arg12[%add3A_113, %broadcast_in_dim3A_227] : memref<80x128xf32, #tpu.memory_space<vmem>>[vector<16xi32>, vector<16xi32>], vector<16xf32>,
        %mul3A_230 = arith.mulf %gather3A_228, %gather3A_229 : vector<16xf32>
        %add3A_231 = arith.addf %add3A_225, %mul3A_230 : vector<16xf32>
        %broadcast_in_dim3A_232 = arith.constant 19 : i32
        %broadcast_in_dim3A_233 = vector.broadcast %broadcast_in_dim3A_232 : i32 to vector<16xi32>
        %gather3A_234 = tpu.vector_load_idx %arg11[%add3A_113, %broadcast_in_dim3A_233] : memref<80x128xf32, #tpu.memory_space<vmem>>[vector<16xi32>, vector<16xi32>], vector<16xf32>,
        %gather3A_235 = tpu.vector_load_idx %arg12[%add3A_113, %broadcast_in_dim3A_233] : memref<80x128xf32, #tpu.memory_space<vmem>>[vector<16xi32>, vector<16xi32>], vector<16xf32>,
        %mul3A_236 = arith.mulf %gather3A_234, %gather3A_235 : vector<16xf32>
        %add3A_237 = arith.addf %add3A_231, %mul3A_236 : vector<16xf32>
        %broadcast_in_dim3A_238 = arith.constant 20 : i32
        %broadcast_in_dim3A_239 = vector.broadcast %broadcast_in_dim3A_238 : i32 to vector<16xi32>
        %gather3A_240 = tpu.vector_load_idx %arg11[%add3A_113, %broadcast_in_dim3A_239] : memref<80x128xf32, #tpu.memory_space<vmem>>[vector<16xi32>, vector<16xi32>], vector<16xf32>,
        %gather3A_241 = tpu.vector_load_idx %arg12[%add3A_113, %broadcast_in_dim3A_239] : memref<80x128xf32, #tpu.memory_space<vmem>>[vector<16xi32>, vector<16xi32>], vector<16xf32>,
        %mul3A_242 = arith.mulf %gather3A_240, %gather3A_241 : vector<16xf32>
        %add3A_243 = arith.addf %add3A_237, %mul3A_242 : vector<16xf32>
        %broadcast_in_dim3A_244 = arith.constant 21 : i32
        %broadcast_in_dim3A_245 = vector.broadcast %broadcast_in_dim3A_244 : i32 to vector<16xi32>
        %gather3A_246 = tpu.vector_load_idx %arg11[%add3A_113, %broadcast_in_dim3A_245] : memref<80x128xf32, #tpu.memory_space<vmem>>[vector<16xi32>, vector<16xi32>], vector<16xf32>,
        %gather3A_247 = tpu.vector_load_idx %arg12[%add3A_113, %broadcast_in_dim3A_245] : memref<80x128xf32, #tpu.memory_space<vmem>>[vector<16xi32>, vector<16xi32>], vector<16xf32>,
        %mul3A_248 = arith.mulf %gather3A_246, %gather3A_247 : vector<16xf32>
        %add3A_249 = arith.addf %add3A_243, %mul3A_248 : vector<16xf32>
        %broadcast_in_dim3A_250 = arith.constant 22 : i32
        %broadcast_in_dim3A_251 = vector.broadcast %broadcast_in_dim3A_250 : i32 to vector<16xi32>
        %gather3A_252 = tpu.vector_load_idx %arg11[%add3A_113, %broadcast_in_dim3A_251] : memref<80x128xf32, #tpu.memory_space<vmem>>[vector<16xi32>, vector<16xi32>], vector<16xf32>,
        %gather3A_253 = tpu.vector_load_idx %arg12[%add3A_113, %broadcast_in_dim3A_251] : memref<80x128xf32, #tpu.memory_space<vmem>>[vector<16xi32>, vector<16xi32>], vector<16xf32>,
        %mul3A_254 = arith.mulf %gather3A_252, %gather3A_253 : vector<16xf32>
        %add3A_255 = arith.addf %add3A_249, %mul3A_254 : vector<16xf32>
        %broadcast_in_dim3A_256 = arith.constant 23 : i32
        %broadcast_in_dim3A_257 = vector.broadcast %broadcast_in_dim3A_256 : i32 to vector<16xi32>
        %gather3A_258 = tpu.vector_load_idx %arg11[%add3A_113, %broadcast_in_dim3A_257] : memref<80x128xf32, #tpu.memory_space<vmem>>[vector<16xi32>, vector<16xi32>], vector<16xf32>,
        %gather3A_259 = tpu.vector_load_idx %arg12[%add3A_113, %broadcast_in_dim3A_257] : memref<80x128xf32, #tpu.memory_space<vmem>>[vector<16xi32>, vector<16xi32>], vector<16xf32>,
        %mul3A_260 = arith.mulf %gather3A_258, %gather3A_259 : vector<16xf32>
        %add3A_261 = arith.addf %add3A_255, %mul3A_260 : vector<16xf32>
        %broadcast_in_dim3A_262 = arith.constant 24 : i32
        %broadcast_in_dim3A_263 = vector.broadcast %broadcast_in_dim3A_262 : i32 to vector<16xi32>
        %gather3A_264 = tpu.vector_load_idx %arg11[%add3A_113, %broadcast_in_dim3A_263] : memref<80x128xf32, #tpu.memory_space<vmem>>[vector<16xi32>, vector<16xi32>], vector<16xf32>,
        %gather3A_265 = tpu.vector_load_idx %arg12[%add3A_113, %broadcast_in_dim3A_263] : memref<80x128xf32, #tpu.memory_space<vmem>>[vector<16xi32>, vector<16xi32>], vector<16xf32>,
        %mul3A_266 = arith.mulf %gather3A_264, %gather3A_265 : vector<16xf32>
        %add3A_267 = arith.addf %add3A_261, %mul3A_266 : vector<16xf32>
        %broadcast_in_dim3A_268 = arith.constant 25 : i32
        %broadcast_in_dim3A_269 = vector.broadcast %broadcast_in_dim3A_268 : i32 to vector<16xi32>
        %gather3A_270 = tpu.vector_load_idx %arg11[%add3A_113, %broadcast_in_dim3A_269] : memref<80x128xf32, #tpu.memory_space<vmem>>[vector<16xi32>, vector<16xi32>], vector<16xf32>,
        %gather3A_271 = tpu.vector_load_idx %arg12[%add3A_113, %broadcast_in_dim3A_269] : memref<80x128xf32, #tpu.memory_space<vmem>>[vector<16xi32>, vector<16xi32>], vector<16xf32>,
        %mul3A_272 = arith.mulf %gather3A_270, %gather3A_271 : vector<16xf32>
        %add3A_273 = arith.addf %add3A_267, %mul3A_272 : vector<16xf32>
        %broadcast_in_dim3A_274 = arith.constant 26 : i32
        %broadcast_in_dim3A_275 = vector.broadcast %broadcast_in_dim3A_274 : i32 to vector<16xi32>
        %gather3A_276 = tpu.vector_load_idx %arg11[%add3A_113, %broadcast_in_dim3A_275] : memref<80x128xf32, #tpu.memory_space<vmem>>[vector<16xi32>, vector<16xi32>], vector<16xf32>,
        %gather3A_277 = tpu.vector_load_idx %arg12[%add3A_113, %broadcast_in_dim3A_275] : memref<80x128xf32, #tpu.memory_space<vmem>>[vector<16xi32>, vector<16xi32>], vector<16xf32>,
        %mul3A_278 = arith.mulf %gather3A_276, %gather3A_277 : vector<16xf32>
        %add3A_279 = arith.addf %add3A_273, %mul3A_278 : vector<16xf32>
        %broadcast_in_dim3A_280 = arith.constant 27 : i32
        %broadcast_in_dim3A_281 = vector.broadcast %broadcast_in_dim3A_280 : i32 to vector<16xi32>
        %gather3A_282 = tpu.vector_load_idx %arg11[%add3A_113, %broadcast_in_dim3A_281] : memref<80x128xf32, #tpu.memory_space<vmem>>[vector<16xi32>, vector<16xi32>], vector<16xf32>,
        %gather3A_283 = tpu.vector_load_idx %arg12[%add3A_113, %broadcast_in_dim3A_281] : memref<80x128xf32, #tpu.memory_space<vmem>>[vector<16xi32>, vector<16xi32>], vector<16xf32>,
        %mul3A_284 = arith.mulf %gather3A_282, %gather3A_283 : vector<16xf32>
        %add3A_285 = arith.addf %add3A_279, %mul3A_284 : vector<16xf32>
        %broadcast_in_dim3A_286 = arith.constant 28 : i32
        %broadcast_in_dim3A_287 = vector.broadcast %broadcast_in_dim3A_286 : i32 to vector<16xi32>
        %gather3A_288 = tpu.vector_load_idx %arg11[%add3A_113, %broadcast_in_dim3A_287] : memref<80x128xf32, #tpu.memory_space<vmem>>[vector<16xi32>, vector<16xi32>], vector<16xf32>,
        %gather3A_289 = tpu.vector_load_idx %arg12[%add3A_113, %broadcast_in_dim3A_287] : memref<80x128xf32, #tpu.memory_space<vmem>>[vector<16xi32>, vector<16xi32>], vector<16xf32>,
        %mul3A_290 = arith.mulf %gather3A_288, %gather3A_289 : vector<16xf32>
        %add3A_291 = arith.addf %add3A_285, %mul3A_290 : vector<16xf32>
        %broadcast_in_dim3A_292 = arith.constant 29 : i32
        %broadcast_in_dim3A_293 = vector.broadcast %broadcast_in_dim3A_292 : i32 to vector<16xi32>
        %gather3A_294 = tpu.vector_load_idx %arg11[%add3A_113, %broadcast_in_dim3A_293] : memref<80x128xf32, #tpu.memory_space<vmem>>[vector<16xi32>, vector<16xi32>], vector<16xf32>,
        %gather3A_295 = tpu.vector_load_idx %arg12[%add3A_113, %broadcast_in_dim3A_293] : memref<80x128xf32, #tpu.memory_space<vmem>>[vector<16xi32>, vector<16xi32>], vector<16xf32>,
        %mul3A_296 = arith.mulf %gather3A_294, %gather3A_295 : vector<16xf32>
        %add3A_297 = arith.addf %add3A_291, %mul3A_296 : vector<16xf32>
        %broadcast_in_dim3A_298 = arith.constant 30 : i32
        %broadcast_in_dim3A_299 = vector.broadcast %broadcast_in_dim3A_298 : i32 to vector<16xi32>
        %gather3A_300 = tpu.vector_load_idx %arg11[%add3A_113, %broadcast_in_dim3A_299] : memref<80x128xf32, #tpu.memory_space<vmem>>[vector<16xi32>, vector<16xi32>], vector<16xf32>,
        %gather3A_301 = tpu.vector_load_idx %arg12[%add3A_113, %broadcast_in_dim3A_299] : memref<80x128xf32, #tpu.memory_space<vmem>>[vector<16xi32>, vector<16xi32>], vector<16xf32>,
        %mul3A_302 = arith.mulf %gather3A_300, %gather3A_301 : vector<16xf32>
        %add3A_303 = arith.addf %add3A_297, %mul3A_302 : vector<16xf32>
        %broadcast_in_dim3A_304 = arith.constant 31 : i32
        %broadcast_in_dim3A_305 = vector.broadcast %broadcast_in_dim3A_304 : i32 to vector<16xi32>
        %gather3A_306 = tpu.vector_load_idx %arg11[%add3A_113, %broadcast_in_dim3A_305] : memref<80x128xf32, #tpu.memory_space<vmem>>[vector<16xi32>, vector<16xi32>], vector<16xf32>,
        %gather3A_307 = tpu.vector_load_idx %arg12[%add3A_113, %broadcast_in_dim3A_305] : memref<80x128xf32, #tpu.memory_space<vmem>>[vector<16xi32>, vector<16xi32>], vector<16xf32>,
        %mul3A_308 = arith.mulf %gather3A_306, %gather3A_307 : vector<16xf32>
        %add3A_309 = arith.addf %add3A_303, %mul3A_308 : vector<16xf32>
        %mul3A_310 = arith.constant 2.500000e-01 : f32
        %mul3A_311 = vector.broadcast %mul3A_310 : f32 to vector<16xf32>
        %mul3A_312 = arith.mulf %add3A_309, %mul3A_311 : vector<16xf32>
        %exp3A_313 = math.exp %mul3A_312 : vector<16xf32>
        %broadcast_in_dim3A_314 = arith.constant 1 : i32
        %broadcast_in_dim3A_315 = vector.broadcast %broadcast_in_dim3A_314 : i32 to vector<16xi32>
        tpu.vector_store_idx %arg14[%add3A_113, %broadcast_in_dim3A_315], %exp3A_313 : memref<80x16xf32, #tpu.memory_space<vmem>>[vector<16xi32>, vector<16xi32>], vector<16xf32>,
        %broadcast_in_dim3A_316 = arith.constant 32 : i32
        %broadcast_in_dim3A_317 = vector.broadcast %broadcast_in_dim3A_316 : i32 to vector<16xi32>
        %gather3A_318 = tpu.vector_load_idx %arg11[%add3A_113, %broadcast_in_dim3A_317] : memref<80x128xf32, #tpu.memory_space<vmem>>[vector<16xi32>, vector<16xi32>], vector<16xf32>,
        %gather3A_319 = tpu.vector_load_idx %arg12[%add3A_113, %broadcast_in_dim3A_317] : memref<80x128xf32, #tpu.memory_space<vmem>>[vector<16xi32>, vector<16xi32>], vector<16xf32>,
        %mul3A_320 = arith.mulf %gather3A_318, %gather3A_319 : vector<16xf32>
        %add3A_321 = arith.addf %broadcast_in_dim3A_0, %mul3A_320 : vector<16xf32>
        %broadcast_in_dim3A_322 = arith.constant 33 : i32
        %broadcast_in_dim3A_323 = vector.broadcast %broadcast_in_dim3A_322 : i32 to vector<16xi32>
        %gather3A_324 = tpu.vector_load_idx %arg11[%add3A_113, %broadcast_in_dim3A_323] : memref<80x128xf32, #tpu.memory_space<vmem>>[vector<16xi32>, vector<16xi32>], vector<16xf32>,
        %gather3A_325 = tpu.vector_load_idx %arg12[%add3A_113, %broadcast_in_dim3A_323] : memref<80x128xf32, #tpu.memory_space<vmem>>[vector<16xi32>, vector<16xi32>], vector<16xf32>,
        %mul3A_326 = arith.mulf %gather3A_324, %gather3A_325 : vector<16xf32>
        %add3A_327 = arith.addf %add3A_321, %mul3A_326 : vector<16xf32>
        %broadcast_in_dim3A_328 = arith.constant 34 : i32
        %broadcast_in_dim3A_329 = vector.broadcast %broadcast_in_dim3A_328 : i32 to vector<16xi32>
        %gather3A_330 = tpu.vector_load_idx %arg11[%add3A_113, %broadcast_in_dim3A_329] : memref<80x128xf32, #tpu.memory_space<vmem>>[vector<16xi32>, vector<16xi32>], vector<16xf32>,
        %gather3A_331 = tpu.vector_load_idx %arg12[%add3A_113, %broadcast_in_dim3A_329] : memref<80x128xf32, #tpu.memory_space<vmem>>[vector<16xi32>, vector<16xi32>], vector<16xf32>,
        %mul3A_332 = arith.mulf %gather3A_330, %gather3A_331 : vector<16xf32>
        %add3A_333 = arith.addf %add3A_327, %mul3A_332 : vector<16xf32>
        %broadcast_in_dim3A_334 = arith.constant 35 : i32
        %broadcast_in_dim3A_335 = vector.broadcast %broadcast_in_dim3A_334 : i32 to vector<16xi32>
        %gather3A_336 = tpu.vector_load_idx %arg11[%add3A_113, %broadcast_in_dim3A_335] : memref<80x128xf32, #tpu.memory_space<vmem>>[vector<16xi32>, vector<16xi32>], vector<16xf32>,
        %gather3A_337 = tpu.vector_load_idx %arg12[%add3A_113, %broadcast_in_dim3A_335] : memref<80x128xf32, #tpu.memory_space<vmem>>[vector<16xi32>, vector<16xi32>], vector<16xf32>,
        %mul3A_338 = arith.mulf %gather3A_336, %gather3A_337 : vector<16xf32>
        %add3A_339 = arith.addf %add3A_333, %mul3A_338 : vector<16xf32>
        %broadcast_in_dim3A_340 = arith.constant 36 : i32
        %broadcast_in_dim3A_341 = vector.broadcast %broadcast_in_dim3A_340 : i32 to vector<16xi32>
        %gather3A_342 = tpu.vector_load_idx %arg11[%add3A_113, %broadcast_in_dim3A_341] : memref<80x128xf32, #tpu.memory_space<vmem>>[vector<16xi32>, vector<16xi32>], vector<16xf32>,
        %gather3A_343 = tpu.vector_load_idx %arg12[%add3A_113, %broadcast_in_dim3A_341] : memref<80x128xf32, #tpu.memory_space<vmem>>[vector<16xi32>, vector<16xi32>], vector<16xf32>,
        %mul3A_344 = arith.mulf %gather3A_342, %gather3A_343 : vector<16xf32>
        %add3A_345 = arith.addf %add3A_339, %mul3A_344 : vector<16xf32>
        %broadcast_in_dim3A_346 = arith.constant 37 : i32
        %broadcast_in_dim3A_347 = vector.broadcast %broadcast_in_dim3A_346 : i32 to vector<16xi32>
        %gather3A_348 = tpu.vector_load_idx %arg11[%add3A_113, %broadcast_in_dim3A_347] : memref<80x128xf32, #tpu.memory_space<vmem>>[vector<16xi32>, vector<16xi32>], vector<16xf32>,
        %gather3A_349 = tpu.vector_load_idx %arg12[%add3A_113, %broadcast_in_dim3A_347] : memref<80x128xf32, #tpu.memory_space<vmem>>[vector<16xi32>, vector<16xi32>], vector<16xf32>,
        %mul3A_350 = arith.mulf %gather3A_348, %gather3A_349 : vector<16xf32>
        %add3A_351 = arith.addf %add3A_345, %mul3A_350 : vector<16xf32>
        %broadcast_in_dim3A_352 = arith.constant 38 : i32
        %broadcast_in_dim3A_353 = vector.broadcast %broadcast_in_dim3A_352 : i32 to vector<16xi32>
        %gather3A_354 = tpu.vector_load_idx %arg11[%add3A_113, %broadcast_in_dim3A_353] : memref<80x128xf32, #tpu.memory_space<vmem>>[vector<16xi32>, vector<16xi32>], vector<16xf32>,
        %gather3A_355 = tpu.vector_load_idx %arg12[%add3A_113, %broadcast_in_dim3A_353] : memref<80x128xf32, #tpu.memory_space<vmem>>[vector<16xi32>, vector<16xi32>], vector<16xf32>,
        %mul3A_356 = arith.mulf %gather3A_354, %gather3A_355 : vector<16xf32>
        %add3A_357 = arith.addf %add3A_351, %mul3A_356 : vector<16xf32>
        %broadcast_in_dim3A_358 = arith.constant 39 : i32
        %broadcast_in_dim3A_359 = vector.broadcast %broadcast_in_dim3A_358 : i32 to vector<16xi32>
        %gather3A_360 = tpu.vector_load_idx %arg11[%add3A_113, %broadcast_in_dim3A_359] : memref<80x128xf32, #tpu.memory_space<vmem>>[vector<16xi32>, vector<16xi32>], vector<16xf32>,
        %gather3A_361 = tpu.vector_load_idx %arg12[%add3A_113, %broadcast_in_dim3A_359] : memref<80x128xf32, #tpu.memory_space<vmem>>[vector<16xi32>, vector<16xi32>], vector<16xf32>,
        %mul3A_362 = arith.mulf %gather3A_360, %gather3A_361 : vector<16xf32>
        %add3A_363 = arith.addf %add3A_357, %mul3A_362 : vector<16xf32>
        %broadcast_in_dim3A_364 = arith.constant 40 : i32
        %broadcast_in_dim3A_365 = vector.broadcast %broadcast_in_dim3A_364 : i32 to vector<16xi32>
        %gather3A_366 = tpu.vector_load_idx %arg11[%add3A_113, %broadcast_in_dim3A_365] : memref<80x128xf32, #tpu.memory_space<vmem>>[vector<16xi32>, vector<16xi32>], vector<16xf32>,
        %gather3A_367 = tpu.vector_load_idx %arg12[%add3A_113, %broadcast_in_dim3A_365] : memref<80x128xf32, #tpu.memory_space<vmem>>[vector<16xi32>, vector<16xi32>], vector<16xf32>,
        %mul3A_368 = arith.mulf %gather3A_366, %gather3A_367 : vector<16xf32>
        %add3A_369 = arith.addf %add3A_363, %mul3A_368 : vector<16xf32>
        %broadcast_in_dim3A_370 = arith.constant 41 : i32
        %broadcast_in_dim3A_371 = vector.broadcast %broadcast_in_dim3A_370 : i32 to vector<16xi32>
        %gather3A_372 = tpu.vector_load_idx %arg11[%add3A_113, %broadcast_in_dim3A_371] : memref<80x128xf32, #tpu.memory_space<vmem>>[vector<16xi32>, vector<16xi32>], vector<16xf32>,
        %gather3A_373 = tpu.vector_load_idx %arg12[%add3A_113, %broadcast_in_dim3A_371] : memref<80x128xf32, #tpu.memory_space<vmem>>[vector<16xi32>, vector<16xi32>], vector<16xf32>,
        %mul3A_374 = arith.mulf %gather3A_372, %gather3A_373 : vector<16xf32>
        %add3A_375 = arith.addf %add3A_369, %mul3A_374 : vector<16xf32>
        %broadcast_in_dim3A_376 = arith.constant 42 : i32
        %broadcast_in_dim3A_377 = vector.broadcast %broadcast_in_dim3A_376 : i32 to vector<16xi32>
        %gather3A_378 = tpu.vector_load_idx %arg11[%add3A_113, %broadcast_in_dim3A_377] : memref<80x128xf32, #tpu.memory_space<vmem>>[vector<16xi32>, vector<16xi32>], vector<16xf32>,
        %gather3A_379 = tpu.vector_load_idx %arg12[%add3A_113, %broadcast_in_dim3A_377] : memref<80x128xf32, #tpu.memory_space<vmem>>[vector<16xi32>, vector<16xi32>], vector<16xf32>,
        %mul3A_380 = arith.mulf %gather3A_378, %gather3A_379 : vector<16xf32>
        %add3A_381 = arith.addf %add3A_375, %mul3A_380 : vector<16xf32>
        %broadcast_in_dim3A_382 = arith.constant 43 : i32
        %broadcast_in_dim3A_383 = vector.broadcast %broadcast_in_dim3A_382 : i32 to vector<16xi32>
        %gather3A_384 = tpu.vector_load_idx %arg11[%add3A_113, %broadcast_in_dim3A_383] : memref<80x128xf32, #tpu.memory_space<vmem>>[vector<16xi32>, vector<16xi32>], vector<16xf32>,
        %gather3A_385 = tpu.vector_load_idx %arg12[%add3A_113, %broadcast_in_dim3A_383] : memref<80x128xf32, #tpu.memory_space<vmem>>[vector<16xi32>, vector<16xi32>], vector<16xf32>,
        %mul3A_386 = arith.mulf %gather3A_384, %gather3A_385 : vector<16xf32>
        %add3A_387 = arith.addf %add3A_381, %mul3A_386 : vector<16xf32>
        %broadcast_in_dim3A_388 = arith.constant 44 : i32
        %broadcast_in_dim3A_389 = vector.broadcast %broadcast_in_dim3A_388 : i32 to vector<16xi32>
        %gather3A_390 = tpu.vector_load_idx %arg11[%add3A_113, %broadcast_in_dim3A_389] : memref<80x128xf32, #tpu.memory_space<vmem>>[vector<16xi32>, vector<16xi32>], vector<16xf32>,
        %gather3A_391 = tpu.vector_load_idx %arg12[%add3A_113, %broadcast_in_dim3A_389] : memref<80x128xf32, #tpu.memory_space<vmem>>[vector<16xi32>, vector<16xi32>], vector<16xf32>,
        %mul3A_392 = arith.mulf %gather3A_390, %gather3A_391 : vector<16xf32>
        %add3A_393 = arith.addf %add3A_387, %mul3A_392 : vector<16xf32>
        %broadcast_in_dim3A_394 = arith.constant 45 : i32
        %broadcast_in_dim3A_395 = vector.broadcast %broadcast_in_dim3A_394 : i32 to vector<16xi32>
        %gather3A_396 = tpu.vector_load_idx %arg11[%add3A_113, %broadcast_in_dim3A_395] : memref<80x128xf32, #tpu.memory_space<vmem>>[vector<16xi32>, vector<16xi32>], vector<16xf32>,
        %gather3A_397 = tpu.vector_load_idx %arg12[%add3A_113, %broadcast_in_dim3A_395] : memref<80x128xf32, #tpu.memory_space<vmem>>[vector<16xi32>, vector<16xi32>], vector<16xf32>,
        %mul3A_398 = arith.mulf %gather3A_396, %gather3A_397 : vector<16xf32>
        %add3A_399 = arith.addf %add3A_393, %mul3A_398 : vector<16xf32>
        %broadcast_in_dim3A_400 = arith.constant 46 : i32
        %broadcast_in_dim3A_401 = vector.broadcast %broadcast_in_dim3A_400 : i32 to vector<16xi32>
        %gather3A_402 = tpu.vector_load_idx %arg11[%add3A_113, %broadcast_in_dim3A_401] : memref<80x128xf32, #tpu.memory_space<vmem>>[vector<16xi32>, vector<16xi32>], vector<16xf32>,
        %gather3A_403 = tpu.vector_load_idx %arg12[%add3A_113, %broadcast_in_dim3A_401] : memref<80x128xf32, #tpu.memory_space<vmem>>[vector<16xi32>, vector<16xi32>], vector<16xf32>,
        %mul3A_404 = arith.mulf %gather3A_402, %gather3A_403 : vector<16xf32>
        %add3A_405 = arith.addf %add3A_399, %mul3A_404 : vector<16xf32>
        %broadcast_in_dim3A_406 = arith.constant 47 : i32
        %broadcast_in_dim3A_407 = vector.broadcast %broadcast_in_dim3A_406 : i32 to vector<16xi32>
        %gather3A_408 = tpu.vector_load_idx %arg11[%add3A_113, %broadcast_in_dim3A_407] : memref<80x128xf32, #tpu.memory_space<vmem>>[vector<16xi32>, vector<16xi32>], vector<16xf32>,
        %gather3A_409 = tpu.vector_load_idx %arg12[%add3A_113, %broadcast_in_dim3A_407] : memref<80x128xf32, #tpu.memory_space<vmem>>[vector<16xi32>, vector<16xi32>], vector<16xf32>,
        %mul3A_410 = arith.mulf %gather3A_408, %gather3A_409 : vector<16xf32>
        %add3A_411 = arith.addf %add3A_405, %mul3A_410 : vector<16xf32>
        %mul3A_412 = arith.constant 2.500000e-01 : f32
        %mul3A_413 = vector.broadcast %mul3A_412 : f32 to vector<16xf32>
        %mul3A_414 = arith.mulf %add3A_411, %mul3A_413 : vector<16xf32>
        %exp3A_415 = math.exp %mul3A_414 : vector<16xf32>
        %broadcast_in_dim3A_416 = arith.constant 2 : i32
        %broadcast_in_dim3A_417 = vector.broadcast %broadcast_in_dim3A_416 : i32 to vector<16xi32>
        tpu.vector_store_idx %arg14[%add3A_113, %broadcast_in_dim3A_417], %exp3A_415 : memref<80x16xf32, #tpu.memory_space<vmem>>[vector<16xi32>, vector<16xi32>], vector<16xf32>,
        %broadcast_in_dim3A_418 = arith.constant 48 : i32
        %broadcast_in_dim3A_419 = vector.broadcast %broadcast_in_dim3A_418 : i32 to vector<16xi32>
        %gather3A_420 = tpu.vector_load_idx %arg11[%add3A_113, %broadcast_in_dim3A_419] : memref<80x128xf32, #tpu.memory_space<vmem>>[vector<16xi32>, vector<16xi32>], vector<16xf32>,
        %gather3A_421 = tpu.vector_load_idx %arg12[%add3A_113, %broadcast_in_dim3A_419] : memref<80x128xf32, #tpu.memory_space<vmem>>[vector<16xi32>, vector<16xi32>], vector<16xf32>,
        %mul3A_422 = arith.mulf %gather3A_420, %gather3A_421 : vector<16xf32>
        %add3A_423 = arith.addf %broadcast_in_dim3A_0, %mul3A_422 : vector<16xf32>
        %broadcast_in_dim3A_424 = arith.constant 49 : i32
        %broadcast_in_dim3A_425 = vector.broadcast %broadcast_in_dim3A_424 : i32 to vector<16xi32>
        %gather3A_426 = tpu.vector_load_idx %arg11[%add3A_113, %broadcast_in_dim3A_425] : memref<80x128xf32, #tpu.memory_space<vmem>>[vector<16xi32>, vector<16xi32>], vector<16xf32>,
        %gather3A_427 = tpu.vector_load_idx %arg12[%add3A_113, %broadcast_in_dim3A_425] : memref<80x128xf32, #tpu.memory_space<vmem>>[vector<16xi32>, vector<16xi32>], vector<16xf32>,
        %mul3A_428 = arith.mulf %gather3A_426, %gather3A_427 : vector<16xf32>
        %add3A_429 = arith.addf %add3A_423, %mul3A_428 : vector<16xf32>
        %broadcast_in_dim3A_430 = arith.constant 50 : i32
        %broadcast_in_dim3A_431 = vector.broadcast %broadcast_in_dim3A_430 : i32 to vector<16xi32>
        %gather3A_432 = tpu.vector_load_idx %arg11[%add3A_113, %broadcast_in_dim3A_431] : memref<80x128xf32, #tpu.memory_space<vmem>>[vector<16xi32>, vector<16xi32>], vector<16xf32>,
        %gather3A_433 = tpu.vector_load_idx %arg12[%add3A_113, %broadcast_in_dim3A_431] : memref<80x128xf32, #tpu.memory_space<vmem>>[vector<16xi32>, vector<16xi32>], vector<16xf32>,
        %mul3A_434 = arith.mulf %gather3A_432, %gather3A_433 : vector<16xf32>
        %add3A_435 = arith.addf %add3A_429, %mul3A_434 : vector<16xf32>
        %broadcast_in_dim3A_436 = arith.constant 51 : i32
        %broadcast_in_dim3A_437 = vector.broadcast %broadcast_in_dim3A_436 : i32 to vector<16xi32>
        %gather3A_438 = tpu.vector_load_idx %arg11[%add3A_113, %broadcast_in_dim3A_437] : memref<80x128xf32, #tpu.memory_space<vmem>>[vector<16xi32>, vector<16xi32>], vector<16xf32>,
        %gather3A_439 = tpu.vector_load_idx %arg12[%add3A_113, %broadcast_in_dim3A_437] : memref<80x128xf32, #tpu.memory_space<vmem>>[vector<16xi32>, vector<16xi32>], vector<16xf32>,
        %mul3A_440 = arith.mulf %gather3A_438, %gather3A_439 : vector<16xf32>
        %add3A_441 = arith.addf %add3A_435, %mul3A_440 : vector<16xf32>
        %broadcast_in_dim3A_442 = arith.constant 52 : i32
        %broadcast_in_dim3A_443 = vector.broadcast %broadcast_in_dim3A_442 : i32 to vector<16xi32>
        %gather3A_444 = tpu.vector_load_idx %arg11[%add3A_113, %broadcast_in_dim3A_443] : memref<80x128xf32, #tpu.memory_space<vmem>>[vector<16xi32>, vector<16xi32>], vector<16xf32>,
        %gather3A_445 = tpu.vector_load_idx %arg12[%add3A_113, %broadcast_in_dim3A_443] : memref<80x128xf32, #tpu.memory_space<vmem>>[vector<16xi32>, vector<16xi32>], vector<16xf32>,
        %mul3A_446 = arith.mulf %gather3A_444, %gather3A_445 : vector<16xf32>
        %add3A_447 = arith.addf %add3A_441, %mul3A_446 : vector<16xf32>
        %broadcast_in_dim3A_448 = arith.constant 53 : i32
        %broadcast_in_dim3A_449 = vector.broadcast %broadcast_in_dim3A_448 : i32 to vector<16xi32>
        %gather3A_450 = tpu.vector_load_idx %arg11[%add3A_113, %broadcast_in_dim3A_449] : memref<80x128xf32, #tpu.memory_space<vmem>>[vector<16xi32>, vector<16xi32>], vector<16xf32>,
        %gather3A_451 = tpu.vector_load_idx %arg12[%add3A_113, %broadcast_in_dim3A_449] : memref<80x128xf32, #tpu.memory_space<vmem>>[vector<16xi32>, vector<16xi32>], vector<16xf32>,
        %mul3A_452 = arith.mulf %gather3A_450, %gather3A_451 : vector<16xf32>
        %add3A_453 = arith.addf %add3A_447, %mul3A_452 : vector<16xf32>
        %broadcast_in_dim3A_454 = arith.constant 54 : i32
        %broadcast_in_dim3A_455 = vector.broadcast %broadcast_in_dim3A_454 : i32 to vector<16xi32>
        %gather3A_456 = tpu.vector_load_idx %arg11[%add3A_113, %broadcast_in_dim3A_455] : memref<80x128xf32, #tpu.memory_space<vmem>>[vector<16xi32>, vector<16xi32>], vector<16xf32>,
        %gather3A_457 = tpu.vector_load_idx %arg12[%add3A_113, %broadcast_in_dim3A_455] : memref<80x128xf32, #tpu.memory_space<vmem>>[vector<16xi32>, vector<16xi32>], vector<16xf32>,
        %mul3A_458 = arith.mulf %gather3A_456, %gather3A_457 : vector<16xf32>
        %add3A_459 = arith.addf %add3A_453, %mul3A_458 : vector<16xf32>
        %broadcast_in_dim3A_460 = arith.constant 55 : i32
        %broadcast_in_dim3A_461 = vector.broadcast %broadcast_in_dim3A_460 : i32 to vector<16xi32>
        %gather3A_462 = tpu.vector_load_idx %arg11[%add3A_113, %broadcast_in_dim3A_461] : memref<80x128xf32, #tpu.memory_space<vmem>>[vector<16xi32>, vector<16xi32>], vector<16xf32>,
        %gather3A_463 = tpu.vector_load_idx %arg12[%add3A_113, %broadcast_in_dim3A_461] : memref<80x128xf32, #tpu.memory_space<vmem>>[vector<16xi32>, vector<16xi32>], vector<16xf32>,
        %mul3A_464 = arith.mulf %gather3A_462, %gather3A_463 : vector<16xf32>
        %add3A_465 = arith.addf %add3A_459, %mul3A_464 : vector<16xf32>
        %broadcast_in_dim3A_466 = arith.constant 56 : i32
        %broadcast_in_dim3A_467 = vector.broadcast %broadcast_in_dim3A_466 : i32 to vector<16xi32>
        %gather3A_468 = tpu.vector_load_idx %arg11[%add3A_113, %broadcast_in_dim3A_467] : memref<80x128xf32, #tpu.memory_space<vmem>>[vector<16xi32>, vector<16xi32>], vector<16xf32>,
        %gather3A_469 = tpu.vector_load_idx %arg12[%add3A_113, %broadcast_in_dim3A_467] : memref<80x128xf32, #tpu.memory_space<vmem>>[vector<16xi32>, vector<16xi32>], vector<16xf32>,
        %mul3A_470 = arith.mulf %gather3A_468, %gather3A_469 : vector<16xf32>
        %add3A_471 = arith.addf %add3A_465, %mul3A_470 : vector<16xf32>
        %broadcast_in_dim3A_472 = arith.constant 57 : i32
        %broadcast_in_dim3A_473 = vector.broadcast %broadcast_in_dim3A_472 : i32 to vector<16xi32>
        %gather3A_474 = tpu.vector_load_idx %arg11[%add3A_113, %broadcast_in_dim3A_473] : memref<80x128xf32, #tpu.memory_space<vmem>>[vector<16xi32>, vector<16xi32>], vector<16xf32>,
        %gather3A_475 = tpu.vector_load_idx %arg12[%add3A_113, %broadcast_in_dim3A_473] : memref<80x128xf32, #tpu.memory_space<vmem>>[vector<16xi32>, vector<16xi32>], vector<16xf32>,
        %mul3A_476 = arith.mulf %gather3A_474, %gather3A_475 : vector<16xf32>
        %add3A_477 = arith.addf %add3A_471, %mul3A_476 : vector<16xf32>
        %broadcast_in_dim3A_478 = arith.constant 58 : i32
        %broadcast_in_dim3A_479 = vector.broadcast %broadcast_in_dim3A_478 : i32 to vector<16xi32>
        %gather3A_480 = tpu.vector_load_idx %arg11[%add3A_113, %broadcast_in_dim3A_479] : memref<80x128xf32, #tpu.memory_space<vmem>>[vector<16xi32>, vector<16xi32>], vector<16xf32>,
        %gather3A_481 = tpu.vector_load_idx %arg12[%add3A_113, %broadcast_in_dim3A_479] : memref<80x128xf32, #tpu.memory_space<vmem>>[vector<16xi32>, vector<16xi32>], vector<16xf32>,
        %mul3A_482 = arith.mulf %gather3A_480, %gather3A_481 : vector<16xf32>
        %add3A_483 = arith.addf %add3A_477, %mul3A_482 : vector<16xf32>
        %broadcast_in_dim3A_484 = arith.constant 59 : i32
        %broadcast_in_dim3A_485 = vector.broadcast %broadcast_in_dim3A_484 : i32 to vector<16xi32>
        %gather3A_486 = tpu.vector_load_idx %arg11[%add3A_113, %broadcast_in_dim3A_485] : memref<80x128xf32, #tpu.memory_space<vmem>>[vector<16xi32>, vector<16xi32>], vector<16xf32>,
        %gather3A_487 = tpu.vector_load_idx %arg12[%add3A_113, %broadcast_in_dim3A_485] : memref<80x128xf32, #tpu.memory_space<vmem>>[vector<16xi32>, vector<16xi32>], vector<16xf32>,
        %mul3A_488 = arith.mulf %gather3A_486, %gather3A_487 : vector<16xf32>
        %add3A_489 = arith.addf %add3A_483, %mul3A_488 : vector<16xf32>
        %broadcast_in_dim3A_490 = arith.constant 60 : i32
        %broadcast_in_dim3A_491 = vector.broadcast %broadcast_in_dim3A_490 : i32 to vector<16xi32>
        %gather3A_492 = tpu.vector_load_idx %arg11[%add3A_113, %broadcast_in_dim3A_491] : memref<80x128xf32, #tpu.memory_space<vmem>>[vector<16xi32>, vector<16xi32>], vector<16xf32>,
        %gather3A_493 = tpu.vector_load_idx %arg12[%add3A_113, %broadcast_in_dim3A_491] : memref<80x128xf32, #tpu.memory_space<vmem>>[vector<16xi32>, vector<16xi32>], vector<16xf32>,
        %mul3A_494 = arith.mulf %gather3A_492, %gather3A_493 : vector<16xf32>
        %add3A_495 = arith.addf %add3A_489, %mul3A_494 : vector<16xf32>
        %broadcast_in_dim3A_496 = arith.constant 61 : i32
        %broadcast_in_dim3A_497 = vector.broadcast %broadcast_in_dim3A_496 : i32 to vector<16xi32>
        %gather3A_498 = tpu.vector_load_idx %arg11[%add3A_113, %broadcast_in_dim3A_497] : memref<80x128xf32, #tpu.memory_space<vmem>>[vector<16xi32>, vector<16xi32>], vector<16xf32>,
        %gather3A_499 = tpu.vector_load_idx %arg12[%add3A_113, %broadcast_in_dim3A_497] : memref<80x128xf32, #tpu.memory_space<vmem>>[vector<16xi32>, vector<16xi32>], vector<16xf32>,
        %mul3A_500 = arith.mulf %gather3A_498, %gather3A_499 : vector<16xf32>
        %add3A_501 = arith.addf %add3A_495, %mul3A_500 : vector<16xf32>
        %broadcast_in_dim3A_502 = arith.constant 62 : i32
        %broadcast_in_dim3A_503 = vector.broadcast %broadcast_in_dim3A_502 : i32 to vector<16xi32>
        %gather3A_504 = tpu.vector_load_idx %arg11[%add3A_113, %broadcast_in_dim3A_503] : memref<80x128xf32, #tpu.memory_space<vmem>>[vector<16xi32>, vector<16xi32>], vector<16xf32>,
        %gather3A_505 = tpu.vector_load_idx %arg12[%add3A_113, %broadcast_in_dim3A_503] : memref<80x128xf32, #tpu.memory_space<vmem>>[vector<16xi32>, vector<16xi32>], vector<16xf32>,
        %mul3A_506 = arith.mulf %gather3A_504, %gather3A_505 : vector<16xf32>
        %add3A_507 = arith.addf %add3A_501, %mul3A_506 : vector<16xf32>
        %broadcast_in_dim3A_508 = arith.constant 63 : i32
        %broadcast_in_dim3A_509 = vector.broadcast %broadcast_in_dim3A_508 : i32 to vector<16xi32>
        %gather3A_510 = tpu.vector_load_idx %arg11[%add3A_113, %broadcast_in_dim3A_509] : memref<80x128xf32, #tpu.memory_space<vmem>>[vector<16xi32>, vector<16xi32>], vector<16xf32>,
        %gather3A_511 = tpu.vector_load_idx %arg12[%add3A_113, %broadcast_in_dim3A_509] : memref<80x128xf32, #tpu.memory_space<vmem>>[vector<16xi32>, vector<16xi32>], vector<16xf32>,
        %mul3A_512 = arith.mulf %gather3A_510, %gather3A_511 : vector<16xf32>
        %add3A_513 = arith.addf %add3A_507, %mul3A_512 : vector<16xf32>
        %mul3A_514 = arith.constant 2.500000e-01 : f32
        %mul3A_515 = vector.broadcast %mul3A_514 : f32 to vector<16xf32>
        %mul3A_516 = arith.mulf %add3A_513, %mul3A_515 : vector<16xf32>
        %exp3A_517 = math.exp %mul3A_516 : vector<16xf32>
        %broadcast_in_dim3A_518 = arith.constant 3 : i32
        %broadcast_in_dim3A_519 = vector.broadcast %broadcast_in_dim3A_518 : i32 to vector<16xi32>
        tpu.vector_store_idx %arg14[%add3A_113, %broadcast_in_dim3A_519], %exp3A_517 : memref<80x16xf32, #tpu.memory_space<vmem>>[vector<16xi32>, vector<16xi32>], vector<16xf32>,
        %broadcast_in_dim3A_520 = arith.constant 64 : i32
        %broadcast_in_dim3A_521 = vector.broadcast %broadcast_in_dim3A_520 : i32 to vector<16xi32>
        %gather3A_522 = tpu.vector_load_idx %arg11[%add3A_113, %broadcast_in_dim3A_521] : memref<80x128xf32, #tpu.memory_space<vmem>>[vector<16xi32>, vector<16xi32>], vector<16xf32>,
        %gather3A_523 = tpu.vector_load_idx %arg12[%add3A_113, %broadcast_in_dim3A_521] : memref<80x128xf32, #tpu.memory_space<vmem>>[vector<16xi32>, vector<16xi32>], vector<16xf32>,
        %mul3A_524 = arith.mulf %gather3A_522, %gather3A_523 : vector<16xf32>
        %add3A_525 = arith.addf %broadcast_in_dim3A_0, %mul3A_524 : vector<16xf32>
        %broadcast_in_dim3A_526 = arith.constant 65 : i32
        %broadcast_in_dim3A_527 = vector.broadcast %broadcast_in_dim3A_526 : i32 to vector<16xi32>
        %gather3A_528 = tpu.vector_load_idx %arg11[%add3A_113, %broadcast_in_dim3A_527] : memref<80x128xf32, #tpu.memory_space<vmem>>[vector<16xi32>, vector<16xi32>], vector<16xf32>,
        %gather3A_529 = tpu.vector_load_idx %arg12[%add3A_113, %broadcast_in_dim3A_527] : memref<80x128xf32, #tpu.memory_space<vmem>>[vector<16xi32>, vector<16xi32>], vector<16xf32>,
        %mul3A_530 = arith.mulf %gather3A_528, %gather3A_529 : vector<16xf32>
        %add3A_531 = arith.addf %add3A_525, %mul3A_530 : vector<16xf32>
        %broadcast_in_dim3A_532 = arith.constant 66 : i32
        %broadcast_in_dim3A_533 = vector.broadcast %broadcast_in_dim3A_532 : i32 to vector<16xi32>
        %gather3A_534 = tpu.vector_load_idx %arg11[%add3A_113, %broadcast_in_dim3A_533] : memref<80x128xf32, #tpu.memory_space<vmem>>[vector<16xi32>, vector<16xi32>], vector<16xf32>,
        %gather3A_535 = tpu.vector_load_idx %arg12[%add3A_113, %broadcast_in_dim3A_533] : memref<80x128xf32, #tpu.memory_space<vmem>>[vector<16xi32>, vector<16xi32>], vector<16xf32>,
        %mul3A_536 = arith.mulf %gather3A_534, %gather3A_535 : vector<16xf32>
        %add3A_537 = arith.addf %add3A_531, %mul3A_536 : vector<16xf32>
        %broadcast_in_dim3A_538 = arith.constant 67 : i32
        %broadcast_in_dim3A_539 = vector.broadcast %broadcast_in_dim3A_538 : i32 to vector<16xi32>
        %gather3A_540 = tpu.vector_load_idx %arg11[%add3A_113, %broadcast_in_dim3A_539] : memref<80x128xf32, #tpu.memory_space<vmem>>[vector<16xi32>, vector<16xi32>], vector<16xf32>,
        %gather3A_541 = tpu.vector_load_idx %arg12[%add3A_113, %broadcast_in_dim3A_539] : memref<80x128xf32, #tpu.memory_space<vmem>>[vector<16xi32>, vector<16xi32>], vector<16xf32>,
        %mul3A_542 = arith.mulf %gather3A_540, %gather3A_541 : vector<16xf32>
        %add3A_543 = arith.addf %add3A_537, %mul3A_542 : vector<16xf32>
        %broadcast_in_dim3A_544 = arith.constant 68 : i32
        %broadcast_in_dim3A_545 = vector.broadcast %broadcast_in_dim3A_544 : i32 to vector<16xi32>
        %gather3A_546 = tpu.vector_load_idx %arg11[%add3A_113, %broadcast_in_dim3A_545] : memref<80x128xf32, #tpu.memory_space<vmem>>[vector<16xi32>, vector<16xi32>], vector<16xf32>,
        %gather3A_547 = tpu.vector_load_idx %arg12[%add3A_113, %broadcast_in_dim3A_545] : memref<80x128xf32, #tpu.memory_space<vmem>>[vector<16xi32>, vector<16xi32>], vector<16xf32>,
        %mul3A_548 = arith.mulf %gather3A_546, %gather3A_547 : vector<16xf32>
        %add3A_549 = arith.addf %add3A_543, %mul3A_548 : vector<16xf32>
        %broadcast_in_dim3A_550 = arith.constant 69 : i32
        %broadcast_in_dim3A_551 = vector.broadcast %broadcast_in_dim3A_550 : i32 to vector<16xi32>
        %gather3A_552 = tpu.vector_load_idx %arg11[%add3A_113, %broadcast_in_dim3A_551] : memref<80x128xf32, #tpu.memory_space<vmem>>[vector<16xi32>, vector<16xi32>], vector<16xf32>,
        %gather3A_553 = tpu.vector_load_idx %arg12[%add3A_113, %broadcast_in_dim3A_551] : memref<80x128xf32, #tpu.memory_space<vmem>>[vector<16xi32>, vector<16xi32>], vector<16xf32>,
        %mul3A_554 = arith.mulf %gather3A_552, %gather3A_553 : vector<16xf32>
        %add3A_555 = arith.addf %add3A_549, %mul3A_554 : vector<16xf32>
        %broadcast_in_dim3A_556 = arith.constant 70 : i32
        %broadcast_in_dim3A_557 = vector.broadcast %broadcast_in_dim3A_556 : i32 to vector<16xi32>
        %gather3A_558 = tpu.vector_load_idx %arg11[%add3A_113, %broadcast_in_dim3A_557] : memref<80x128xf32, #tpu.memory_space<vmem>>[vector<16xi32>, vector<16xi32>], vector<16xf32>,
        %gather3A_559 = tpu.vector_load_idx %arg12[%add3A_113, %broadcast_in_dim3A_557] : memref<80x128xf32, #tpu.memory_space<vmem>>[vector<16xi32>, vector<16xi32>], vector<16xf32>,
        %mul3A_560 = arith.mulf %gather3A_558, %gather3A_559 : vector<16xf32>
        %add3A_561 = arith.addf %add3A_555, %mul3A_560 : vector<16xf32>
        %broadcast_in_dim3A_562 = arith.constant 71 : i32
        %broadcast_in_dim3A_563 = vector.broadcast %broadcast_in_dim3A_562 : i32 to vector<16xi32>
        %gather3A_564 = tpu.vector_load_idx %arg11[%add3A_113, %broadcast_in_dim3A_563] : memref<80x128xf32, #tpu.memory_space<vmem>>[vector<16xi32>, vector<16xi32>], vector<16xf32>,
        %gather3A_565 = tpu.vector_load_idx %arg12[%add3A_113, %broadcast_in_dim3A_563] : memref<80x128xf32, #tpu.memory_space<vmem>>[vector<16xi32>, vector<16xi32>], vector<16xf32>,
        %mul3A_566 = arith.mulf %gather3A_564, %gather3A_565 : vector<16xf32>
        %add3A_567 = arith.addf %add3A_561, %mul3A_566 : vector<16xf32>
        %broadcast_in_dim3A_568 = arith.constant 72 : i32
        %broadcast_in_dim3A_569 = vector.broadcast %broadcast_in_dim3A_568 : i32 to vector<16xi32>
        %gather3A_570 = tpu.vector_load_idx %arg11[%add3A_113, %broadcast_in_dim3A_569] : memref<80x128xf32, #tpu.memory_space<vmem>>[vector<16xi32>, vector<16xi32>], vector<16xf32>,
        %gather3A_571 = tpu.vector_load_idx %arg12[%add3A_113, %broadcast_in_dim3A_569] : memref<80x128xf32, #tpu.memory_space<vmem>>[vector<16xi32>, vector<16xi32>], vector<16xf32>,
        %mul3A_572 = arith.mulf %gather3A_570, %gather3A_571 : vector<16xf32>
        %add3A_573 = arith.addf %add3A_567, %mul3A_572 : vector<16xf32>
        %broadcast_in_dim3A_574 = arith.constant 73 : i32
        %broadcast_in_dim3A_575 = vector.broadcast %broadcast_in_dim3A_574 : i32 to vector<16xi32>
        %gather3A_576 = tpu.vector_load_idx %arg11[%add3A_113, %broadcast_in_dim3A_575] : memref<80x128xf32, #tpu.memory_space<vmem>>[vector<16xi32>, vector<16xi32>], vector<16xf32>,
        %gather3A_577 = tpu.vector_load_idx %arg12[%add3A_113, %broadcast_in_dim3A_575] : memref<80x128xf32, #tpu.memory_space<vmem>>[vector<16xi32>, vector<16xi32>], vector<16xf32>,
        %mul3A_578 = arith.mulf %gather3A_576, %gather3A_577 : vector<16xf32>
        %add3A_579 = arith.addf %add3A_573, %mul3A_578 : vector<16xf32>
        %broadcast_in_dim3A_580 = arith.constant 74 : i32
        %broadcast_in_dim3A_581 = vector.broadcast %broadcast_in_dim3A_580 : i32 to vector<16xi32>
        %gather3A_582 = tpu.vector_load_idx %arg11[%add3A_113, %broadcast_in_dim3A_581] : memref<80x128xf32, #tpu.memory_space<vmem>>[vector<16xi32>, vector<16xi32>], vector<16xf32>,
        %gather3A_583 = tpu.vector_load_idx %arg12[%add3A_113, %broadcast_in_dim3A_581] : memref<80x128xf32, #tpu.memory_space<vmem>>[vector<16xi32>, vector<16xi32>], vector<16xf32>,
        %mul3A_584 = arith.mulf %gather3A_582, %gather3A_583 : vector<16xf32>
        %add3A_585 = arith.addf %add3A_579, %mul3A_584 : vector<16xf32>
        %broadcast_in_dim3A_586 = arith.constant 75 : i32
        %broadcast_in_dim3A_587 = vector.broadcast %broadcast_in_dim3A_586 : i32 to vector<16xi32>
        %gather3A_588 = tpu.vector_load_idx %arg11[%add3A_113, %broadcast_in_dim3A_587] : memref<80x128xf32, #tpu.memory_space<vmem>>[vector<16xi32>, vector<16xi32>], vector<16xf32>,
        %gather3A_589 = tpu.vector_load_idx %arg12[%add3A_113, %broadcast_in_dim3A_587] : memref<80x128xf32, #tpu.memory_space<vmem>>[vector<16xi32>, vector<16xi32>], vector<16xf32>,
        %mul3A_590 = arith.mulf %gather3A_588, %gather3A_589 : vector<16xf32>
        %add3A_591 = arith.addf %add3A_585, %mul3A_590 : vector<16xf32>
        %broadcast_in_dim3A_592 = arith.constant 76 : i32
        %broadcast_in_dim3A_593 = vector.broadcast %broadcast_in_dim3A_592 : i32 to vector<16xi32>
        %gather3A_594 = tpu.vector_load_idx %arg11[%add3A_113, %broadcast_in_dim3A_593] : memref<80x128xf32, #tpu.memory_space<vmem>>[vector<16xi32>, vector<16xi32>], vector<16xf32>,
        %gather3A_595 = tpu.vector_load_idx %arg12[%add3A_113, %broadcast_in_dim3A_593] : memref<80x128xf32, #tpu.memory_space<vmem>>[vector<16xi32>, vector<16xi32>], vector<16xf32>,
        %mul3A_596 = arith.mulf %gather3A_594, %gather3A_595 : vector<16xf32>
        %add3A_597 = arith.addf %add3A_591, %mul3A_596 : vector<16xf32>
        %broadcast_in_dim3A_598 = arith.constant 77 : i32
        %broadcast_in_dim3A_599 = vector.broadcast %broadcast_in_dim3A_598 : i32 to vector<16xi32>
        %gather3A_600 = tpu.vector_load_idx %arg11[%add3A_113, %broadcast_in_dim3A_599] : memref<80x128xf32, #tpu.memory_space<vmem>>[vector<16xi32>, vector<16xi32>], vector<16xf32>,
        %gather3A_601 = tpu.vector_load_idx %arg12[%add3A_113, %broadcast_in_dim3A_599] : memref<80x128xf32, #tpu.memory_space<vmem>>[vector<16xi32>, vector<16xi32>], vector<16xf32>,
        %mul3A_602 = arith.mulf %gather3A_600, %gather3A_601 : vector<16xf32>
        %add3A_603 = arith.addf %add3A_597, %mul3A_602 : vector<16xf32>
        %broadcast_in_dim3A_604 = arith.constant 78 : i32
        %broadcast_in_dim3A_605 = vector.broadcast %broadcast_in_dim3A_604 : i32 to vector<16xi32>
        %gather3A_606 = tpu.vector_load_idx %arg11[%add3A_113, %broadcast_in_dim3A_605] : memref<80x128xf32, #tpu.memory_space<vmem>>[vector<16xi32>, vector<16xi32>], vector<16xf32>,
        %gather3A_607 = tpu.vector_load_idx %arg12[%add3A_113, %broadcast_in_dim3A_605] : memref<80x128xf32, #tpu.memory_space<vmem>>[vector<16xi32>, vector<16xi32>], vector<16xf32>,
        %mul3A_608 = arith.mulf %gather3A_606, %gather3A_607 : vector<16xf32>
        %add3A_609 = arith.addf %add3A_603, %mul3A_608 : vector<16xf32>
        %broadcast_in_dim3A_610 = arith.constant 79 : i32
        %broadcast_in_dim3A_611 = vector.broadcast %broadcast_in_dim3A_610 : i32 to vector<16xi32>
        %gather3A_612 = tpu.vector_load_idx %arg11[%add3A_113, %broadcast_in_dim3A_611] : memref<80x128xf32, #tpu.memory_space<vmem>>[vector<16xi32>, vector<16xi32>], vector<16xf32>,
        %gather3A_613 = tpu.vector_load_idx %arg12[%add3A_113, %broadcast_in_dim3A_611] : memref<80x128xf32, #tpu.memory_space<vmem>>[vector<16xi32>, vector<16xi32>], vector<16xf32>,
        %mul3A_614 = arith.mulf %gather3A_612, %gather3A_613 : vector<16xf32>
        %add3A_615 = arith.addf %add3A_609, %mul3A_614 : vector<16xf32>
        %mul3A_616 = arith.constant 2.500000e-01 : f32
        %mul3A_617 = vector.broadcast %mul3A_616 : f32 to vector<16xf32>
        %mul3A_618 = arith.mulf %add3A_615, %mul3A_617 : vector<16xf32>
        %exp3A_619 = math.exp %mul3A_618 : vector<16xf32>
        %broadcast_in_dim3A_620 = arith.constant 4 : i32
        %broadcast_in_dim3A_621 = vector.broadcast %broadcast_in_dim3A_620 : i32 to vector<16xi32>
        tpu.vector_store_idx %arg14[%add3A_113, %broadcast_in_dim3A_621], %exp3A_619 : memref<80x16xf32, #tpu.memory_space<vmem>>[vector<16xi32>, vector<16xi32>], vector<16xf32>,
        %broadcast_in_dim3A_622 = arith.constant 80 : i32
        %broadcast_in_dim3A_623 = vector.broadcast %broadcast_in_dim3A_622 : i32 to vector<16xi32>
        %gather3A_624 = tpu.vector_load_idx %arg11[%add3A_113, %broadcast_in_dim3A_623] : memref<80x128xf32, #tpu.memory_space<vmem>>[vector<16xi32>, vector<16xi32>], vector<16xf32>,
        %gather3A_625 = tpu.vector_load_idx %arg12[%add3A_113, %broadcast_in_dim3A_623] : memref<80x128xf32, #tpu.memory_space<vmem>>[vector<16xi32>, vector<16xi32>], vector<16xf32>,
        %mul3A_626 = arith.mulf %gather3A_624, %gather3A_625 : vector<16xf32>
        %add3A_627 = arith.addf %broadcast_in_dim3A_0, %mul3A_626 : vector<16xf32>
        %broadcast_in_dim3A_628 = arith.constant 81 : i32
        %broadcast_in_dim3A_629 = vector.broadcast %broadcast_in_dim3A_628 : i32 to vector<16xi32>
        %gather3A_630 = tpu.vector_load_idx %arg11[%add3A_113, %broadcast_in_dim3A_629] : memref<80x128xf32, #tpu.memory_space<vmem>>[vector<16xi32>, vector<16xi32>], vector<16xf32>,
        %gather3A_631 = tpu.vector_load_idx %arg12[%add3A_113, %broadcast_in_dim3A_629] : memref<80x128xf32, #tpu.memory_space<vmem>>[vector<16xi32>, vector<16xi32>], vector<16xf32>,
        %mul3A_632 = arith.mulf %gather3A_630, %gather3A_631 : vector<16xf32>
        %add3A_633 = arith.addf %add3A_627, %mul3A_632 : vector<16xf32>
        %broadcast_in_dim3A_634 = arith.constant 82 : i32
        %broadcast_in_dim3A_635 = vector.broadcast %broadcast_in_dim3A_634 : i32 to vector<16xi32>
        %gather3A_636 = tpu.vector_load_idx %arg11[%add3A_113, %broadcast_in_dim3A_635] : memref<80x128xf32, #tpu.memory_space<vmem>>[vector<16xi32>, vector<16xi32>], vector<16xf32>,
        %gather3A_637 = tpu.vector_load_idx %arg12[%add3A_113, %broadcast_in_dim3A_635] : memref<80x128xf32, #tpu.memory_space<vmem>>[vector<16xi32>, vector<16xi32>], vector<16xf32>,
        %mul3A_638 = arith.mulf %gather3A_636, %gather3A_637 : vector<16xf32>
        %add3A_639 = arith.addf %add3A_633, %mul3A_638 : vector<16xf32>
        %broadcast_in_dim3A_640 = arith.constant 83 : i32
        %broadcast_in_dim3A_641 = vector.broadcast %broadcast_in_dim3A_640 : i32 to vector<16xi32>
        %gather3A_642 = tpu.vector_load_idx %arg11[%add3A_113, %broadcast_in_dim3A_641] : memref<80x128xf32, #tpu.memory_space<vmem>>[vector<16xi32>, vector<16xi32>], vector<16xf32>,
        %gather3A_643 = tpu.vector_load_idx %arg12[%add3A_113, %broadcast_in_dim3A_641] : memref<80x128xf32, #tpu.memory_space<vmem>>[vector<16xi32>, vector<16xi32>], vector<16xf32>,
        %mul3A_644 = arith.mulf %gather3A_642, %gather3A_643 : vector<16xf32>
        %add3A_645 = arith.addf %add3A_639, %mul3A_644 : vector<16xf32>
        %broadcast_in_dim3A_646 = arith.constant 84 : i32
        %broadcast_in_dim3A_647 = vector.broadcast %broadcast_in_dim3A_646 : i32 to vector<16xi32>
        %gather3A_648 = tpu.vector_load_idx %arg11[%add3A_113, %broadcast_in_dim3A_647] : memref<80x128xf32, #tpu.memory_space<vmem>>[vector<16xi32>, vector<16xi32>], vector<16xf32>,
        %gather3A_649 = tpu.vector_load_idx %arg12[%add3A_113, %broadcast_in_dim3A_647] : memref<80x128xf32, #tpu.memory_space<vmem>>[vector<16xi32>, vector<16xi32>], vector<16xf32>,
        %mul3A_650 = arith.mulf %gather3A_648, %gather3A_649 : vector<16xf32>
        %add3A_651 = arith.addf %add3A_645, %mul3A_650 : vector<16xf32>
        %broadcast_in_dim3A_652 = arith.constant 85 : i32
        %broadcast_in_dim3A_653 = vector.broadcast %broadcast_in_dim3A_652 : i32 to vector<16xi32>
        %gather3A_654 = tpu.vector_load_idx %arg11[%add3A_113, %broadcast_in_dim3A_653] : memref<80x128xf32, #tpu.memory_space<vmem>>[vector<16xi32>, vector<16xi32>], vector<16xf32>,
        %gather3A_655 = tpu.vector_load_idx %arg12[%add3A_113, %broadcast_in_dim3A_653] : memref<80x128xf32, #tpu.memory_space<vmem>>[vector<16xi32>, vector<16xi32>], vector<16xf32>,
        %mul3A_656 = arith.mulf %gather3A_654, %gather3A_655 : vector<16xf32>
        %add3A_657 = arith.addf %add3A_651, %mul3A_656 : vector<16xf32>
        %broadcast_in_dim3A_658 = arith.constant 86 : i32
        %broadcast_in_dim3A_659 = vector.broadcast %broadcast_in_dim3A_658 : i32 to vector<16xi32>
        %gather3A_660 = tpu.vector_load_idx %arg11[%add3A_113, %broadcast_in_dim3A_659] : memref<80x128xf32, #tpu.memory_space<vmem>>[vector<16xi32>, vector<16xi32>], vector<16xf32>,
        %gather3A_661 = tpu.vector_load_idx %arg12[%add3A_113, %broadcast_in_dim3A_659] : memref<80x128xf32, #tpu.memory_space<vmem>>[vector<16xi32>, vector<16xi32>], vector<16xf32>,
        %mul3A_662 = arith.mulf %gather3A_660, %gather3A_661 : vector<16xf32>
        %add3A_663 = arith.addf %add3A_657, %mul3A_662 : vector<16xf32>
        %broadcast_in_dim3A_664 = arith.constant 87 : i32
        %broadcast_in_dim3A_665 = vector.broadcast %broadcast_in_dim3A_664 : i32 to vector<16xi32>
        %gather3A_666 = tpu.vector_load_idx %arg11[%add3A_113, %broadcast_in_dim3A_665] : memref<80x128xf32, #tpu.memory_space<vmem>>[vector<16xi32>, vector<16xi32>], vector<16xf32>,
        %gather3A_667 = tpu.vector_load_idx %arg12[%add3A_113, %broadcast_in_dim3A_665] : memref<80x128xf32, #tpu.memory_space<vmem>>[vector<16xi32>, vector<16xi32>], vector<16xf32>,
        %mul3A_668 = arith.mulf %gather3A_666, %gather3A_667 : vector<16xf32>
        %add3A_669 = arith.addf %add3A_663, %mul3A_668 : vector<16xf32>
        %broadcast_in_dim3A_670 = arith.constant 88 : i32
        %broadcast_in_dim3A_671 = vector.broadcast %broadcast_in_dim3A_670 : i32 to vector<16xi32>
        %gather3A_672 = tpu.vector_load_idx %arg11[%add3A_113, %broadcast_in_dim3A_671] : memref<80x128xf32, #tpu.memory_space<vmem>>[vector<16xi32>, vector<16xi32>], vector<16xf32>,
        %gather3A_673 = tpu.vector_load_idx %arg12[%add3A_113, %broadcast_in_dim3A_671] : memref<80x128xf32, #tpu.memory_space<vmem>>[vector<16xi32>, vector<16xi32>], vector<16xf32>,
        %mul3A_674 = arith.mulf %gather3A_672, %gather3A_673 : vector<16xf32>
        %add3A_675 = arith.addf %add3A_669, %mul3A_674 : vector<16xf32>
        %broadcast_in_dim3A_676 = arith.constant 89 : i32
        %broadcast_in_dim3A_677 = vector.broadcast %broadcast_in_dim3A_676 : i32 to vector<16xi32>
        %gather3A_678 = tpu.vector_load_idx %arg11[%add3A_113, %broadcast_in_dim3A_677] : memref<80x128xf32, #tpu.memory_space<vmem>>[vector<16xi32>, vector<16xi32>], vector<16xf32>,
        %gather3A_679 = tpu.vector_load_idx %arg12[%add3A_113, %broadcast_in_dim3A_677] : memref<80x128xf32, #tpu.memory_space<vmem>>[vector<16xi32>, vector<16xi32>], vector<16xf32>,
        %mul3A_680 = arith.mulf %gather3A_678, %gather3A_679 : vector<16xf32>
        %add3A_681 = arith.addf %add3A_675, %mul3A_680 : vector<16xf32>
        %broadcast_in_dim3A_682 = arith.constant 90 : i32
        %broadcast_in_dim3A_683 = vector.broadcast %broadcast_in_dim3A_682 : i32 to vector<16xi32>
        %gather3A_684 = tpu.vector_load_idx %arg11[%add3A_113, %broadcast_in_dim3A_683] : memref<80x128xf32, #tpu.memory_space<vmem>>[vector<16xi32>, vector<16xi32>], vector<16xf32>,
        %gather3A_685 = tpu.vector_load_idx %arg12[%add3A_113, %broadcast_in_dim3A_683] : memref<80x128xf32, #tpu.memory_space<vmem>>[vector<16xi32>, vector<16xi32>], vector<16xf32>,
        %mul3A_686 = arith.mulf %gather3A_684, %gather3A_685 : vector<16xf32>
        %add3A_687 = arith.addf %add3A_681, %mul3A_686 : vector<16xf32>
        %broadcast_in_dim3A_688 = arith.constant 91 : i32
        %broadcast_in_dim3A_689 = vector.broadcast %broadcast_in_dim3A_688 : i32 to vector<16xi32>
        %gather3A_690 = tpu.vector_load_idx %arg11[%add3A_113, %broadcast_in_dim3A_689] : memref<80x128xf32, #tpu.memory_space<vmem>>[vector<16xi32>, vector<16xi32>], vector<16xf32>,
        %gather3A_691 = tpu.vector_load_idx %arg12[%add3A_113, %broadcast_in_dim3A_689] : memref<80x128xf32, #tpu.memory_space<vmem>>[vector<16xi32>, vector<16xi32>], vector<16xf32>,
        %mul3A_692 = arith.mulf %gather3A_690, %gather3A_691 : vector<16xf32>
        %add3A_693 = arith.addf %add3A_687, %mul3A_692 : vector<16xf32>
        %broadcast_in_dim3A_694 = arith.constant 92 : i32
        %broadcast_in_dim3A_695 = vector.broadcast %broadcast_in_dim3A_694 : i32 to vector<16xi32>
        %gather3A_696 = tpu.vector_load_idx %arg11[%add3A_113, %broadcast_in_dim3A_695] : memref<80x128xf32, #tpu.memory_space<vmem>>[vector<16xi32>, vector<16xi32>], vector<16xf32>,
        %gather3A_697 = tpu.vector_load_idx %arg12[%add3A_113, %broadcast_in_dim3A_695] : memref<80x128xf32, #tpu.memory_space<vmem>>[vector<16xi32>, vector<16xi32>], vector<16xf32>,
        %mul3A_698 = arith.mulf %gather3A_696, %gather3A_697 : vector<16xf32>
        %add3A_699 = arith.addf %add3A_693, %mul3A_698 : vector<16xf32>
        %broadcast_in_dim3A_700 = arith.constant 93 : i32
        %broadcast_in_dim3A_701 = vector.broadcast %broadcast_in_dim3A_700 : i32 to vector<16xi32>
        %gather3A_702 = tpu.vector_load_idx %arg11[%add3A_113, %broadcast_in_dim3A_701] : memref<80x128xf32, #tpu.memory_space<vmem>>[vector<16xi32>, vector<16xi32>], vector<16xf32>,
        %gather3A_703 = tpu.vector_load_idx %arg12[%add3A_113, %broadcast_in_dim3A_701] : memref<80x128xf32, #tpu.memory_space<vmem>>[vector<16xi32>, vector<16xi32>], vector<16xf32>,
        %mul3A_704 = arith.mulf %gather3A_702, %gather3A_703 : vector<16xf32>
        %add3A_705 = arith.addf %add3A_699, %mul3A_704 : vector<16xf32>
        %broadcast_in_dim3A_706 = arith.constant 94 : i32
        %broadcast_in_dim3A_707 = vector.broadcast %broadcast_in_dim3A_706 : i32 to vector<16xi32>
        %gather3A_708 = tpu.vector_load_idx %arg11[%add3A_113, %broadcast_in_dim3A_707] : memref<80x128xf32, #tpu.memory_space<vmem>>[vector<16xi32>, vector<16xi32>], vector<16xf32>,
        %gather3A_709 = tpu.vector_load_idx %arg12[%add3A_113, %broadcast_in_dim3A_707] : memref<80x128xf32, #tpu.memory_space<vmem>>[vector<16xi32>, vector<16xi32>], vector<16xf32>,
        %mul3A_710 = arith.mulf %gather3A_708, %gather3A_709 : vector<16xf32>
        %add3A_711 = arith.addf %add3A_705, %mul3A_710 : vector<16xf32>
        %broadcast_in_dim3A_712 = arith.constant 95 : i32
        %broadcast_in_dim3A_713 = vector.broadcast %broadcast_in_dim3A_712 : i32 to vector<16xi32>
        %gather3A_714 = tpu.vector_load_idx %arg11[%add3A_113, %broadcast_in_dim3A_713] : memref<80x128xf32, #tpu.memory_space<vmem>>[vector<16xi32>, vector<16xi32>], vector<16xf32>,
        %gather3A_715 = tpu.vector_load_idx %arg12[%add3A_113, %broadcast_in_dim3A_713] : memref<80x128xf32, #tpu.memory_space<vmem>>[vector<16xi32>, vector<16xi32>], vector<16xf32>,
        %mul3A_716 = arith.mulf %gather3A_714, %gather3A_715 : vector<16xf32>
        %add3A_717 = arith.addf %add3A_711, %mul3A_716 : vector<16xf32>
        %mul3A_718 = arith.constant 2.500000e-01 : f32
        %mul3A_719 = vector.broadcast %mul3A_718 : f32 to vector<16xf32>
        %mul3A_720 = arith.mulf %add3A_717, %mul3A_719 : vector<16xf32>
        %exp3A_721 = math.exp %mul3A_720 : vector<16xf32>
        %broadcast_in_dim3A_722 = arith.constant 5 : i32
        %broadcast_in_dim3A_723 = vector.broadcast %broadcast_in_dim3A_722 : i32 to vector<16xi32>
        tpu.vector_store_idx %arg14[%add3A_113, %broadcast_in_dim3A_723], %exp3A_721 : memref<80x16xf32, #tpu.memory_space<vmem>>[vector<16xi32>, vector<16xi32>], vector<16xf32>,
        %broadcast_in_dim3A_724 = arith.constant 96 : i32
        %broadcast_in_dim3A_725 = vector.broadcast %broadcast_in_dim3A_724 : i32 to vector<16xi32>
        %gather3A_726 = tpu.vector_load_idx %arg11[%add3A_113, %broadcast_in_dim3A_725] : memref<80x128xf32, #tpu.memory_space<vmem>>[vector<16xi32>, vector<16xi32>], vector<16xf32>,
        %gather3A_727 = tpu.vector_load_idx %arg12[%add3A_113, %broadcast_in_dim3A_725] : memref<80x128xf32, #tpu.memory_space<vmem>>[vector<16xi32>, vector<16xi32>], vector<16xf32>,
        %mul3A_728 = arith.mulf %gather3A_726, %gather3A_727 : vector<16xf32>
        %add3A_729 = arith.addf %broadcast_in_dim3A_0, %mul3A_728 : vector<16xf32>
        %broadcast_in_dim3A_730 = arith.constant 97 : i32
        %broadcast_in_dim3A_731 = vector.broadcast %broadcast_in_dim3A_730 : i32 to vector<16xi32>
        %gather3A_732 = tpu.vector_load_idx %arg11[%add3A_113, %broadcast_in_dim3A_731] : memref<80x128xf32, #tpu.memory_space<vmem>>[vector<16xi32>, vector<16xi32>], vector<16xf32>,
        %gather3A_733 = tpu.vector_load_idx %arg12[%add3A_113, %broadcast_in_dim3A_731] : memref<80x128xf32, #tpu.memory_space<vmem>>[vector<16xi32>, vector<16xi32>], vector<16xf32>,
        %mul3A_734 = arith.mulf %gather3A_732, %gather3A_733 : vector<16xf32>
        %add3A_735 = arith.addf %add3A_729, %mul3A_734 : vector<16xf32>
        %broadcast_in_dim3A_736 = arith.constant 98 : i32
        %broadcast_in_dim3A_737 = vector.broadcast %broadcast_in_dim3A_736 : i32 to vector<16xi32>
        %gather3A_738 = tpu.vector_load_idx %arg11[%add3A_113, %broadcast_in_dim3A_737] : memref<80x128xf32, #tpu.memory_space<vmem>>[vector<16xi32>, vector<16xi32>], vector<16xf32>,
        %gather3A_739 = tpu.vector_load_idx %arg12[%add3A_113, %broadcast_in_dim3A_737] : memref<80x128xf32, #tpu.memory_space<vmem>>[vector<16xi32>, vector<16xi32>], vector<16xf32>,
        %mul3A_740 = arith.mulf %gather3A_738, %gather3A_739 : vector<16xf32>
        %add3A_741 = arith.addf %add3A_735, %mul3A_740 : vector<16xf32>
        %broadcast_in_dim3A_742 = arith.constant 99 : i32
        %broadcast_in_dim3A_743 = vector.broadcast %broadcast_in_dim3A_742 : i32 to vector<16xi32>
        %gather3A_744 = tpu.vector_load_idx %arg11[%add3A_113, %broadcast_in_dim3A_743] : memref<80x128xf32, #tpu.memory_space<vmem>>[vector<16xi32>, vector<16xi32>], vector<16xf32>,
        %gather3A_745 = tpu.vector_load_idx %arg12[%add3A_113, %broadcast_in_dim3A_743] : memref<80x128xf32, #tpu.memory_space<vmem>>[vector<16xi32>, vector<16xi32>], vector<16xf32>,
        %mul3A_746 = arith.mulf %gather3A_744, %gather3A_745 : vector<16xf32>
        %add3A_747 = arith.addf %add3A_741, %mul3A_746 : vector<16xf32>
        %broadcast_in_dim3A_748 = arith.constant 100 : i32
        %broadcast_in_dim3A_749 = vector.broadcast %broadcast_in_dim3A_748 : i32 to vector<16xi32>
        %gather3A_750 = tpu.vector_load_idx %arg11[%add3A_113, %broadcast_in_dim3A_749] : memref<80x128xf32, #tpu.memory_space<vmem>>[vector<16xi32>, vector<16xi32>], vector<16xf32>,
        %gather3A_751 = tpu.vector_load_idx %arg12[%add3A_113, %broadcast_in_dim3A_749] : memref<80x128xf32, #tpu.memory_space<vmem>>[vector<16xi32>, vector<16xi32>], vector<16xf32>,
        %mul3A_752 = arith.mulf %gather3A_750, %gather3A_751 : vector<16xf32>
        %add3A_753 = arith.addf %add3A_747, %mul3A_752 : vector<16xf32>
        %broadcast_in_dim3A_754 = arith.constant 101 : i32
        %broadcast_in_dim3A_755 = vector.broadcast %broadcast_in_dim3A_754 : i32 to vector<16xi32>
        %gather3A_756 = tpu.vector_load_idx %arg11[%add3A_113, %broadcast_in_dim3A_755] : memref<80x128xf32, #tpu.memory_space<vmem>>[vector<16xi32>, vector<16xi32>], vector<16xf32>,
        %gather3A_757 = tpu.vector_load_idx %arg12[%add3A_113, %broadcast_in_dim3A_755] : memref<80x128xf32, #tpu.memory_space<vmem>>[vector<16xi32>, vector<16xi32>], vector<16xf32>,
        %mul3A_758 = arith.mulf %gather3A_756, %gather3A_757 : vector<16xf32>
        %add3A_759 = arith.addf %add3A_753, %mul3A_758 : vector<16xf32>
        %broadcast_in_dim3A_760 = arith.constant 102 : i32
        %broadcast_in_dim3A_761 = vector.broadcast %broadcast_in_dim3A_760 : i32 to vector<16xi32>
        %gather3A_762 = tpu.vector_load_idx %arg11[%add3A_113, %broadcast_in_dim3A_761] : memref<80x128xf32, #tpu.memory_space<vmem>>[vector<16xi32>, vector<16xi32>], vector<16xf32>,
        %gather3A_763 = tpu.vector_load_idx %arg12[%add3A_113, %broadcast_in_dim3A_761] : memref<80x128xf32, #tpu.memory_space<vmem>>[vector<16xi32>, vector<16xi32>], vector<16xf32>,
        %mul3A_764 = arith.mulf %gather3A_762, %gather3A_763 : vector<16xf32>
        %add3A_765 = arith.addf %add3A_759, %mul3A_764 : vector<16xf32>
        %broadcast_in_dim3A_766 = arith.constant 103 : i32
        %broadcast_in_dim3A_767 = vector.broadcast %broadcast_in_dim3A_766 : i32 to vector<16xi32>
        %gather3A_768 = tpu.vector_load_idx %arg11[%add3A_113, %broadcast_in_dim3A_767] : memref<80x128xf32, #tpu.memory_space<vmem>>[vector<16xi32>, vector<16xi32>], vector<16xf32>,
        %gather3A_769 = tpu.vector_load_idx %arg12[%add3A_113, %broadcast_in_dim3A_767] : memref<80x128xf32, #tpu.memory_space<vmem>>[vector<16xi32>, vector<16xi32>], vector<16xf32>,
        %mul3A_770 = arith.mulf %gather3A_768, %gather3A_769 : vector<16xf32>
        %add3A_771 = arith.addf %add3A_765, %mul3A_770 : vector<16xf32>
        %broadcast_in_dim3A_772 = arith.constant 104 : i32
        %broadcast_in_dim3A_773 = vector.broadcast %broadcast_in_dim3A_772 : i32 to vector<16xi32>
        %gather3A_774 = tpu.vector_load_idx %arg11[%add3A_113, %broadcast_in_dim3A_773] : memref<80x128xf32, #tpu.memory_space<vmem>>[vector<16xi32>, vector<16xi32>], vector<16xf32>,
        %gather3A_775 = tpu.vector_load_idx %arg12[%add3A_113, %broadcast_in_dim3A_773] : memref<80x128xf32, #tpu.memory_space<vmem>>[vector<16xi32>, vector<16xi32>], vector<16xf32>,
        %mul3A_776 = arith.mulf %gather3A_774, %gather3A_775 : vector<16xf32>
        %add3A_777 = arith.addf %add3A_771, %mul3A_776 : vector<16xf32>
        %broadcast_in_dim3A_778 = arith.constant 105 : i32
        %broadcast_in_dim3A_779 = vector.broadcast %broadcast_in_dim3A_778 : i32 to vector<16xi32>
        %gather3A_780 = tpu.vector_load_idx %arg11[%add3A_113, %broadcast_in_dim3A_779] : memref<80x128xf32, #tpu.memory_space<vmem>>[vector<16xi32>, vector<16xi32>], vector<16xf32>,
        %gather3A_781 = tpu.vector_load_idx %arg12[%add3A_113, %broadcast_in_dim3A_779] : memref<80x128xf32, #tpu.memory_space<vmem>>[vector<16xi32>, vector<16xi32>], vector<16xf32>,
        %mul3A_782 = arith.mulf %gather3A_780, %gather3A_781 : vector<16xf32>
        %add3A_783 = arith.addf %add3A_777, %mul3A_782 : vector<16xf32>
        %broadcast_in_dim3A_784 = arith.constant 106 : i32
        %broadcast_in_dim3A_785 = vector.broadcast %broadcast_in_dim3A_784 : i32 to vector<16xi32>
        %gather3A_786 = tpu.vector_load_idx %arg11[%add3A_113, %broadcast_in_dim3A_785] : memref<80x128xf32, #tpu.memory_space<vmem>>[vector<16xi32>, vector<16xi32>], vector<16xf32>,
        %gather3A_787 = tpu.vector_load_idx %arg12[%add3A_113, %broadcast_in_dim3A_785] : memref<80x128xf32, #tpu.memory_space<vmem>>[vector<16xi32>, vector<16xi32>], vector<16xf32>,
        %mul3A_788 = arith.mulf %gather3A_786, %gather3A_787 : vector<16xf32>
        %add3A_789 = arith.addf %add3A_783, %mul3A_788 : vector<16xf32>
        %broadcast_in_dim3A_790 = arith.constant 107 : i32
        %broadcast_in_dim3A_791 = vector.broadcast %broadcast_in_dim3A_790 : i32 to vector<16xi32>
        %gather3A_792 = tpu.vector_load_idx %arg11[%add3A_113, %broadcast_in_dim3A_791] : memref<80x128xf32, #tpu.memory_space<vmem>>[vector<16xi32>, vector<16xi32>], vector<16xf32>,
        %gather3A_793 = tpu.vector_load_idx %arg12[%add3A_113, %broadcast_in_dim3A_791] : memref<80x128xf32, #tpu.memory_space<vmem>>[vector<16xi32>, vector<16xi32>], vector<16xf32>,
        %mul3A_794 = arith.mulf %gather3A_792, %gather3A_793 : vector<16xf32>
        %add3A_795 = arith.addf %add3A_789, %mul3A_794 : vector<16xf32>
        %broadcast_in_dim3A_796 = arith.constant 108 : i32
        %broadcast_in_dim3A_797 = vector.broadcast %broadcast_in_dim3A_796 : i32 to vector<16xi32>
        %gather3A_798 = tpu.vector_load_idx %arg11[%add3A_113, %broadcast_in_dim3A_797] : memref<80x128xf32, #tpu.memory_space<vmem>>[vector<16xi32>, vector<16xi32>], vector<16xf32>,
        %gather3A_799 = tpu.vector_load_idx %arg12[%add3A_113, %broadcast_in_dim3A_797] : memref<80x128xf32, #tpu.memory_space<vmem>>[vector<16xi32>, vector<16xi32>], vector<16xf32>,
        %mul3A_800 = arith.mulf %gather3A_798, %gather3A_799 : vector<16xf32>
        %add3A_801 = arith.addf %add3A_795, %mul3A_800 : vector<16xf32>
        %broadcast_in_dim3A_802 = arith.constant 109 : i32
        %broadcast_in_dim3A_803 = vector.broadcast %broadcast_in_dim3A_802 : i32 to vector<16xi32>
        %gather3A_804 = tpu.vector_load_idx %arg11[%add3A_113, %broadcast_in_dim3A_803] : memref<80x128xf32, #tpu.memory_space<vmem>>[vector<16xi32>, vector<16xi32>], vector<16xf32>,
        %gather3A_805 = tpu.vector_load_idx %arg12[%add3A_113, %broadcast_in_dim3A_803] : memref<80x128xf32, #tpu.memory_space<vmem>>[vector<16xi32>, vector<16xi32>], vector<16xf32>,
        %mul3A_806 = arith.mulf %gather3A_804, %gather3A_805 : vector<16xf32>
        %add3A_807 = arith.addf %add3A_801, %mul3A_806 : vector<16xf32>
        %broadcast_in_dim3A_808 = arith.constant 110 : i32
        %broadcast_in_dim3A_809 = vector.broadcast %broadcast_in_dim3A_808 : i32 to vector<16xi32>
        %gather3A_810 = tpu.vector_load_idx %arg11[%add3A_113, %broadcast_in_dim3A_809] : memref<80x128xf32, #tpu.memory_space<vmem>>[vector<16xi32>, vector<16xi32>], vector<16xf32>,
        %gather3A_811 = tpu.vector_load_idx %arg12[%add3A_113, %broadcast_in_dim3A_809] : memref<80x128xf32, #tpu.memory_space<vmem>>[vector<16xi32>, vector<16xi32>], vector<16xf32>,
        %mul3A_812 = arith.mulf %gather3A_810, %gather3A_811 : vector<16xf32>
        %add3A_813 = arith.addf %add3A_807, %mul3A_812 : vector<16xf32>
        %broadcast_in_dim3A_814 = arith.constant 111 : i32
        %broadcast_in_dim3A_815 = vector.broadcast %broadcast_in_dim3A_814 : i32 to vector<16xi32>
        %gather3A_816 = tpu.vector_load_idx %arg11[%add3A_113, %broadcast_in_dim3A_815] : memref<80x128xf32, #tpu.memory_space<vmem>>[vector<16xi32>, vector<16xi32>], vector<16xf32>,
        %gather3A_817 = tpu.vector_load_idx %arg12[%add3A_113, %broadcast_in_dim3A_815] : memref<80x128xf32, #tpu.memory_space<vmem>>[vector<16xi32>, vector<16xi32>], vector<16xf32>,
        %mul3A_818 = arith.mulf %gather3A_816, %gather3A_817 : vector<16xf32>
        %add3A_819 = arith.addf %add3A_813, %mul3A_818 : vector<16xf32>
        %mul3A_820 = arith.constant 2.500000e-01 : f32
        %mul3A_821 = vector.broadcast %mul3A_820 : f32 to vector<16xf32>
        %mul3A_822 = arith.mulf %add3A_819, %mul3A_821 : vector<16xf32>
        %exp3A_823 = math.exp %mul3A_822 : vector<16xf32>
        %broadcast_in_dim3A_824 = arith.constant 6 : i32
        %broadcast_in_dim3A_825 = vector.broadcast %broadcast_in_dim3A_824 : i32 to vector<16xi32>
        tpu.vector_store_idx %arg14[%add3A_113, %broadcast_in_dim3A_825], %exp3A_823 : memref<80x16xf32, #tpu.memory_space<vmem>>[vector<16xi32>, vector<16xi32>], vector<16xf32>,
        %broadcast_in_dim3A_826 = arith.constant 112 : i32
        %broadcast_in_dim3A_827 = vector.broadcast %broadcast_in_dim3A_826 : i32 to vector<16xi32>
        %gather3A_828 = tpu.vector_load_idx %arg11[%add3A_113, %broadcast_in_dim3A_827] : memref<80x128xf32, #tpu.memory_space<vmem>>[vector<16xi32>, vector<16xi32>], vector<16xf32>,
        %gather3A_829 = tpu.vector_load_idx %arg12[%add3A_113, %broadcast_in_dim3A_827] : memref<80x128xf32, #tpu.memory_space<vmem>>[vector<16xi32>, vector<16xi32>], vector<16xf32>,
        %mul3A_830 = arith.mulf %gather3A_828, %gather3A_829 : vector<16xf32>
        %add3A_831 = arith.addf %broadcast_in_dim3A_0, %mul3A_830 : vector<16xf32>
        %broadcast_in_dim3A_832 = arith.constant 113 : i32
        %broadcast_in_dim3A_833 = vector.broadcast %broadcast_in_dim3A_832 : i32 to vector<16xi32>
        %gather3A_834 = tpu.vector_load_idx %arg11[%add3A_113, %broadcast_in_dim3A_833] : memref<80x128xf32, #tpu.memory_space<vmem>>[vector<16xi32>, vector<16xi32>], vector<16xf32>,
        %gather3A_835 = tpu.vector_load_idx %arg12[%add3A_113, %broadcast_in_dim3A_833] : memref<80x128xf32, #tpu.memory_space<vmem>>[vector<16xi32>, vector<16xi32>], vector<16xf32>,
        %mul3A_836 = arith.mulf %gather3A_834, %gather3A_835 : vector<16xf32>
        %add3A_837 = arith.addf %add3A_831, %mul3A_836 : vector<16xf32>
        %broadcast_in_dim3A_838 = arith.constant 114 : i32
        %broadcast_in_dim3A_839 = vector.broadcast %broadcast_in_dim3A_838 : i32 to vector<16xi32>
        %gather3A_840 = tpu.vector_load_idx %arg11[%add3A_113, %broadcast_in_dim3A_839] : memref<80x128xf32, #tpu.memory_space<vmem>>[vector<16xi32>, vector<16xi32>], vector<16xf32>,
        %gather3A_841 = tpu.vector_load_idx %arg12[%add3A_113, %broadcast_in_dim3A_839] : memref<80x128xf32, #tpu.memory_space<vmem>>[vector<16xi32>, vector<16xi32>], vector<16xf32>,
        %mul3A_842 = arith.mulf %gather3A_840, %gather3A_841 : vector<16xf32>
        %add3A_843 = arith.addf %add3A_837, %mul3A_842 : vector<16xf32>
        %broadcast_in_dim3A_844 = arith.constant 115 : i32
        %broadcast_in_dim3A_845 = vector.broadcast %broadcast_in_dim3A_844 : i32 to vector<16xi32>
        %gather3A_846 = tpu.vector_load_idx %arg11[%add3A_113, %broadcast_in_dim3A_845] : memref<80x128xf32, #tpu.memory_space<vmem>>[vector<16xi32>, vector<16xi32>], vector<16xf32>,
        %gather3A_847 = tpu.vector_load_idx %arg12[%add3A_113, %broadcast_in_dim3A_845] : memref<80x128xf32, #tpu.memory_space<vmem>>[vector<16xi32>, vector<16xi32>], vector<16xf32>,
        %mul3A_848 = arith.mulf %gather3A_846, %gather3A_847 : vector<16xf32>
        %add3A_849 = arith.addf %add3A_843, %mul3A_848 : vector<16xf32>
        %broadcast_in_dim3A_850 = arith.constant 116 : i32
        %broadcast_in_dim3A_851 = vector.broadcast %broadcast_in_dim3A_850 : i32 to vector<16xi32>
        %gather3A_852 = tpu.vector_load_idx %arg11[%add3A_113, %broadcast_in_dim3A_851] : memref<80x128xf32, #tpu.memory_space<vmem>>[vector<16xi32>, vector<16xi32>], vector<16xf32>,
        %gather3A_853 = tpu.vector_load_idx %arg12[%add3A_113, %broadcast_in_dim3A_851] : memref<80x128xf32, #tpu.memory_space<vmem>>[vector<16xi32>, vector<16xi32>], vector<16xf32>,
        %mul3A_854 = arith.mulf %gather3A_852, %gather3A_853 : vector<16xf32>
        %add3A_855 = arith.addf %add3A_849, %mul3A_854 : vector<16xf32>
        %broadcast_in_dim3A_856 = arith.constant 117 : i32
        %broadcast_in_dim3A_857 = vector.broadcast %broadcast_in_dim3A_856 : i32 to vector<16xi32>
        %gather3A_858 = tpu.vector_load_idx %arg11[%add3A_113, %broadcast_in_dim3A_857] : memref<80x128xf32, #tpu.memory_space<vmem>>[vector<16xi32>, vector<16xi32>], vector<16xf32>,
        %gather3A_859 = tpu.vector_load_idx %arg12[%add3A_113, %broadcast_in_dim3A_857] : memref<80x128xf32, #tpu.memory_space<vmem>>[vector<16xi32>, vector<16xi32>], vector<16xf32>,
        %mul3A_860 = arith.mulf %gather3A_858, %gather3A_859 : vector<16xf32>
        %add3A_861 = arith.addf %add3A_855, %mul3A_860 : vector<16xf32>
        %broadcast_in_dim3A_862 = arith.constant 118 : i32
        %broadcast_in_dim3A_863 = vector.broadcast %broadcast_in_dim3A_862 : i32 to vector<16xi32>
        %gather3A_864 = tpu.vector_load_idx %arg11[%add3A_113, %broadcast_in_dim3A_863] : memref<80x128xf32, #tpu.memory_space<vmem>>[vector<16xi32>, vector<16xi32>], vector<16xf32>,
        %gather3A_865 = tpu.vector_load_idx %arg12[%add3A_113, %broadcast_in_dim3A_863] : memref<80x128xf32, #tpu.memory_space<vmem>>[vector<16xi32>, vector<16xi32>], vector<16xf32>,
        %mul3A_866 = arith.mulf %gather3A_864, %gather3A_865 : vector<16xf32>
        %add3A_867 = arith.addf %add3A_861, %mul3A_866 : vector<16xf32>
        %broadcast_in_dim3A_868 = arith.constant 119 : i32
        %broadcast_in_dim3A_869 = vector.broadcast %broadcast_in_dim3A_868 : i32 to vector<16xi32>
        %gather3A_870 = tpu.vector_load_idx %arg11[%add3A_113, %broadcast_in_dim3A_869] : memref<80x128xf32, #tpu.memory_space<vmem>>[vector<16xi32>, vector<16xi32>], vector<16xf32>,
        %gather3A_871 = tpu.vector_load_idx %arg12[%add3A_113, %broadcast_in_dim3A_869] : memref<80x128xf32, #tpu.memory_space<vmem>>[vector<16xi32>, vector<16xi32>], vector<16xf32>,
        %mul3A_872 = arith.mulf %gather3A_870, %gather3A_871 : vector<16xf32>
        %add3A_873 = arith.addf %add3A_867, %mul3A_872 : vector<16xf32>
        %broadcast_in_dim3A_874 = arith.constant 120 : i32
        %broadcast_in_dim3A_875 = vector.broadcast %broadcast_in_dim3A_874 : i32 to vector<16xi32>
        %gather3A_876 = tpu.vector_load_idx %arg11[%add3A_113, %broadcast_in_dim3A_875] : memref<80x128xf32, #tpu.memory_space<vmem>>[vector<16xi32>, vector<16xi32>], vector<16xf32>,
        %gather3A_877 = tpu.vector_load_idx %arg12[%add3A_113, %broadcast_in_dim3A_875] : memref<80x128xf32, #tpu.memory_space<vmem>>[vector<16xi32>, vector<16xi32>], vector<16xf32>,
        %mul3A_878 = arith.mulf %gather3A_876, %gather3A_877 : vector<16xf32>
        %add3A_879 = arith.addf %add3A_873, %mul3A_878 : vector<16xf32>
        %broadcast_in_dim3A_880 = arith.constant 121 : i32
        %broadcast_in_dim3A_881 = vector.broadcast %broadcast_in_dim3A_880 : i32 to vector<16xi32>
        %gather3A_882 = tpu.vector_load_idx %arg11[%add3A_113, %broadcast_in_dim3A_881] : memref<80x128xf32, #tpu.memory_space<vmem>>[vector<16xi32>, vector<16xi32>], vector<16xf32>,
        %gather3A_883 = tpu.vector_load_idx %arg12[%add3A_113, %broadcast_in_dim3A_881] : memref<80x128xf32, #tpu.memory_space<vmem>>[vector<16xi32>, vector<16xi32>], vector<16xf32>,
        %mul3A_884 = arith.mulf %gather3A_882, %gather3A_883 : vector<16xf32>
        %add3A_885 = arith.addf %add3A_879, %mul3A_884 : vector<16xf32>
        %broadcast_in_dim3A_886 = arith.constant 122 : i32
        %broadcast_in_dim3A_887 = vector.broadcast %broadcast_in_dim3A_886 : i32 to vector<16xi32>
        %gather3A_888 = tpu.vector_load_idx %arg11[%add3A_113, %broadcast_in_dim3A_887] : memref<80x128xf32, #tpu.memory_space<vmem>>[vector<16xi32>, vector<16xi32>], vector<16xf32>,
        %gather3A_889 = tpu.vector_load_idx %arg12[%add3A_113, %broadcast_in_dim3A_887] : memref<80x128xf32, #tpu.memory_space<vmem>>[vector<16xi32>, vector<16xi32>], vector<16xf32>,
        %mul3A_890 = arith.mulf %gather3A_888, %gather3A_889 : vector<16xf32>
        %add3A_891 = arith.addf %add3A_885, %mul3A_890 : vector<16xf32>
        %broadcast_in_dim3A_892 = arith.constant 123 : i32
        %broadcast_in_dim3A_893 = vector.broadcast %broadcast_in_dim3A_892 : i32 to vector<16xi32>
        %gather3A_894 = tpu.vector_load_idx %arg11[%add3A_113, %broadcast_in_dim3A_893] : memref<80x128xf32, #tpu.memory_space<vmem>>[vector<16xi32>, vector<16xi32>], vector<16xf32>,
        %gather3A_895 = tpu.vector_load_idx %arg12[%add3A_113, %broadcast_in_dim3A_893] : memref<80x128xf32, #tpu.memory_space<vmem>>[vector<16xi32>, vector<16xi32>], vector<16xf32>,
        %mul3A_896 = arith.mulf %gather3A_894, %gather3A_895 : vector<16xf32>
        %add3A_897 = arith.addf %add3A_891, %mul3A_896 : vector<16xf32>
        %broadcast_in_dim3A_898 = arith.constant 124 : i32
        %broadcast_in_dim3A_899 = vector.broadcast %broadcast_in_dim3A_898 : i32 to vector<16xi32>
        %gather3A_900 = tpu.vector_load_idx %arg11[%add3A_113, %broadcast_in_dim3A_899] : memref<80x128xf32, #tpu.memory_space<vmem>>[vector<16xi32>, vector<16xi32>], vector<16xf32>,
        %gather3A_901 = tpu.vector_load_idx %arg12[%add3A_113, %broadcast_in_dim3A_899] : memref<80x128xf32, #tpu.memory_space<vmem>>[vector<16xi32>, vector<16xi32>], vector<16xf32>,
        %mul3A_902 = arith.mulf %gather3A_900, %gather3A_901 : vector<16xf32>
        %add3A_903 = arith.addf %add3A_897, %mul3A_902 : vector<16xf32>
        %broadcast_in_dim3A_904 = arith.constant 125 : i32
        %broadcast_in_dim3A_905 = vector.broadcast %broadcast_in_dim3A_904 : i32 to vector<16xi32>
        %gather3A_906 = tpu.vector_load_idx %arg11[%add3A_113, %broadcast_in_dim3A_905] : memref<80x128xf32, #tpu.memory_space<vmem>>[vector<16xi32>, vector<16xi32>], vector<16xf32>,
        %gather3A_907 = tpu.vector_load_idx %arg12[%add3A_113, %broadcast_in_dim3A_905] : memref<80x128xf32, #tpu.memory_space<vmem>>[vector<16xi32>, vector<16xi32>], vector<16xf32>,
        %mul3A_908 = arith.mulf %gather3A_906, %gather3A_907 : vector<16xf32>
        %add3A_909 = arith.addf %add3A_903, %mul3A_908 : vector<16xf32>
        %broadcast_in_dim3A_910 = arith.constant 126 : i32
        %broadcast_in_dim3A_911 = vector.broadcast %broadcast_in_dim3A_910 : i32 to vector<16xi32>
        %gather3A_912 = tpu.vector_load_idx %arg11[%add3A_113, %broadcast_in_dim3A_911] : memref<80x128xf32, #tpu.memory_space<vmem>>[vector<16xi32>, vector<16xi32>], vector<16xf32>,
        %gather3A_913 = tpu.vector_load_idx %arg12[%add3A_113, %broadcast_in_dim3A_911] : memref<80x128xf32, #tpu.memory_space<vmem>>[vector<16xi32>, vector<16xi32>], vector<16xf32>,
        %mul3A_914 = arith.mulf %gather3A_912, %gather3A_913 : vector<16xf32>
        %add3A_915 = arith.addf %add3A_909, %mul3A_914 : vector<16xf32>
        %broadcast_in_dim3A_916 = arith.constant 127 : i32
        %broadcast_in_dim3A_917 = vector.broadcast %broadcast_in_dim3A_916 : i32 to vector<16xi32>
        %gather3A_918 = tpu.vector_load_idx %arg11[%add3A_113, %broadcast_in_dim3A_917] : memref<80x128xf32, #tpu.memory_space<vmem>>[vector<16xi32>, vector<16xi32>], vector<16xf32>,
        %gather3A_919 = tpu.vector_load_idx %arg12[%add3A_113, %broadcast_in_dim3A_917] : memref<80x128xf32, #tpu.memory_space<vmem>>[vector<16xi32>, vector<16xi32>], vector<16xf32>,
        %mul3A_920 = arith.mulf %gather3A_918, %gather3A_919 : vector<16xf32>
        %add3A_921 = arith.addf %add3A_915, %mul3A_920 : vector<16xf32>
        %mul3A_922 = arith.constant 2.500000e-01 : f32
        %mul3A_923 = vector.broadcast %mul3A_922 : f32 to vector<16xf32>
        %mul3A_924 = arith.mulf %add3A_921, %mul3A_923 : vector<16xf32>
        %exp3A_925 = math.exp %mul3A_924 : vector<16xf32>
        %broadcast_in_dim3A_926 = arith.constant 7 : i32
        %broadcast_in_dim3A_927 = vector.broadcast %broadcast_in_dim3A_926 : i32 to vector<16xi32>
        tpu.vector_store_idx %arg14[%add3A_113, %broadcast_in_dim3A_927], %exp3A_925 : memref<80x16xf32, #tpu.memory_space<vmem>>[vector<16xi32>, vector<16xi32>], vector<16xf32>,
        %scan3A_928 = arith.constant 0 : i32
        scf.yield %scan3A_928 : i32
      }
      %scan3A_106 = arith.constant 5 : i32
      "tpu.region"() ({
        %run_scoped3A = tpu.sem_alloc : memref<!tpu.dma_semaphore, #tpu.memory_space<semaphore_mem>>
        %dma_start3A_108 = arith.constant 0 : i32
        %dma_start3A_109 = arith.constant 0 : i32
        %dma_start3A_110 = tpu.memref_slice %arg15[%dma_start3A_108, %dma_start3A_109] : memref<10000x16xf32, #tpu.memory_space<vmem_shared>> -> memref<10000x16xf32, #tpu.memory_space<vmem_shared>>
        tpu.enqueue_indirect_dma source(%arg14 : memref<80x16xf32, #tpu.memory_space<vmem>>) target(%dma_start3A_110 : memref<10000x16xf32, #tpu.memory_space<vmem_shared>>) offsets(%arg9 : memref<80xi32, #tpu.memory_space<vmem>>) semaphore(%run_scoped3A : memref<!tpu.dma_semaphore, #tpu.memory_space<semaphore_mem>>) {add = true}
        %dma_wait3A_111 = arith.constant 0 : i32
        %dma_wait3A_112 = arith.constant 0 : i32
        %dma_wait3A_113 = tpu.memref_slice %arg15[%dma_wait3A_111, %dma_wait3A_112] : memref<10000x16xf32, #tpu.memory_space<vmem_shared>> -> memref<10000x16xf32, #tpu.memory_space<vmem_shared>>
        tpu.wait_indirect_dma semaphore(%run_scoped3A : memref<!tpu.dma_semaphore, #tpu.memory_space<semaphore_mem>>) src(%arg14 : memref<80x16xf32, #tpu.memory_space<vmem>>) dst(%dma_wait3A_113 : memref<10000x16xf32, #tpu.memory_space<vmem_shared>>)
        tpu.yield
      }) : () -> ()
      "tpu.region"() ({
        %run_scoped3A = tpu.sem_alloc : memref<!tpu.dma_semaphore, #tpu.memory_space<semaphore_mem>>
        %dma_start3A_108 = arith.constant 0 : i32
        %dma_start3A_109 = arith.constant 0 : i32
        %dma_start3A_110 = tpu.memref_slice %arg16[%dma_start3A_108, %dma_start3A_109] : memref<10000x128xf32, #tpu.memory_space<vmem_shared>> -> memref<10000x128xf32, #tpu.memory_space<vmem_shared>>
        tpu.enqueue_indirect_dma source(%arg13 : memref<80x128xf32, #tpu.memory_space<vmem>>) target(%dma_start3A_110 : memref<10000x128xf32, #tpu.memory_space<vmem_shared>>) offsets(%arg9 : memref<80xi32, #tpu.memory_space<vmem>>) semaphore(%run_scoped3A : memref<!tpu.dma_semaphore, #tpu.memory_space<semaphore_mem>>) {add = true}
        %dma_wait3A_111 = arith.constant 0 : i32
        %dma_wait3A_112 = arith.constant 0 : i32
        %dma_wait3A_113 = tpu.memref_slice %arg16[%dma_wait3A_111, %dma_wait3A_112] : memref<10000x128xf32, #tpu.memory_space<vmem_shared>> -> memref<10000x128xf32, #tpu.memory_space<vmem_shared>>
        tpu.wait_indirect_dma semaphore(%run_scoped3A : memref<!tpu.dma_semaphore, #tpu.memory_space<semaphore_mem>>) src(%arg13 : memref<80x128xf32, #tpu.memory_space<vmem>>) dst(%dma_wait3A_113 : memref<10000x128xf32, #tpu.memory_space<vmem_shared>>)
        tpu.yield
      }) : () -> ()
      %scan3A_107 = arith.constant 0 : i32
      scf.yield %scan3A_107 : i32
    }
    %scan3A_67 = arith.constant 125 : i32
    %barrier3A_68 = arith.constant 0 : index
    tpu.barrier barrier_id(%barrier3A_68)
    %ne3A = arith.constant 15 : i32
    %ne3A_69 = arith.cmpi ne, %arg1, %ne3A : i32
    %convert_element_type3A_70 = arith.extui %ne3A_69 : i1 to i32
    %cond3A_71 = arith.constant 0 : i32
    %cond3A_72 = arith.cmpi ne, %convert_element_type3A_70, %cond3A_71 : i32
    scf.if %cond3A_72 {
      %mul3A_77 = arith.constant 632 : i32
      %mul3A_78 = arith.muli %arg1, %mul3A_77 : i32
      %mul3A_79 = arith.constant 632 : i32
      %mul3A_80 = arith.muli %arg1, %mul3A_79 : i32
      "tpu.region"() ({
        %run_scoped3A = tpu.sem_alloc : memref<!tpu.dma_semaphore, #tpu.memory_space<semaphore_mem>>
        %dma_start3A = arith.constant 0 : i32
        %dma_start3A_85 = tpu.memref_slice %arg7[%arg0, %mul3A_80, %dma_start3A] : memref<2x10000x16xf32, #tpu.memory_space<hbm>> -> memref<1x632x16xf32, #tpu.memory_space<hbm>>
        %dma_start3A_86 = tpu.memref_squeeze %dma_start3A_85 : memref<1x632x16xf32, #tpu.memory_space<hbm>> -> memref<632x16xf32, #tpu.memory_space<hbm>>
        %dma_start3A_87 = arith.constant 0 : i32
        %dma_start3A_88 = tpu.memref_slice %arg15[%mul3A_78, %dma_start3A_87] : memref<10000x16xf32, #tpu.memory_space<vmem_shared>> -> memref<632x16xf32, #tpu.memory_space<vmem_shared>>
        tpu.enqueue_dma source(%dma_start3A_88 : memref<632x16xf32, #tpu.memory_space<vmem_shared>>) target(%dma_start3A_86 : memref<632x16xf32, #tpu.memory_space<hbm>>) target_semaphore(%run_scoped3A : memref<!tpu.dma_semaphore, #tpu.memory_space<semaphore_mem>>)
        %dma_wait3A = arith.constant 0 : i32
        %dma_wait3A_89 = tpu.memref_slice %arg7[%arg0, %mul3A_80, %dma_wait3A] : memref<2x10000x16xf32, #tpu.memory_space<hbm>> -> memref<1x632x16xf32, #tpu.memory_space<hbm>>
        %dma_wait3A_90 = tpu.memref_squeeze %dma_wait3A_89 : memref<1x632x16xf32, #tpu.memory_space<hbm>> -> memref<632x16xf32, #tpu.memory_space<hbm>>
        %dma_wait3A_91 = arith.constant 0 : i32
        %dma_wait3A_92 = tpu.memref_slice %arg15[%mul3A_78, %dma_wait3A_91] : memref<10000x16xf32, #tpu.memory_space<vmem_shared>> -> memref<632x16xf32, #tpu.memory_space<vmem_shared>>
        tpu.wait_dma2 semaphore(%run_scoped3A : memref<!tpu.dma_semaphore, #tpu.memory_space<semaphore_mem>>) src(%dma_wait3A_92 : memref<632x16xf32, #tpu.memory_space<vmem_shared>>) dst(%dma_wait3A_90 : memref<632x16xf32, #tpu.memory_space<hbm>>)
        tpu.yield
      }) : () -> ()
      %mul3A_81 = arith.constant 632 : i32
      %mul3A_82 = arith.muli %arg1, %mul3A_81 : i32
      %mul3A_83 = arith.constant 632 : i32
      %mul3A_84 = arith.muli %arg1, %mul3A_83 : i32
      "tpu.region"() ({
        %run_scoped3A = tpu.sem_alloc : memref<!tpu.dma_semaphore, #tpu.memory_space<semaphore_mem>>
        %dma_start3A = arith.constant 0 : i32
        %dma_start3A_85 = tpu.memref_slice %arg8[%arg0, %mul3A_84, %dma_start3A] : memref<2x10000x128xf32, #tpu.memory_space<hbm>> -> memref<1x632x128xf32, #tpu.memory_space<hbm>>
        %dma_start3A_86 = tpu.memref_squeeze %dma_start3A_85 : memref<1x632x128xf32, #tpu.memory_space<hbm>> -> memref<632x128xf32, #tpu.memory_space<hbm>>
        %dma_start3A_87 = arith.constant 0 : i32
        %dma_start3A_88 = tpu.memref_slice %arg16[%mul3A_82, %dma_start3A_87] : memref<10000x128xf32, #tpu.memory_space<vmem_shared>> -> memref<632x128xf32, #tpu.memory_space<vmem_shared>>
        tpu.enqueue_dma source(%dma_start3A_88 : memref<632x128xf32, #tpu.memory_space<vmem_shared>>) target(%dma_start3A_86 : memref<632x128xf32, #tpu.memory_space<hbm>>) target_semaphore(%run_scoped3A : memref<!tpu.dma_semaphore, #tpu.memory_space<semaphore_mem>>)
        %dma_wait3A = arith.constant 0 : i32
        %dma_wait3A_89 = tpu.memref_slice %arg8[%arg0, %mul3A_84, %dma_wait3A] : memref<2x10000x128xf32, #tpu.memory_space<hbm>> -> memref<1x632x128xf32, #tpu.memory_space<hbm>>
        %dma_wait3A_90 = tpu.memref_squeeze %dma_wait3A_89 : memref<1x632x128xf32, #tpu.memory_space<hbm>> -> memref<632x128xf32, #tpu.memory_space<hbm>>
        %dma_wait3A_91 = arith.constant 0 : i32
        %dma_wait3A_92 = tpu.memref_slice %arg16[%mul3A_82, %dma_wait3A_91] : memref<10000x128xf32, #tpu.memory_space<vmem_shared>> -> memref<632x128xf32, #tpu.memory_space<vmem_shared>>
        tpu.wait_dma2 semaphore(%run_scoped3A : memref<!tpu.dma_semaphore, #tpu.memory_space<semaphore_mem>>) src(%dma_wait3A_92 : memref<632x128xf32, #tpu.memory_space<vmem_shared>>) dst(%dma_wait3A_90 : memref<632x128xf32, #tpu.memory_space<hbm>>)
        tpu.yield
      }) : () -> ()
    } else {
    }
    %eq3A = arith.constant 15 : i32
    %eq3A_73 = arith.cmpi eq, %arg1, %eq3A : i32
    %convert_element_type3A_74 = arith.extui %eq3A_73 : i1 to i32
    %cond3A_75 = arith.constant 0 : i32
    %cond3A_76 = arith.cmpi ne, %convert_element_type3A_74, %cond3A_75 : i32
    scf.if %cond3A_76 {
      "tpu.region"() ({
        %run_scoped3A = tpu.sem_alloc : memref<!tpu.dma_semaphore, #tpu.memory_space<semaphore_mem>>
        %dma_start3A = arith.constant 9480 : i32
        %dma_start3A_77 = arith.constant 0 : i32
        %dma_start3A_78 = tpu.memref_slice %arg7[%arg0, %dma_start3A, %dma_start3A_77] : memref<2x10000x16xf32, #tpu.memory_space<hbm>> -> memref<1x520x16xf32, #tpu.memory_space<hbm>>
        %dma_start3A_79 = tpu.memref_squeeze %dma_start3A_78 : memref<1x520x16xf32, #tpu.memory_space<hbm>> -> memref<520x16xf32, #tpu.memory_space<hbm>>
        %dma_start3A_80 = arith.constant 9480 : i32
        %dma_start3A_81 = arith.constant 0 : i32
        %dma_start3A_82 = tpu.memref_slice %arg15[%dma_start3A_80, %dma_start3A_81] : memref<10000x16xf32, #tpu.memory_space<vmem_shared>> -> memref<520x16xf32, #tpu.memory_space<vmem_shared>>
        tpu.enqueue_dma source(%dma_start3A_82 : memref<520x16xf32, #tpu.memory_space<vmem_shared>>) target(%dma_start3A_79 : memref<520x16xf32, #tpu.memory_space<hbm>>) target_semaphore(%run_scoped3A : memref<!tpu.dma_semaphore, #tpu.memory_space<semaphore_mem>>)
        %dma_wait3A = arith.constant 9480 : i32
        %dma_wait3A_83 = arith.constant 0 : i32
        %dma_wait3A_84 = tpu.memref_slice %arg7[%arg0, %dma_wait3A, %dma_wait3A_83] : memref<2x10000x16xf32, #tpu.memory_space<hbm>> -> memref<1x520x16xf32, #tpu.memory_space<hbm>>
        %dma_wait3A_85 = tpu.memref_squeeze %dma_wait3A_84 : memref<1x520x16xf32, #tpu.memory_space<hbm>> -> memref<520x16xf32, #tpu.memory_space<hbm>>
        %dma_wait3A_86 = arith.constant 9480 : i32
        %dma_wait3A_87 = arith.constant 0 : i32
        %dma_wait3A_88 = tpu.memref_slice %arg15[%dma_wait3A_86, %dma_wait3A_87] : memref<10000x16xf32, #tpu.memory_space<vmem_shared>> -> memref<520x16xf32, #tpu.memory_space<vmem_shared>>
        tpu.wait_dma2 semaphore(%run_scoped3A : memref<!tpu.dma_semaphore, #tpu.memory_space<semaphore_mem>>) src(%dma_wait3A_88 : memref<520x16xf32, #tpu.memory_space<vmem_shared>>) dst(%dma_wait3A_85 : memref<520x16xf32, #tpu.memory_space<hbm>>)
        tpu.yield
      }) : () -> ()
      "tpu.region"() ({
        %run_scoped3A = tpu.sem_alloc : memref<!tpu.dma_semaphore, #tpu.memory_space<semaphore_mem>>
        %dma_start3A = arith.constant 9480 : i32
        %dma_start3A_77 = arith.constant 0 : i32
        %dma_start3A_78 = tpu.memref_slice %arg8[%arg0, %dma_start3A, %dma_start3A_77] : memref<2x10000x128xf32, #tpu.memory_space<hbm>> -> memref<1x520x128xf32, #tpu.memory_space<hbm>>
        %dma_start3A_79 = tpu.memref_squeeze %dma_start3A_78 : memref<1x520x128xf32, #tpu.memory_space<hbm>> -> memref<520x128xf32, #tpu.memory_space<hbm>>
        %dma_start3A_80 = arith.constant 9480 : i32
        %dma_start3A_81 = arith.constant 0 : i32
        %dma_start3A_82 = tpu.memref_slice %arg16[%dma_start3A_80, %dma_start3A_81] : memref<10000x128xf32, #tpu.memory_space<vmem_shared>> -> memref<520x128xf32, #tpu.memory_space<vmem_shared>>
        tpu.enqueue_dma source(%dma_start3A_82 : memref<520x128xf32, #tpu.memory_space<vmem_shared>>) target(%dma_start3A_79 : memref<520x128xf32, #tpu.memory_space<hbm>>) target_semaphore(%run_scoped3A : memref<!tpu.dma_semaphore, #tpu.memory_space<semaphore_mem>>)
        %dma_wait3A = arith.constant 9480 : i32
        %dma_wait3A_83 = arith.constant 0 : i32
        %dma_wait3A_84 = tpu.memref_slice %arg8[%arg0, %dma_wait3A, %dma_wait3A_83] : memref<2x10000x128xf32, #tpu.memory_space<hbm>> -> memref<1x520x128xf32, #tpu.memory_space<hbm>>
        %dma_wait3A_85 = tpu.memref_squeeze %dma_wait3A_84 : memref<1x520x128xf32, #tpu.memory_space<hbm>> -> memref<520x128xf32, #tpu.memory_space<hbm>>
        %dma_wait3A_86 = arith.constant 9480 : i32
        %dma_wait3A_87 = arith.constant 0 : i32
        %dma_wait3A_88 = tpu.memref_slice %arg16[%dma_wait3A_86, %dma_wait3A_87] : memref<10000x128xf32, #tpu.memory_space<vmem_shared>> -> memref<520x128xf32, #tpu.memory_space<vmem_shared>>
        tpu.wait_dma2 semaphore(%run_scoped3A : memref<!tpu.dma_semaphore, #tpu.memory_space<semaphore_mem>>) src(%dma_wait3A_88 : memref<520x128xf32, #tpu.memory_space<vmem_shared>>) dst(%dma_wait3A_85 : memref<520x128xf32, #tpu.memory_space<hbm>>)
        tpu.yield
      }) : () -> ()
    } else {
    }
    return
  }
}

module attributes {stable_mosaic.version = 14 : i64} {
  func.func @_combine_body(%arg0: i32, %arg1: memref<1000x128xf32, #tpu.memory_space<vmem>>, %arg2: memref<2x10000x16xf32, #tpu.memory_space<vmem>>, %arg3: memref<2x1000x16xf32, #tpu.memory_space<vmem>>, %arg4: memref<2x1000x128xf32, #tpu.memory_space<vmem>>, %arg5: memref<128x512xf32, #tpu.memory_space<vmem>>, %arg6: memref<1x512xf32, #tpu.memory_space<vmem>>, %arg7: memref<512x128xf32, #tpu.memory_space<vmem>>, %arg8: memref<1x128xf32, #tpu.memory_space<vmem>>, %arg9: memref<1x128xf32, #tpu.memory_space<vmem>>, %arg10: memref<1x128xf32, #tpu.memory_space<vmem>>, %arg11: memref<1x128xf32, #tpu.memory_space<vmem>>, %arg12: memref<1x128xf32, #tpu.memory_space<vmem>>, %arg13: memref<1000x128xf32, #tpu.memory_space<vmem>>) attributes {dimension_semantics = [#tpu.dimension_semantics<arbitrary>], iteration_bounds = array<i64: 10>, scalar_prefetch = 0 : i64, scratch_operands = 0 : i64, tpu.core_type = #tpu.core_type<tc>, window_params = [{transform_indices = @transform_0, window_bounds = array<i64: 1000, 128>}, {pipeline_mode = #tpu.pipeline_mode<synchronous>, transform_indices = @transform_1, window_bounds = array<i64: 2, 10000, 16>}, {transform_indices = @transform_2, window_bounds = array<i64: 2, 1000, 16>}, {transform_indices = @transform_3, window_bounds = array<i64: 2, 1000, 128>}, {pipeline_mode = #tpu.pipeline_mode<synchronous>, transform_indices = @transform_4, window_bounds = array<i64: 128, 512>}, {pipeline_mode = #tpu.pipeline_mode<synchronous>, transform_indices = @transform_5, window_bounds = array<i64: 1, 512>}, {pipeline_mode = #tpu.pipeline_mode<synchronous>, transform_indices = @transform_6, window_bounds = array<i64: 512, 128>}, {pipeline_mode = #tpu.pipeline_mode<synchronous>, transform_indices = @transform_7, window_bounds = array<i64: 1, 128>}, {pipeline_mode = #tpu.pipeline_mode<synchronous>, transform_indices = @transform_8, window_bounds = array<i64: 1, 128>}, {pipeline_mode = #tpu.pipeline_mode<synchronous>, transform_indices = @transform_9, window_bounds = array<i64: 1, 128>}, {pipeline_mode = #tpu.pipeline_mode<synchronous>, transform_indices = @transform_10, window_bounds = array<i64: 1, 128>}, {pipeline_mode = #tpu.pipeline_mode<synchronous>, transform_indices = @transform_11, window_bounds = array<i64: 1, 128>}, {transform_indices = @transform_12, window_bounds = array<i64: 1000, 128>}]} {
    %get3A = arith.constant 0 : index
    %get3A_0 = arith.constant 0 : index
    %get3A_1 = arith.constant 0 : index
    %get3A_2 = vector.load %arg2[%get3A, %get3A_0, %get3A_1] : memref<2x10000x16xf32, #tpu.memory_space<vmem>>, vector<1x10000x16xf32>
    %get3A_3 = vector.shape_cast %get3A_2 : vector<1x10000x16xf32> to vector<10000x16xf32>
    %get3A_4 = arith.constant 1 : index
    %get3A_5 = arith.constant 0 : index
    %get3A_6 = arith.constant 0 : index
    %get3A_7 = vector.load %arg2[%get3A_4, %get3A_5, %get3A_6] : memref<2x10000x16xf32, #tpu.memory_space<vmem>>, vector<1x10000x16xf32>
    %get3A_8 = vector.shape_cast %get3A_7 : vector<1x10000x16xf32> to vector<10000x16xf32>
    %add3A = arith.addf %get3A_3, %get3A_8 : vector<10000x16xf32>
    %reduce_sum3A = arith.constant dense<0.000000e+00> : vector<16xf32>
    %reduce_sum3A_9 = vector.multi_reduction <add>, %add3A, %reduce_sum3A [0] : vector<10000x16xf32> to vector<16xf32>
    %broadcast_in_dim3A = vector.shape_cast %reduce_sum3A_9 : vector<16xf32> to vector<1x16xf32>
    %max3A = arith.constant 1.000000e-30 : f32
    %max3A_10 = vector.broadcast %max3A : f32 to vector<1x16xf32>
    %max3A_11 = arith.maximumf %broadcast_in_dim3A, %max3A_10 : vector<1x16xf32>
    %get3A_12 = arith.constant 0 : index
    %get3A_13 = arith.constant 0 : index
    %get3A_14 = arith.constant 0 : index
    %get3A_15 = vector.load %arg3[%get3A_12, %get3A_13, %get3A_14] : memref<2x1000x16xf32, #tpu.memory_space<vmem>>, vector<1x1000x16xf32>
    %get3A_16 = vector.shape_cast %get3A_15 : vector<1x1000x16xf32> to vector<1000x16xf32>
    %get3A_17 = arith.constant 1 : index
    %get3A_18 = arith.constant 0 : index
    %get3A_19 = arith.constant 0 : index
    %get3A_20 = vector.load %arg3[%get3A_17, %get3A_18, %get3A_19] : memref<2x1000x16xf32, #tpu.memory_space<vmem>>, vector<1x1000x16xf32>
    %get3A_21 = vector.shape_cast %get3A_20 : vector<1x1000x16xf32> to vector<1000x16xf32>
    %add3A_22 = arith.addf %get3A_16, %get3A_21 : vector<1000x16xf32>
    %div3A = vector.broadcast %max3A_11 : vector<1x16xf32> to vector<1000x16xf32>
    %div3A_23 = arith.divf %add3A_22, %div3A : vector<1000x16xf32>
    %iota3A = tpu.iota {dimensions = array<i32: 0>} : vector<16x128xi32>
    %iota3A_24 = tpu.iota {dimensions = array<i32: 1>} : vector<16x128xi32>
    %jit3A = arith.constant 16 : i32
    %div3A_25 = vector.broadcast %jit3A : i32 to vector<16x128xi32>
    %div3A_26 = arith.divsi %iota3A_24, %div3A_25 : vector<16x128xi32>
    %sign3A = arith.constant 0 : i32
    %sign3A_27 = vector.broadcast %sign3A : i32 to vector<16x128xi32>
    %sign3A_28 = arith.cmpi sgt, %iota3A_24, %sign3A_27 : vector<16x128xi32>
    %sign3A_29 = arith.extui %sign3A_28 : vector<16x128xi1> to vector<16x128xi32>
    %sign3A_30 = arith.constant 0 : i32
    %sign3A_31 = vector.broadcast %sign3A_30 : i32 to vector<16x128xi32>
    %sign3A_32 = arith.cmpi slt, %iota3A_24, %sign3A_31 : vector<16x128xi32>
    %sign3A_33 = arith.extui %sign3A_32 : vector<16x128xi1> to vector<16x128xi32>
    %sign3A_34 = arith.subi %sign3A_29, %sign3A_33 : vector<16x128xi32>
    %sign3A_35 = arith.constant 0 : i32
    %sign3A_36 = arith.cmpi sgt, %jit3A, %sign3A_35 : i32
    %sign3A_37 = arith.extui %sign3A_36 : i1 to i32
    %sign3A_38 = arith.constant 0 : i32
    %sign3A_39 = arith.cmpi slt, %jit3A, %sign3A_38 : i32
    %sign3A_40 = arith.extui %sign3A_39 : i1 to i32
    %sign3A_41 = arith.subi %sign3A_37, %sign3A_40 : i32
    %ne3A = vector.broadcast %sign3A_41 : i32 to vector<16x128xi32>
    %ne3A_42 = arith.cmpi ne, %sign3A_34, %ne3A : vector<16x128xi32>
    %rem3A = vector.broadcast %jit3A : i32 to vector<16x128xi32>
    %rem3A_43 = arith.remsi %iota3A_24, %rem3A : vector<16x128xi32>
    %ne3A_44 = arith.constant 0 : i32
    %ne3A_45 = vector.broadcast %ne3A_44 : i32 to vector<16x128xi32>
    %ne3A_46 = arith.cmpi ne, %rem3A_43, %ne3A_45 : vector<16x128xi32>
    %and3A = arith.andi %ne3A_42, %ne3A_46 : vector<16x128xi1>
    %sub3A = arith.constant 1 : i32
    %sub3A_47 = vector.broadcast %sub3A : i32 to vector<16x128xi32>
    %sub3A_48 = arith.subi %div3A_26, %sub3A_47 : vector<16x128xi32>
    %select_n3A = arith.select %and3A, %sub3A_48, %div3A_26 : vector<16x128xi1>, vector<16x128xi32>
    %eq3A = arith.cmpi eq, %select_n3A, %iota3A : vector<16x128xi32>
    %convert_element_type3A = arith.extui %eq3A : vector<16x128xi1> to vector<16x128xi32>
    %convert_element_type3A_49 = arith.sitofp %convert_element_type3A : vector<16x128xi32> to vector<16x128xf32>
    %dot_general3A = arith.constant dense<0.000000e+00> : vector<1000x128xf32>
    %dot_general3A_50 = tpu.matmul %div3A_23, %convert_element_type3A_49, %dot_general3A {dimension_numbers = #tpu.dot_dimension_numbers<[1], [0], [0], [1], [0, 0, 1, 1], [], []>, transpose_lhs_hint = false} : vector<1000x16xf32>, vector<16x128xf32>, vector<1000x128xf32> -> vector<1000x128xf32>
    %get3A_51 = arith.constant 0 : index
    %get3A_52 = arith.constant 0 : index
    %get3A_53 = arith.constant 0 : index
    %get3A_54 = vector.load %arg4[%get3A_51, %get3A_52, %get3A_53] : memref<2x1000x128xf32, #tpu.memory_space<vmem>>, vector<1x1000x128xf32>
    %get3A_55 = vector.shape_cast %get3A_54 : vector<1x1000x128xf32> to vector<1000x128xf32>
    %get3A_56 = arith.constant 1 : index
    %get3A_57 = arith.constant 0 : index
    %get3A_58 = arith.constant 0 : index
    %get3A_59 = vector.load %arg4[%get3A_56, %get3A_57, %get3A_58] : memref<2x1000x128xf32, #tpu.memory_space<vmem>>, vector<1x1000x128xf32>
    %get3A_60 = vector.shape_cast %get3A_59 : vector<1x1000x128xf32> to vector<1000x128xf32>
    %add3A_61 = arith.addf %get3A_55, %get3A_60 : vector<1000x128xf32>
    %mul3A = arith.mulf %dot_general3A_50, %add3A_61 : vector<1000x128xf32>
    %get3A_62 = arith.constant 0 : index
    %get3A_63 = arith.constant 0 : index
    %get3A_64 = vector.load %arg1[%get3A_62, %get3A_63] : memref<1000x128xf32, #tpu.memory_space<vmem>>, vector<1000x128xf32>
    %add3A_65 = arith.addf %get3A_64, %mul3A : vector<1000x128xf32>
    %get3A_66 = arith.constant 0 : index
    %get3A_67 = arith.constant 0 : index
    %get3A_68 = vector.load %arg9[%get3A_66, %get3A_67] : memref<1x128xf32, #tpu.memory_space<vmem>>, vector<1x128xf32>
    %get3A_69 = arith.constant 0 : index
    %get3A_70 = arith.constant 0 : index
    %get3A_71 = vector.load %arg10[%get3A_69, %get3A_70] : memref<1x128xf32, #tpu.memory_space<vmem>>, vector<1x128xf32>
    %reduce_sum3A_72 = arith.constant dense<0.000000e+00> : vector<1000xf32>
    %reduce_sum3A_73 = vector.multi_reduction <add>, %add3A_65, %reduce_sum3A_72 [1] : vector<1000x128xf32> to vector<1000xf32>
    %broadcast_in_dim3A_74 = vector.shape_cast %reduce_sum3A_73 : vector<1000xf32> to vector<1000x1xf32>
    %div3A_75 = arith.constant 1.280000e+02 : f32
    %div3A_76 = vector.broadcast %div3A_75 : f32 to vector<1000x1xf32>
    %div3A_77 = arith.divf %broadcast_in_dim3A_74, %div3A_76 : vector<1000x1xf32>
    %sub3A_78 = vector.broadcast %div3A_77 : vector<1000x1xf32> to vector<1000x128xf32>
    %sub3A_79 = arith.subf %add3A_65, %sub3A_78 : vector<1000x128xf32>
    %integer_pow3A = arith.mulf %sub3A_79, %sub3A_79 : vector<1000x128xf32>
    %reduce_sum3A_80 = arith.constant dense<0.000000e+00> : vector<1000xf32>
    %reduce_sum3A_81 = vector.multi_reduction <add>, %integer_pow3A, %reduce_sum3A_80 [1] : vector<1000x128xf32> to vector<1000xf32>
    %broadcast_in_dim3A_82 = vector.shape_cast %reduce_sum3A_81 : vector<1000xf32> to vector<1000x1xf32>
    %div3A_83 = arith.constant 1.280000e+02 : f32
    %div3A_84 = vector.broadcast %div3A_83 : f32 to vector<1000x1xf32>
    %div3A_85 = arith.divf %broadcast_in_dim3A_82, %div3A_84 : vector<1000x1xf32>
    %sub3A_86 = vector.broadcast %div3A_77 : vector<1000x1xf32> to vector<1000x128xf32>
    %sub3A_87 = arith.subf %add3A_65, %sub3A_86 : vector<1000x128xf32>
    %add3A_88 = arith.constant 9.99999974E-6 : f32
    %add3A_89 = vector.broadcast %add3A_88 : f32 to vector<1000x1xf32>
    %add3A_90 = arith.addf %div3A_85, %add3A_89 : vector<1000x1xf32>
    %rsqrt3A = math.rsqrt %add3A_90 : vector<1000x1xf32>
    %mul3A_91 = vector.broadcast %rsqrt3A : vector<1000x1xf32> to vector<1000x128xf32>
    %mul3A_92 = arith.mulf %sub3A_87, %mul3A_91 : vector<1000x128xf32>
    %mul3A_93 = vector.broadcast %get3A_68 : vector<1x128xf32> to vector<1000x128xf32>
    %mul3A_94 = arith.mulf %mul3A_92, %mul3A_93 : vector<1000x128xf32>
    %add3A_95 = vector.broadcast %get3A_71 : vector<1x128xf32> to vector<1000x128xf32>
    %add3A_96 = arith.addf %mul3A_94, %add3A_95 : vector<1000x128xf32>
    %get3A_97 = arith.constant 0 : index
    %get3A_98 = arith.constant 0 : index
    %get3A_99 = vector.load %arg5[%get3A_97, %get3A_98] : memref<128x512xf32, #tpu.memory_space<vmem>>, vector<128x512xf32>
    %dot_general3A_100 = arith.constant dense<0.000000e+00> : vector<1000x512xf32>
    %dot_general3A_101 = tpu.matmul %add3A_96, %get3A_99, %dot_general3A_100 {dimension_numbers = #tpu.dot_dimension_numbers<[1], [0], [0], [1], [0, 0, 1, 1], [], []>, transpose_lhs_hint = false} : vector<1000x128xf32>, vector<128x512xf32>, vector<1000x512xf32> -> vector<1000x512xf32>
    %get3A_102 = arith.constant 0 : index
    %get3A_103 = arith.constant 0 : index
    %get3A_104 = vector.load %arg6[%get3A_102, %get3A_103] : memref<1x512xf32, #tpu.memory_space<vmem>>, vector<1x512xf32>
    %add3A_105 = vector.broadcast %get3A_104 : vector<1x512xf32> to vector<1000x512xf32>
    %add3A_106 = arith.addf %dot_general3A_101, %add3A_105 : vector<1000x512xf32>
    %max3A_107 = arith.constant 0.000000e+00 : f32
    %max3A_108 = vector.broadcast %max3A_107 : f32 to vector<1000x512xf32>
    %max3A_109 = arith.maximumf %add3A_106, %max3A_108 : vector<1000x512xf32>
    %get3A_110 = arith.constant 0 : index
    %get3A_111 = arith.constant 0 : index
    %get3A_112 = vector.load %arg7[%get3A_110, %get3A_111] : memref<512x128xf32, #tpu.memory_space<vmem>>, vector<512x128xf32>
    %dot_general3A_113 = arith.constant dense<0.000000e+00> : vector<1000x128xf32>
    %dot_general3A_114 = tpu.matmul %max3A_109, %get3A_112, %dot_general3A_113 {dimension_numbers = #tpu.dot_dimension_numbers<[1], [0], [0], [1], [0, 0, 1, 1], [], []>, transpose_lhs_hint = false} : vector<1000x512xf32>, vector<512x128xf32>, vector<1000x128xf32> -> vector<1000x128xf32>
    %get3A_115 = arith.constant 0 : index
    %get3A_116 = arith.constant 0 : index
    %get3A_117 = vector.load %arg8[%get3A_115, %get3A_116] : memref<1x128xf32, #tpu.memory_space<vmem>>, vector<1x128xf32>
    %add3A_118 = vector.broadcast %get3A_117 : vector<1x128xf32> to vector<1000x128xf32>
    %add3A_119 = arith.addf %dot_general3A_114, %add3A_118 : vector<1000x128xf32>
    %add3A_120 = arith.addf %add3A_96, %add3A_119 : vector<1000x128xf32>
    %get3A_121 = arith.constant 0 : index
    %get3A_122 = arith.constant 0 : index
    %get3A_123 = vector.load %arg11[%get3A_121, %get3A_122] : memref<1x128xf32, #tpu.memory_space<vmem>>, vector<1x128xf32>
    %get3A_124 = arith.constant 0 : index
    %get3A_125 = arith.constant 0 : index
    %get3A_126 = vector.load %arg12[%get3A_124, %get3A_125] : memref<1x128xf32, #tpu.memory_space<vmem>>, vector<1x128xf32>
    %reduce_sum3A_127 = arith.constant dense<0.000000e+00> : vector<1000xf32>
    %reduce_sum3A_128 = vector.multi_reduction <add>, %add3A_120, %reduce_sum3A_127 [1] : vector<1000x128xf32> to vector<1000xf32>
    %broadcast_in_dim3A_129 = vector.shape_cast %reduce_sum3A_128 : vector<1000xf32> to vector<1000x1xf32>
    %div3A_130 = arith.constant 1.280000e+02 : f32
    %div3A_131 = vector.broadcast %div3A_130 : f32 to vector<1000x1xf32>
    %div3A_132 = arith.divf %broadcast_in_dim3A_129, %div3A_131 : vector<1000x1xf32>
    %sub3A_133 = vector.broadcast %div3A_132 : vector<1000x1xf32> to vector<1000x128xf32>
    %sub3A_134 = arith.subf %add3A_120, %sub3A_133 : vector<1000x128xf32>
    %integer_pow3A_135 = arith.mulf %sub3A_134, %sub3A_134 : vector<1000x128xf32>
    %reduce_sum3A_136 = arith.constant dense<0.000000e+00> : vector<1000xf32>
    %reduce_sum3A_137 = vector.multi_reduction <add>, %integer_pow3A_135, %reduce_sum3A_136 [1] : vector<1000x128xf32> to vector<1000xf32>
    %broadcast_in_dim3A_138 = vector.shape_cast %reduce_sum3A_137 : vector<1000xf32> to vector<1000x1xf32>
    %div3A_139 = arith.constant 1.280000e+02 : f32
    %div3A_140 = vector.broadcast %div3A_139 : f32 to vector<1000x1xf32>
    %div3A_141 = arith.divf %broadcast_in_dim3A_138, %div3A_140 : vector<1000x1xf32>
    %sub3A_142 = vector.broadcast %div3A_132 : vector<1000x1xf32> to vector<1000x128xf32>
    %sub3A_143 = arith.subf %add3A_120, %sub3A_142 : vector<1000x128xf32>
    %add3A_144 = arith.constant 9.99999974E-6 : f32
    %add3A_145 = vector.broadcast %add3A_144 : f32 to vector<1000x1xf32>
    %add3A_146 = arith.addf %div3A_141, %add3A_145 : vector<1000x1xf32>
    %rsqrt3A_147 = math.rsqrt %add3A_146 : vector<1000x1xf32>
    %mul3A_148 = vector.broadcast %rsqrt3A_147 : vector<1000x1xf32> to vector<1000x128xf32>
    %mul3A_149 = arith.mulf %sub3A_143, %mul3A_148 : vector<1000x128xf32>
    %mul3A_150 = vector.broadcast %get3A_123 : vector<1x128xf32> to vector<1000x128xf32>
    %mul3A_151 = arith.mulf %mul3A_149, %mul3A_150 : vector<1000x128xf32>
    %add3A_152 = vector.broadcast %get3A_126 : vector<1x128xf32> to vector<1000x128xf32>
    %add3A_153 = arith.addf %mul3A_151, %add3A_152 : vector<1000x128xf32>
    %swap3A = arith.constant 0 : index
    %swap3A_154 = arith.constant 0 : index
    %swap3A_155 = vector.load %arg13[%swap3A, %swap3A_154] : memref<1000x128xf32, #tpu.memory_space<vmem>>, vector<1000x128xf32>
    tpu.vector_store %arg13[%swap3A, %swap3A_154], %add3A_153 {strides = array<i32>} : memref<1000x128xf32, #tpu.memory_space<vmem>>, vector<1000x128xf32>,
    return
  }
  func.func @transform_0(%arg0: i32) -> (i32, i32) {
    %c0_i32 = arith.constant 0 : i32
    %c0_i32_0 = arith.constant 0 : i32
    return %arg0, %c0_i32 : i32, i32
  }
  func.func @transform_1(%arg0: i32) -> (i32, i32, i32) {
    %c0_i32 = arith.constant 0 : i32
    %c0_i32_0 = arith.constant 0 : i32
    %c0_i32_1 = arith.constant 0 : i32
    %c0_i32_2 = arith.constant 0 : i32
    return %c0_i32, %c0_i32_0, %c0_i32_1 : i32, i32, i32
  }
  func.func @transform_2(%arg0: i32) -> (i32, i32, i32) {
    %c0_i32 = arith.constant 0 : i32
    %c0_i32_0 = arith.constant 0 : i32
    %c0_i32_1 = arith.constant 0 : i32
    return %c0_i32, %arg0, %c0_i32_0 : i32, i32, i32
  }
  func.func @transform_3(%arg0: i32) -> (i32, i32, i32) {
    %c0_i32 = arith.constant 0 : i32
    %c0_i32_0 = arith.constant 0 : i32
    %c0_i32_1 = arith.constant 0 : i32
    return %c0_i32, %arg0, %c0_i32_0 : i32, i32, i32
  }
  func.func @transform_4(%arg0: i32) -> (i32, i32) {
    %c0_i32 = arith.constant 0 : i32
    %c0_i32_0 = arith.constant 0 : i32
    %c0_i32_1 = arith.constant 0 : i32
    return %c0_i32, %c0_i32_0 : i32, i32
  }
  func.func @transform_5(%arg0: i32) -> (i32, i32) {
    %c0_i32 = arith.constant 0 : i32
    %c0_i32_0 = arith.constant 0 : i32
    %c0_i32_1 = arith.constant 0 : i32
    return %c0_i32, %c0_i32_0 : i32, i32
  }
  func.func @transform_6(%arg0: i32) -> (i32, i32) {
    %c0_i32 = arith.constant 0 : i32
    %c0_i32_0 = arith.constant 0 : i32
    %c0_i32_1 = arith.constant 0 : i32
    return %c0_i32, %c0_i32_0 : i32, i32
  }
  func.func @transform_7(%arg0: i32) -> (i32, i32) {
    %c0_i32 = arith.constant 0 : i32
    %c0_i32_0 = arith.constant 0 : i32
    %c0_i32_1 = arith.constant 0 : i32
    return %c0_i32, %c0_i32_0 : i32, i32
  }
  func.func @transform_8(%arg0: i32) -> (i32, i32) {
    %c0_i32 = arith.constant 0 : i32
    %c0_i32_0 = arith.constant 0 : i32
    %c0_i32_1 = arith.constant 0 : i32
    return %c0_i32, %c0_i32_0 : i32, i32
  }
  func.func @transform_9(%arg0: i32) -> (i32, i32) {
    %c0_i32 = arith.constant 0 : i32
    %c0_i32_0 = arith.constant 0 : i32
    %c0_i32_1 = arith.constant 0 : i32
    return %c0_i32, %c0_i32_0 : i32, i32
  }
  func.func @transform_10(%arg0: i32) -> (i32, i32) {
    %c0_i32 = arith.constant 0 : i32
    %c0_i32_0 = arith.constant 0 : i32
    %c0_i32_1 = arith.constant 0 : i32
    return %c0_i32, %c0_i32_0 : i32, i32
  }
  func.func @transform_11(%arg0: i32) -> (i32, i32) {
    %c0_i32 = arith.constant 0 : i32
    %c0_i32_0 = arith.constant 0 : i32
    %c0_i32_1 = arith.constant 0 : i32
    return %c0_i32, %c0_i32_0 : i32, i32
  }
  func.func @transform_12(%arg0: i32) -> (i32, i32) {
    %c0_i32 = arith.constant 0 : i32
    %c0_i32_0 = arith.constant 0 : i32
    return %arg0, %c0_i32 : i32, i32
  }
}

module attributes {stable_mosaic.version = 14 : i64} {
  func.func @_qkv_body(%arg0: i32, %arg1: memref<1000x128xf32, #tpu.memory_space<vmem>>, %arg2: memref<128x384xf32, #tpu.memory_space<vmem>>, %arg3: memref<1x384xf32, #tpu.memory_space<vmem>>, %arg4: memref<1000x128xf32, #tpu.memory_space<vmem>>, %arg5: memref<1000x128xf32, #tpu.memory_space<vmem>>, %arg6: memref<1000x128xf32, #tpu.memory_space<vmem>>) attributes {dimension_semantics = [#tpu.dimension_semantics<arbitrary>], iteration_bounds = array<i64: 10>, scalar_prefetch = 0 : i64, scratch_operands = 0 : i64, tpu.core_type = #tpu.core_type<tc>, window_params = [{transform_indices = @transform_0, window_bounds = array<i64: 1000, 128>}, {pipeline_mode = #tpu.pipeline_mode<synchronous>, transform_indices = @transform_1, window_bounds = array<i64: 128, 384>}, {pipeline_mode = #tpu.pipeline_mode<synchronous>, transform_indices = @transform_2, window_bounds = array<i64: 1, 384>}, {transform_indices = @transform_3, window_bounds = array<i64: 1000, 128>}, {transform_indices = @transform_4, window_bounds = array<i64: 1000, 128>}, {transform_indices = @transform_5, window_bounds = array<i64: 1000, 128>}]} {
    %get3A = arith.constant 0 : index
    %get3A_0 = arith.constant 0 : index
    %get3A_1 = vector.load %arg1[%get3A, %get3A_0] : memref<1000x128xf32, #tpu.memory_space<vmem>>, vector<1000x128xf32>
    %get3A_2 = arith.constant 0 : index
    %get3A_3 = arith.constant 0 : index
    %get3A_4 = vector.load %arg2[%get3A_2, %get3A_3] : memref<128x384xf32, #tpu.memory_space<vmem>>, vector<128x384xf32>
    %dot_general3A = arith.constant dense<0.000000e+00> : vector<1000x384xf32>
    %dot_general3A_5 = tpu.matmul %get3A_1, %get3A_4, %dot_general3A {dimension_numbers = #tpu.dot_dimension_numbers<[1], [0], [0], [1], [0, 0, 1, 1], [], []>, transpose_lhs_hint = false} : vector<1000x128xf32>, vector<128x384xf32>, vector<1000x384xf32> -> vector<1000x384xf32>
    %get3A_6 = arith.constant 0 : index
    %get3A_7 = arith.constant 0 : index
    %get3A_8 = vector.load %arg3[%get3A_6, %get3A_7] : memref<1x384xf32, #tpu.memory_space<vmem>>, vector<1x384xf32>
    %add3A = vector.broadcast %get3A_8 : vector<1x384xf32> to vector<1000x384xf32>
    %add3A_9 = arith.addf %dot_general3A_5, %add3A : vector<1000x384xf32>
    %slice3A = vector.extract_strided_slice %add3A_9 {offsets = [0, 0], sizes = [1000, 128], strides = [1, 1]} : vector<1000x384xf32> to vector<1000x128xf32>
    %swap3A = arith.constant 0 : index
    %swap3A_10 = arith.constant 0 : index
    %swap3A_11 = vector.load %arg4[%swap3A, %swap3A_10] : memref<1000x128xf32, #tpu.memory_space<vmem>>, vector<1000x128xf32>
    tpu.vector_store %arg4[%swap3A, %swap3A_10], %slice3A {strides = array<i32>} : memref<1000x128xf32, #tpu.memory_space<vmem>>, vector<1000x128xf32>,
    %slice3A_12 = vector.extract_strided_slice %add3A_9 {offsets = [0, 128], sizes = [1000, 128], strides = [1, 1]} : vector<1000x384xf32> to vector<1000x128xf32>
    %swap3A_13 = arith.constant 0 : index
    %swap3A_14 = arith.constant 0 : index
    %swap3A_15 = vector.load %arg5[%swap3A_13, %swap3A_14] : memref<1000x128xf32, #tpu.memory_space<vmem>>, vector<1000x128xf32>
    tpu.vector_store %arg5[%swap3A_13, %swap3A_14], %slice3A_12 {strides = array<i32>} : memref<1000x128xf32, #tpu.memory_space<vmem>>, vector<1000x128xf32>,
    %slice3A_16 = vector.extract_strided_slice %add3A_9 {offsets = [0, 256], sizes = [1000, 128], strides = [1, 1]} : vector<1000x384xf32> to vector<1000x128xf32>
    %swap3A_17 = arith.constant 0 : index
    %swap3A_18 = arith.constant 0 : index
    %swap3A_19 = vector.load %arg6[%swap3A_17, %swap3A_18] : memref<1000x128xf32, #tpu.memory_space<vmem>>, vector<1000x128xf32>
    tpu.vector_store %arg6[%swap3A_17, %swap3A_18], %slice3A_16 {strides = array<i32>} : memref<1000x128xf32, #tpu.memory_space<vmem>>, vector<1000x128xf32>,
    return
  }
  func.func @transform_0(%arg0: i32) -> (i32, i32) {
    %c0_i32 = arith.constant 0 : i32
    %c0_i32_0 = arith.constant 0 : i32
    return %arg0, %c0_i32 : i32, i32
  }
  func.func @transform_1(%arg0: i32) -> (i32, i32) {
    %c0_i32 = arith.constant 0 : i32
    %c0_i32_0 = arith.constant 0 : i32
    %c0_i32_1 = arith.constant 0 : i32
    return %c0_i32, %c0_i32_0 : i32, i32
  }
  func.func @transform_2(%arg0: i32) -> (i32, i32) {
    %c0_i32 = arith.constant 0 : i32
    %c0_i32_0 = arith.constant 0 : i32
    %c0_i32_1 = arith.constant 0 : i32
    return %c0_i32, %c0_i32_0 : i32, i32
  }
  func.func @transform_3(%arg0: i32) -> (i32, i32) {
    %c0_i32 = arith.constant 0 : i32
    %c0_i32_0 = arith.constant 0 : i32
    return %arg0, %c0_i32 : i32, i32
  }
  func.func @transform_4(%arg0: i32) -> (i32, i32) {
    %c0_i32 = arith.constant 0 : i32
    %c0_i32_0 = arith.constant 0 : i32
    return %arg0, %c0_i32 : i32, i32
  }
  func.func @transform_5(%arg0: i32) -> (i32, i32) {
    %c0_i32 = arith.constant 0 : i32
    %c0_i32_0 = arith.constant 0 : i32
    return %arg0, %c0_i32 : i32, i32
  }
}

</mosaic_0001>

<sc_bundles>
// kernel: kernel.5.cloned.1.call-start
scs
__scs_entry_jumppad:
0x0: {  	(pc) =	sbr.rel $0x88, $3  }
0x1: {  	(tag) =	ssettag $0x0;
	lr =	simm.s32 $0x1  }
0x2: {  	[smem:$0x3F94] =	sst lr;
	_ =	strace $0xD0000000  }
0x3: {  	_ = 	snop  }
0x4: {  	_ = 	snop  }
0x5: {  	_ = 	snop  }
0x6: {  	_ = 	snop  }
0x7: {  	_ = 	snop  }
__scs_overlays_trampoline_lowered:
0x8: {  	[smem:$0x3FA3] =	sst s0  }
0x9: {  	[smem:$0x3FA4] =	sst s1  }
0xa: {  	[smem:$0x3FA5] =	sst s2  }
0xb: {  	[smem:$0x3FA6] =	sst s3  }
0xc: {  	[smem:$0x3FA7] =	sst s4  }
0xd: {  	[smem:$0x3FA8] =	sst s5  }
0xe: {  	[smem:$0x3FA9] =	sst s6  }
0xf: {  	[smem:$0x3FAA] =	sst s7  }
0x10: {  	[smem:$0x3FAB] =	sst s8  }
0x11: {  	[smem:$0x3FAC] =	sst s9;
	s0 =	simm.s32 @!p0 $0x0  }
0x12: {  	s1 =	sld [smem:$0x3F92];
	s0 =	simm.s32 @p0 $0x1  }
0x13: {  	[smem:$0x3FAD] =	sst s0;
	s0 =	simm.s32 @!p1 $0x0  }
0x14: {  	s2 =	sld [smem:$0x3F91];
	s0 =	simm.s32 @p1 $0x1  }
0x15: {  	[smem:$0x3FAE] =	sst s0;
	s0 =	simm.s32 @!p2 $0x0  }
0x16: {  	s3 =	sld [smem:$0x3FDB];
	s0 =	simm.s32 @p2 $0x1  }
0x17: {  	s4 =	simm.s32 $0x1BF5;
	[smem:$0x3FB0] =	sst s0  }
0x18: {  	s0 =	sld [smem:$0x3F93];
	_ =	swait.ge [sflag:s4], $0x0  }
0x19: {  	s7 =	sld [smem:$0x3F94]  }
0x1a: {  	s8 =	sadd.s32 $0xFFFFE003, lr  }
0x1b: {  	s9 =	sadd.s32 $0xFFFFFEF7, lr;
	s5 =	simm.s32 $0xFFFFFFFF;
	p2 =	slt.u32 s8, $0xFFFFF086  }
0x1c: {  	p1 =	slt.u32 s9, $0xF7A;
	s5 =	simm.s32 @!p2 $0x0  }
0x1d: {  	s5 =	simm.s32 @p1 $0x1;
	p0 =	seq.s32 s7, s2  }
0x1e: {  	s7 =	smul.u32 @!p0 $0xF7A, s2;
	p2 =	seq.s32 @!p0 s5, $0x0  }
0x1f: {  	s9 =	smul.u32 $0xF7A, s1;
	s8 =	simm.s32 @!p0 $0x1BF5;
	p2 =	por !p2, p0  }
0x20: {  	[sflag:s8] =	ssyncset.s32 @!p0 $0xFFFFF086;
	s6 =	sadd.s32 @!p0 s3, s7;
	s7 =	simm.s32 @!p0 $0x108  }
0x21: {  	s3 =	sadd.s32 s3, s9;
	s6 =	sadd.s32 @!p0 $0x88, s6;
	s7 =	simm.s32 @p2 $0x1082  }
0x22: {  	[simem:s7], [sflag:s8] =	dma.local @!p0 [hbm:s6], $0xF7A  }
0x23: {  	s9 =	sor.u32 $0xD0000000, s2;
	s6 =	simm.s32 $0x108;
	_ =	swait.ge @!p0 [sflag:s8], $0x0  }
0x24: {  	s3 =	sadd.s32 $0x88, s3;
	s6 =	simm.s32 @!p1 $0x1082;
	[sflag:s4] =	ssyncset.s32 $0xFFFFF086  }
0x25: {  	[simem:s6], [sflag:s4] =	dma.local [hbm:s3], $0xF7A  }
0x26: {  	[smem:$0x3F94] =	sst s1;
	(tag) =	ssettag s2;
	_ =	strace s9  }
0x27: {  	s1 =	sld [smem:$0x3FA4]  }
0x28: {  	s2 =	sld [smem:$0x3FA5]  }
0x29: {  	s4 =	sld [smem:$0x3FA7]  }
0x2a: {  	p0 =	seq.s32 s5, $0x0;
	s5 =	sld [smem:$0x3FA8]  }
0x2b: {  	s6 =	sld [smem:$0x3FA9]  }
0x2c: {  	s7 =	sld [smem:$0x3FAA]  }
0x2d: {  	s3 =	simm.s32 $0x108;
	s8 =	sld [smem:$0x3FAB]  }
0x2e: {  	s3 =	simm.s32 @!p0 $0x1082;
	s9 =	sld [smem:$0x3FAC]  }
0x2f: {  	lr =	sadd.s32 s0, s3;
	s0 =	sld [smem:$0x3FA3]  }
0x30: {  	s3 =	sld [smem:$0x3FA6]  }
0x31: {  	[smem:$0x3FAF] =	sst s10  }
0x32: {  	s10 =	sld [smem:$0x3FAD];
	_ =	sdelay $0x3  }
0x33: {  	p0 =	seq.s32 s10, $0x1;
	s10 =	sld [smem:$0x3FAF];
	_ =	sdelay $0x3  }
0x34: {  	[smem:$0x3FAF] =	sst s10  }
0x35: {  	s10 =	sld [smem:$0x3FAE];
	_ =	sdelay $0x3  }
0x36: {  	p1 =	seq.s32 s10, $0x1;
	s10 =	sld [smem:$0x3FAF];
	_ =	sdelay $0x3  }
0x37: {  	[smem:$0x3FAF] =	sst s10  }
0x38: {  	s10 =	sld [smem:$0x3FB0]  }
0x39: {  	_ = 	snop;
	(pc) =	sbr.ind lr, $3  }
0x3a: {  	_ = 	snop  }
0x3b: {  	_ = 	snop  }
0x3c: {  	p2 =	seq.s32 s10, $0x1;
	s10 =	sld [smem:$0x3FAF]  }
0x3d: {  	_ =	shalt  }
0x3e: {  	_ =	shalt  }
0x3f: {  	_ =	shalt  }
0x40: {  	_ =	shalt  }
0x41: {  	_ =	shalt  }
0x42: {  	_ =	shalt  }
0x43: {  	_ =	shalt  }
0x44: {  	_ =	shalt  }
0x45: {  	_ =	shalt  }
0x46: {  	_ =	shalt  }
0x47: {  	_ =	shalt  }
0x48: {  	_ =	shalt  }
0x49: {  	_ =	shalt  }
0x4a: {  	_ =	shalt  }
0x4b: {  	_ =	shalt  }
0x4c: {  	_ =	shalt  }
0x4d: {  	_ =	shalt  }
0x4e: {  	_ =	shalt  }
0x4f: {  	_ =	shalt  }
0x50: {  	_ =	shalt  }
0x51: {  	_ =	shalt  }
0x52: {  	_ =	shalt  }
0x53: {  	_ =	shalt  }
0x54: {  	_ =	shalt  }
0x55: {  	_ =	shalt  }
0x56: {  	_ =	shalt  }
0x57: {  	_ =	shalt  }
0x58: {  	_ =	shalt  }
0x59: {  	_ =	shalt  }
0x5a: {  	_ =	shalt  }
0x5b: {  	_ =	shalt  }
0x5c: {  	_ =	shalt  }
0x5d: {  	_ =	shalt  }
0x5e: {  	_ =	shalt  }
0x5f: {  	_ =	shalt  }
0x60: {  	_ =	shalt  }
0x61: {  	_ =	shalt  }
0x62: {  	_ =	shalt  }
0x63: {  	_ =	shalt  }
0x64: {  	_ =	shalt  }
0x65: {  	_ =	shalt  }
0x66: {  	_ =	shalt  }
0x67: {  	_ =	shalt  }
0x68: {  	_ =	shalt  }
0x69: {  	_ =	shalt  }
0x6a: {  	_ =	shalt  }
0x6b: {  	_ =	shalt  }
0x6c: {  	_ =	shalt  }
0x6d: {  	_ =	shalt  }
0x6e: {  	_ =	shalt  }
0x6f: {  	_ =	shalt  }
0x70: {  	_ =	shalt  }
0x71: {  	_ =	shalt  }
0x72: {  	_ =	shalt  }
0x73: {  	_ =	shalt  }
0x74: {  	_ =	shalt  }
0x75: {  	_ =	shalt  }
0x76: {  	_ =	shalt  }
0x77: {  	_ =	shalt  }
0x78: {  	_ =	shalt  }
0x79: {  	_ =	shalt  }
0x7a: {  	_ =	shalt  }
0x7b: {  	_ =	shalt  }
0x7c: {  	_ =	shalt  }
0x7d: {  	_ =	shalt  }
0x7e: {  	_ =	shalt  }
0x7f: {  	_ =	shalt  }
0x80: {  	_ =	shalt  }
0x81: {  	_ =	shalt  }
0x82: {  	_ =	shalt  }
0x83: {  	_ =	shalt  }
0x84: {  	_ =	shalt  }
0x85: {  	_ =	shalt  }
0x86: {  	_ =	shalt  }
0x87: {  	_ =	shalt  }
.Lfunc_end0:
.L_simem_size_0:
called_computation_lowered:
.L_overlay_start_0:
0x88: {  	s2 =	sld [smem:$0x3FD9]  }
0x89: {  	s3 =	sld [smem:$0x3FFE];
	_ =	sdelay $0x1  }
0x8a: {  	s1 =	srdreg.scid  }
0x8b: {  	s0 =	sand.u32 $0x1, s1  }
0x8c: {  	s17 =	sshll.u32 s0, $0xA;
	s2 =	sadd.s32 s3, s2  }
0x8d: {  	s2 =	sadd.s32 s2, s17  }
0x8e: {  	[smem:$0x3FBB] =	sst s2  }
0x8f: {  	_ = 	snop  }
0x90: {  	s2 =	sld [smem:$0x3FC8]  }
0x91: {  	s18 =	sld [smem:$0x3FC7]  }
0x92: {  	s4 =	sld [smem:$0x3FD0];
	(tm) =	ssettm $0x1  }
0x93: {  	s5 =	sld [smem:$0x3FFB];
	_ =	sdelay $0x3  }
0x94: {  	_ =	strace s5  }
0x95: {  	s5 =	sld [smem:$0x3FFC];
	_ =	sdelay $0x3  }
0x96: {  	_ =	strace s5  }
0x97: {  	s5 =	sld [smem:$0x3FFD];
	_ =	sdelay $0x3  }
0x98: {  	_ =	strace s5  }
0x99: {  	_ =	strace $0x8FFFFFFF  }
0x9a: {  	s19 =	sld [smem:$0x3FDB];
	_ =	sdelay $0x1  }
0x9b: {  	s6 =	simm.s32 $_scs_section_size  }
0x9c: {  	s7 =	simm.s32 $_size__tile_overlayer_lowered;
	s8 =	simm.s32 $_tile_overlayer_lowered  }
0x9d: {  	s22 =	simm.s32 $0x1BFF;
	s21 =	sshll.u32 s8, $0x1;
	s5 =	sadd.s32 s6, s19  }
0x9e: {  	s9 =	simm.s32 $0x0;
	s20 =	sshll.u32 s7, $0x1;
	s7 =	sadd.s32 s21, s5  }
0x9f: {  	[timem:s9], [sflag:s22] =	dma.local [hbm:s7], s20  }
0xa0: {  	_ =	swait.ge [sflag:s22], s20  }
0xa1: {  	s6 =	ssub.s32 $0x0, s20;
	[sflag:s22] =	ssyncset.done $0x0  }
0xa2: {  	[sflag:s22] =	ssyncadd.s32 s6;
	_ =	sdelay $0x1  }
0xa3: {  	s23 =	simm.s32 $0x1B8B  }
0xa4: {  	_ =	swait.ge [sflag:s23], $0x1  }
0xa5: {  	[sflag:s23] =	ssyncset.done $0x0  }
0xa6: {  	s25 =	simm.s32 $0x1B8E;
	s24 =	sld [smem:$0x3FFE];
	[sflag:s23] =	ssyncadd.s32 $0xFFFFFFFF  }
0xa7: {  	s26 =	simm.s32 $execute0_lowered;
	[smem:$0x3FD2] =	sst s25  }
0xa8: {  	s7 =	sshll.u32 s26, $0x1;
	_ =	strace $0x80000046;
	[dreg:$0x1] =	wrdreg $0xFFFFFFFF  }
0xa9: {  	s28 =	simm.s32 $_size_execute0_lowered;
	s5 =	sadd.s32 s5, s7;
	[dreg:$0x0] =	wrdreg $0x0  }
0xaa: {  	s7 =	sshll.u32 s28, $0x1;
	[dreg:$0x2] =	wrdreg s5  }
0xab: {  	[dreg:$0x3] =	wrdreg s7  }
0xac: {  	[dreg:$0x4] =	wrdreg $0xC0  }
0xad: {  	_ =	task [dreg:s9], $0x5FFFF  }
0xae: {  	[dreg:$0x1] =	wrdreg $0xFFFFFFFF  }
0xaf: {  	[dreg:$0x0] =	wrdreg $0x60  }
0xb0: {  	[dreg:$0x2] =	wrdreg s4  }
0xb1: {  	[dreg:$0x3] =	wrdreg s24  }
0xb2: {  	[dreg:$0x4] =	wrdreg s2  }
0xb3: {  	[dreg:$0x5] =	wrdreg s18  }
0xb4: {  	[dreg:$0x6] =	wrdreg $0xA4B00  }
0xb5: {  	[dreg:$0x7] =	wrdreg $0x7DA00  }
0xb6: {  	[dreg:$0x8] =	wrdreg $0x9  }
0xb7: {  	_ =	task.clear_ibuf [dreg:s9], $0x9FFFF;
	_ =	strace $0x90000046  }
0xb8: {  	s29 =	simm.s32 $0x9;
	_ =	strace $0x80000048  }
0xb9: {  	_ =	swait.ge [sflag:s29], $0x1  }
0xba: {  	[sflag:s29] =	ssyncadd.s32 $0xFFFFFFFF  }
0xbb: {  	_ =	strace $0x90000048  }
0xbc: {  	_ =	sfence  }
0xbd: {  	s30 =	sld [smem:$0x0];
	_ =	sdelay $0x2  }
0xbe: {  	s31 =	sshll.u32 s1, $0xD;
	s1 =	sshrl.u32 s1, $0x2  }
0xbf: {  	s3 =	sand.u32 $0x4000, s31;
	s1 =	sadd.s32 s1, s30  }
0xc0: {  	s0 =	sor.u32 s3, s0;
	s1 =	sshll.u32 s1, $0x11  }
0xc1: {  	s0 =	sor.u32 s1, s0  }
0xc2: {  	s0 =	sadd.s32 $0x8F2B, s0  }
0xc3: {  	[sflag:s0] =	ssyncadd.remote.s32 $0x1  }
0xc4: {  	_ =	sfence.sel $0xFFFF  }
0xc5: {  	[dreg:$0x0] =	wrdreg $0xFFFFFFFF;
	(pc) =	sbr.abs _section_cstart, $3  }
0xc6: {  	[dreg:$0x1] =	wrdreg $0xFFFFFFFF  }
0xc7: {  	_ =	task.clear_ibuf [dreg:s9], $0x2FFFF;
	_ =	strace $0x9FFFFFFF  }
0xc8: {  	(tm) =	ssettm $0x7FFFFFFF  }
0xc9: {  	_ =	shalt  }
tec
execute0_lowered:
.L_overlay_start_1:
0x0: {  	(tag) =	ssettag $0x1  }
0x1: {  	s1 =	rddreg [dreg:$0x0]  }
0x2: {  	s0 =	rddreg [dreg:$0x1]  }
0x3: {  	s2 =	rddreg [dreg:$0x2]  }
0x4: {  	s3 =	rddreg [dreg:$0x3]  }
0x5: {  	s4 =	rddreg [dreg:$0x4]  }
0x6: {  	s5 =	rddreg [dreg:$0x5];
	s19 =	stileid.u32  }
0x7: {  	s6 =	simm.s32 $0x0;
	s7 =	srdreg.scid;
	s11 =	smul.u32 $0xA000, s19  }
0x8: {  	[smem:$0x7FF] =	sst s6;
	s8 =	sadd.s32 $0x2A00, s0;
	s13 =	smul.u32 $0x1400, s19  }
0x9: {  	s9 =	sadd.s32 $0x29C00, s0;
	s14 =	sor.u32 $0x10, s19;
	s18 =	smul.u32 $0x13C00, s19  }
0xa: {  	s10 =	sadd.s32 $0x50E00, s0;
	s7 =	sand.u32 $0x1, s7;
	s16 =	smul.u32 $0xA000, s14  }
0xb: {  	s15 =	sadd.s32 $0x5AC00, s0;
	s23 =	sor.u32 $0x20, s19;
	s22 =	smul.u32 $0x1400, s14  }
0xc: {  	p0 =	sgt.u32 s19, $0xC;
	p1 =	seq.s32 s19, $0xF;
	s17 =	smul.u32 $0xA000, s23  }
0xd: {  	_ =	strace $0x80000047;
	s12 =	ssub.s32 $0x2, s7;
	s25 =	smul.u32 $0x27100, s7  }
0xe: {  	s14 =	smul.u32 $0x1400, s23;
	s23 =	sor.u32 $0x30, s19;
	s21 =	sshrl.u32 s12, $0x1  }
0xf: {  	s11 =	sshrl.u32 s11, $0x2;
	s13 =	sshrl.u32 s13, $0x2;
	s0 =	ssub.s32 s12, s21  }
0x10: {  	s11 =	sadd.s32 s11, s4;
	s24 =	sadd.s32 s13, s5;
	s26 =	sshrl.u32 s16, $0x2  }
0x11: {  	s12 =	sshrl.u32 s22, $0x2;
	s16 =	smul.u32 $0x2780, s19;
	[dreg:$0x7] =	wrdreg s11  }
0x12: {  	s20 =	sshrl.u32 s17, $0x2;
	s14 =	sshrl.u32 s14, $0x2;
	[dreg:$0x8] =	wrdreg s24  }
0x13: {  	s13 =	sadd.s32 s26, s4;
	s12 =	sadd.s32 s12, s5;
	s11 =	sshrl.u32 s25, $0x3  }
0x14: {  	s24 =	smul.u32 $0xA000, s23;
	s14 =	sadd.s32 s14, s5;
	[dreg:$0x9] =	wrdreg s13  }
0x15: {  	s0 =	smax.u32 s0, $0x1;
	[dreg:$0xa] =	wrdreg s12;
	s13 =	smul.u32 $0x138800, s7  }
0x16: {  	s21 =	sadd.s32 s16, s25;
	s25 =	sor.u32 $0x40, s19;
	[dreg:$0xe] =	wrdreg s14  }
0x17: {  	s7 =	sshll.u32 s7, $0x4;
	s17 =	sshrl.u32 s21, $0x3;
	s26 =	smul.u32 $0xA000, s25  }
0x18: {  	s7 =	sor.u32 s19, s7;
	s17 =	sadd.s32 s10, s17;
	s22 =	sadd.s32 s18, s13  }
0x19: {  	s10 =	sadd.s32 s10, s11;
	s12 =	sshrl.u32 s13, $0x3;
	s11 =	smul.u32 $0x1400, s23  }
0x1a: {  	s13 =	sadd.s32 s20, s4;
	s20 =	sor.u32 $0x50, s19;
	s29 =	smul.u32 $0x2710, s7  }
0x1b: {  	s7 =	sadd.s32 $0x25080, s5;
	[dreg:$0xd] =	wrdreg s13;
	s13 =	smul.u32 $0x1400, s25  }
0x1c: {  	[dreg:$0xb] =	wrdreg s17;
	s17 =	sshrl.u32 s22, $0x3;
	s22 =	smul.u32 $0xA000, s20  }
0x1d: {  	s12 =	sadd.s32 s15, s12;
	s23 =	smul.u32 $0x1400, s20;
	s30 =	sadd.s32 $0x4A10, s10  }
0x1e: {  	s10 =	sadd.s32 $0x128400, s4;
	s7 =	sshrl.u32 @p1 s7, $0x3;
	s17 =	sadd.s32 s15, s17  }
0x1f: {  	s15 =	sshrl.u32 s24, $0x2;
	s11 =	sshrl.u32 s11, $0x2;
	s24 =	sor.u32 $0x60, s19  }
0x20: {  	s31 =	sadd.s32 $0x25080, s12;
	s10 =	sshrl.u32 @p1 s10, $0x3;
	[dreg:$0xc] =	wrdreg s17  }
0x21: {  	s15 =	sadd.s32 s15, s4;
	s17 =	sshrl.u32 s26, $0x2;
	s11 =	sadd.s32 s11, s5  }
0x22: {  	s13 =	sshrl.u32 s13, $0x2;
	s25 =	smul.u32 $0xA000, s24;
	s14 =	sshrl.u32 s23, $0x2  }
0x23: {  	s26 =	sor.u32 $0x70, s19;
	s19 =	simm.s32 $0x1;
	[dreg:$0xf] =	wrdreg s15  }
0x24: {  	[dreg:$0x10] =	wrdreg s11;
	s21 =	sadd.s32 s17, s4;
	s13 =	sadd.s32 s13, s5  }
0x25: {  	s11 =	sshrl.u32 s22, $0x2;
	s15 =	smul.u32 $0x1400, s24;
	s20 =	sadd.s32 s14, s5  }
0x26: {  	s23 =	smul.u32 $0x1400, s26;
	s14 =	simm.s32 $0x2;
	[dreg:$0x11] =	wrdreg s21  }
0x27: {  	s17 =	simm.s32 $0x28A0;
	[dreg:$0x12] =	wrdreg s13;
	s11 =	sadd.s32 s11, s4  }
0x28: {  	[dreg:$0x14] =	wrdreg s20;
	s21 =	smul.u32 $0xA000, s26;
	s13 =	sshrl.u32 s25, $0x2  }
0x29: {  	s20 =	simm.s32 $0x0;
	[dreg:$0x13] =	wrdreg s11;
	s22 =	sshrl.u32 s15, $0x2  }
0x2a: {  	s13 =	sadd.s32 s13, s4;
	s24 =	sshrl.u32 s23, $0x2;
	s15 =	simm.s32 $0x78A0  }
0x2b: {  	[dreg:$0x15] =	wrdreg s13;
	s25 =	sadd.s32 s22, s5;
	s11 =	sshrl.u32 s21, $0x2  }
0x2c: {  	s28 =	sadd.s32 s24, s5;
	s13 =	sadd.s32 s18, s4;
	s18 =	simm.s32 $0x50A0  }
0x2d: {  	s26 =	sadd.s32 s11, s4;
	s11 =	sadd.s32 s16, s5;
	s12 =	sshrl.u32 @!p1 s13, $0x3  }
0x2e: {  	v0 =	vimm.f32 $0.0e+00;
	v1 =	vlaneseq.u32;
	s13 =	simm.s32 $0xA0;
	s16 =	simm.s32 $0x50;
	s11 =	sshrl.u32 @!p1 s11, $0x3  }
.LBB2_1:
0x2f: {  	s21 =	simm.s32 $0xE0  }
0x30: {  	[tilespmem:s21+$0xFFFFFFD0] =	vst v0  }
0x31: {  	[tilespmem:s21+$0xFFFFFFE0] =	vst v0  }
0x32: {  	[tilespmem:s21+$0xFFFFFFF0] =	vst v0  }
0x33: {  	[tilespmem:s21+$0x0] =	vst v0  }
0x34: {  	[tilespmem:s21+$0x10] =	vst v0  }
0x35: {  	[tilespmem:s21+$0x20] =	vst v0  }
0x36: {  	[tilespmem:s21+$0x30] =	vst v0  }
0x37: {  	s23 =	simm.s32 $0x0;
	s22 =	simm.s32 $0x40;
	[tilespmem:s21+$0xFFFFFFC0] =	vst v0  }
.LBB2_2:
0x38: {  	p2 =	sne.s32 s22, $0x13C0;
	[tilespmem:s23+$0x78A0] =	vst v0;
	s21 =	sadd.s32 $0x80, s21  }
0x39: {  	[tilespmem:s21+$0xFFFFFFD0] =	vst v0  }
0x3a: {  	[tilespmem:s21+$0xFFFFFFE0] =	vst v0  }
0x3b: {  	[tilespmem:s21+$0xFFFFFFF0] =	vst v0  }
.Ltmp0:
0x3c: {  	[tilespmem:s21+$0x0] =	vst v0;
	(pc) =	sbr.rel @p2 .LBB2_2-.Ltmp0, $4  }
0x3d: {  	[tilespmem:s21+$0x10] =	vst v0  }
0x3e: {  	[tilespmem:s21+$0x20] =	vst v0  }
0x3f: {  	[tilespmem:s21+$0x30] =	vst v0  }
0x40: {  	s23 =	sshra.s32 s22, $0x2;
	s22 =	sadd.s32 $0x40, s22;
	[tilespmem:s21+$0xFFFFFFC0] =	vst v0  }
0x41: {  	[tilespmem:s23+$0x78A0] =	vst v0;
	s21 =	rddreg [dreg:$0x7]  }
0x42: {  	[spmem:s21] =	stream.linear.scatter [tilespmem:s13], [sflag:$0x2], $0x2800, $0x38;
	[tilespmem:$0x1DD30] =	vst v63  }
0x43: {  	_ =	swait.ge [sflag:s14], $0x2800  }
0x44: {  	[sflag:s14] =	ssyncset.done $0x0  }
0x45: {  	s22 =	rddreg [dreg:$0x8];
	[sflag:s14] =	ssyncadd.s32 $0xFFFFD800  }
0x46: {  	[spmem:s22] =	stream.linear.scatter [tilespmem:s15], [sflag:$0x2], $0x500, $0x38;
	[tilespmem:$0x1DD30] =	vst v63  }
0x47: {  	_ =	swait.ge [sflag:s14], $0x500  }
0x48: {  	[sflag:s14] =	ssyncset.done $0x0  }
0x49: {  	s23 =	rddreg [dreg:$0x9];
	[sflag:s14] =	ssyncadd.s32 $0xFFFFFB00  }
0x4a: {  	[spmem:s23] =	stream.linear.scatter [tilespmem:s13], [sflag:$0x2], $0x2800, $0x38;
	[tilespmem:$0x1DD30] =	vst v63  }
0x4b: {  	_ =	swait.ge [sflag:s14], $0x2800  }
0x4c: {  	[sflag:s14] =	ssyncset.done $0x0  }
0x4d: {  	s24 =	rddreg [dreg:$0xa];
	[sflag:s14] =	ssyncadd.s32 $0xFFFFD800  }
0x4e: {  	[spmem:s24] =	stream.linear.scatter [tilespmem:s15], [sflag:$0x2], $0x500, $0x38;
	[tilespmem:$0x1DD30] =	vst v63  }
0x4f: {  	_ =	swait.ge [sflag:s14], $0x500  }
0x50: {  	[sflag:s14] =	ssyncset.done $0x0  }
0x51: {  	s22 =	rddreg [dreg:$0xd];
	[sflag:s14] =	ssyncadd.s32 $0xFFFFFB00  }
0x52: {  	[spmem:s22] =	stream.linear.scatter [tilespmem:s13], [sflag:$0x2], $0x2800, $0x38;
	[tilespmem:$0x1DD30] =	vst v63  }
0x53: {  	_ =	swait.ge [sflag:s14], $0x2800  }
0x54: {  	[sflag:s14] =	ssyncset.done $0x0  }
0x55: {  	s23 =	rddreg [dreg:$0xe];
	[sflag:s14] =	ssyncadd.s32 $0xFFFFD800  }
0x56: {  	[spmem:s23] =	stream.linear.scatter [tilespmem:s15], [sflag:$0x2], $0x500, $0x38;
	[tilespmem:$0x1DD30] =	vst v63  }
0x57: {  	_ =	swait.ge [sflag:s14], $0x500  }
0x58: {  	[sflag:s14] =	ssyncset.done $0x0  }
0x59: {  	s24 =	rddreg [dreg:$0xf];
	[sflag:s14] =	ssyncadd.s32 $0xFFFFFB00  }
0x5a: {  	[spmem:s24] =	stream.linear.scatter [tilespmem:s13], [sflag:$0x2], $0x2800, $0x38;
	[tilespmem:$0x1DD30] =	vst v63  }
0x5b: {  	_ =	swait.ge [sflag:s14], $0x2800  }
0x5c: {  	[sflag:s14] =	ssyncset.done $0x0  }
0x5d: {  	s22 =	rddreg [dreg:$0x10];
	[sflag:s14] =	ssyncadd.s32 $0xFFFFD800  }
0x5e: {  	[spmem:s22] =	stream.linear.scatter [tilespmem:s15], [sflag:$0x2], $0x500, $0x38;
	[tilespmem:$0x1DD30] =	vst v63  }
0x5f: {  	_ =	swait.ge [sflag:s14], $0x500  }
0x60: {  	[sflag:s14] =	ssyncset.done $0x0  }
0x61: {  	s23 =	rddreg [dreg:$0x11];
	[sflag:s14] =	ssyncadd.s32 $0xFFFFFB00  }
0x62: {  	[spmem:s23] =	stream.linear.scatter [tilespmem:s13], [sflag:$0x2], $0x2800, $0x38;
	[tilespmem:$0x1DD30] =	vst v63  }
0x63: {  	_ =	swait.ge [sflag:s14], $0x2800  }
0x64: {  	[sflag:s14] =	ssyncset.done $0x0  }
0x65: {  	s24 =	rddreg [dreg:$0x12];
	[sflag:s14] =	ssyncadd.s32 $0xFFFFD800  }
0x66: {  	[spmem:s24] =	stream.linear.scatter [tilespmem:s15], [sflag:$0x2], $0x500, $0x38;
	[tilespmem:$0x1DD30] =	vst v63  }
0x67: {  	_ =	swait.ge [sflag:s14], $0x500  }
0x68: {  	[sflag:s14] =	ssyncset.done $0x0  }
0x69: {  	s22 =	rddreg [dreg:$0x13];
	[sflag:s14] =	ssyncadd.s32 $0xFFFFFB00  }
0x6a: {  	[spmem:s22] =	stream.linear.scatter [tilespmem:s13], [sflag:$0x2], $0x2800, $0x38;
	[tilespmem:$0x1DD30] =	vst v63  }
0x6b: {  	_ =	swait.ge [sflag:s14], $0x2800  }
0x6c: {  	[sflag:s14] =	ssyncset.done $0x0  }
0x6d: {  	s23 =	rddreg [dreg:$0x14];
	[sflag:s14] =	ssyncadd.s32 $0xFFFFD800  }
0x6e: {  	[spmem:s23] =	stream.linear.scatter [tilespmem:s15], [sflag:$0x2], $0x500, $0x38;
	[tilespmem:$0x1DD30] =	vst v63  }
0x6f: {  	_ =	swait.ge [sflag:s14], $0x500  }
0x70: {  	[sflag:s14] =	ssyncset.done $0x0  }
0x71: {  	s24 =	rddreg [dreg:$0x15];
	[sflag:s14] =	ssyncadd.s32 $0xFFFFFB00  }
0x72: {  	[spmem:s24] =	stream.linear.scatter [tilespmem:s13], [sflag:$0x2], $0x2800, $0x38;
	[tilespmem:$0x1DD30] =	vst v63  }
0x73: {  	_ =	swait.ge [sflag:s14], $0x2800  }
0x74: {  	[sflag:s14] =	ssyncset.done $0x0  }
0x75: {  	[sflag:s14] =	ssyncadd.s32 $0xFFFFD800  }
0x76: {  	[spmem:s25] =	stream.linear.scatter [tilespmem:s15], [sflag:$0x2], $0x500, $0x38;
	[tilespmem:$0x1DD30] =	vst v63  }
0x77: {  	_ =	swait.ge [sflag:s14], $0x500  }
0x78: {  	[sflag:s14] =	ssyncset.done $0x0  }
0x79: {  	s21 =	simm.s32 @!p0 $0xA0;
	[sflag:s14] =	ssyncadd.s32 $0xFFFFFB00  }
0x7a: {  	[spmem:s26] =	stream.linear.scatter @!p0 [tilespmem:s21], [sflag:$0x2], $0x2800, $0x38;
	[tilespmem:$0x1DD30] =	vst v63  }
0x7b: {  	s21 =	simm.s32 @!p0 $0x2  }
0x7c: {  	_ =	swait.ge @!p0 [sflag:s21], $0x2800  }
0x7d: {  	[sflag:s21] =	ssyncset.done @!p0 $0x0  }
0x7e: {  	s22 =	simm.s32 @!p0 $0x78A0;
	[sflag:s21] =	ssyncadd.s32 @!p0 $0xFFFFD800  }
0x7f: {  	[spmem:s28] =	stream.linear.scatter @!p0 [tilespmem:s22], [sflag:$0x2], $0x500, $0x38;
	[tilespmem:$0x1DD30] =	vst v63  }
0x80: {  	_ =	swait.ge @!p0 [sflag:s21], $0x500  }
0x81: {  	[sflag:s21] =	ssyncset.done @!p0 $0x0  }
0x82: {  	[sflag:s21] =	ssyncadd.s32 @!p0 $0xFFFFFB00  }
0x83: {  	s22 =	simm.s32 $0x0;
	s21 =	simm.s32 $0x0;
	[bflag:$0x0] =	sbarrier.arrive $0xFFFF  }
.LBB2_4:
0x84: {  	s23 =	smul.u32 $0x50, s22;
	_ =	sdelay $0x1  }
0x85: {  	s23 =	sadd.s32 s29, s23  }
0x86: {  	s23 =	sshrl.u32 s23, $0x3  }
0x87: {  	s24 =	sadd.s32 s2, s23  }
0x88: {  	[tilespmem:s21], [sflag:$0x2] =	stream.linear.gather [hbm4b:s24+s21], $0x50, $0x38;
	[tilespmem:$0x1DD30] =	vst v63  }
0x89: {  	_ =	swait.ge [sflag:s14], $0x50  }
0x8a: {  	[sflag:s14] =	ssyncset.done $0x0  }
0x8b: {  	s23 =	sadd.s32 s3, s23;
	[sflag:s14] =	ssyncadd.s32 $0xFFFFFFB0  }
0x8c: {  	[tilespmem:s16], [sflag:$0x2] =	stream.linear.gather [hbm4b:s23+s21], $0x50, $0x38;
	[tilespmem:$0x1DD30] =	vst v63  }
0x8d: {  	_ =	swait.ge [sflag:s14], $0x50  }
0x8e: {  	[sflag:s14] =	ssyncset.done $0x0  }
0x8f: {  	[sflag:s14] =	ssyncadd.s32 $0xFFFFFFB0  }
0x90: {  	[tilespmem:s13], [sflag:$0x1] =	stream.indirect.gather [hbm4b:s1+s16], $0x80, s21, s16, $0xb8;
	[tilespmem:$0x1DD30] =	vst v63  }
0x91: {  	_ = 	snop  }
0x92: {  	[tilespmem:s17], [sflag:$0x1] =	stream.indirect.gather [hbm4b:s8+s16], $0x80, s16, s16, $0xb8;
	[tilespmem:$0x1DD30] =	vst v63  }
0x93: {  	_ = 	snop  }
0x94: {  	[tilespmem:s18], [sflag:$0x1] =	stream.indirect.gather [hbm4b:s9+s16], $0x80, s16, s16, $0xb8;
	[tilespmem:$0x1DD30] =	vst v63  }
0x95: {  	_ =	swait.ge [sflag:s19], $0x2800  }
0x96: {  	[sflag:s19] =	ssyncset.done $0x0  }
0x97: {  	[sflag:s19] =	ssyncadd.s32 $0xFFFFD800  }
0x98: {  	_ =	swait.ge [sflag:s19], $0x2800  }
0x99: {  	[sflag:s19] =	ssyncset.done $0x0  }
0x9a: {  	[sflag:s19] =	ssyncadd.s32 $0xFFFFD800  }
0x9b: {  	_ =	swait.ge [sflag:s19], $0x2800  }
0x9c: {  	[sflag:s19] =	ssyncset.done $0x0  }
0x9d: {  	s23 =	simm.s32 $0x0;
	[sflag:s19] =	ssyncadd.s32 $0xFFFFD800  }
.LBB2_5:
0x9e: {  	v3 =	vor.u32 s23, v1  }
0x9f: {  	v2 =	vshll.u32 v3, $0x7;
	_ =	sdelay $0x1  }
0xa0: {  	v4 =	vor.u32 $0x1, v2;
	_ =	sdelay $0x1  }
0xa1: {  	v5 =	vor.u32 $0x2, v2  }
0xa2: {  	v6 =	vld.idx.msk [tilespmem:v2+s13+$0x0], $0xffff  }
0xa3: {  	v8 =	vor.u32 $0x3, v2;
	v7 =	vld.idx.msk [tilespmem:v2+s17+$0x0], $0xffff  }
0xa4: {  	v9 =	vld.idx.msk [tilespmem:v4+s13+$0x0], $0xffff  }
0xa5: {  	v10 =	vor.u32 $0x4, v2;
	v4 =	vld.idx.msk [tilespmem:v4+s17+$0x0], $0xffff  }
0xa6: {  	v11 =	vld.idx.msk [tilespmem:v5+s13+$0x0], $0xffff  }
0xa7: {  	v12 =	vor.u32 $0x5, v2;
	v5 =	vld.idx.msk [tilespmem:v5+s17+$0x0], $0xffff  }
0xa8: {  	v60 =	vld.idx.msk [tilespmem:v8+s13+$0x0], $0xffff;
	v6 =	vmul.f32 v7, v6  }
0xa9: {  	v13 =	vor.u32 $0x6, v2;
	v8 =	vld.idx.msk [tilespmem:v8+s17+$0x0], $0xffff  }
0xaa: {  	v61 =	vld.idx.msk [tilespmem:v10+s13+$0x0], $0xffff;
	v4 =	vmul.f32 v4, v9;
	v6 =	vadd.f32 $0.0e+00, v6  }
0xab: {  	v14 =	vor.u32 $0x7, v2;
	v10 =	vld.idx.msk [tilespmem:v10+s17+$0x0], $0xffff  }
0xac: {  	v62 =	vld.idx.msk [tilespmem:v12+s13+$0x0], $0xffff;
	v5 =	vmul.f32 v5, v11;
	v4 =	vadd.f32 v4, v6  }
0xad: {  	v16 =	vor.u32 $0x8, v2;
	v63 =	vld.idx.msk [tilespmem:v12+s17+$0x0], $0xffff  }
0xae: {  	v18 =	vld.idx.msk [tilespmem:v13+s13+$0x0], $0xffff;
	v17 =	vmul.f32 v8, v60;
	v4 =	vadd.f32 v5, v4  }
0xaf: {  	v20 =	vor.u32 $0x9, v2;
	v19 =	vld.idx.msk [tilespmem:v13+s17+$0x0], $0xffff  }
0xb0: {  	v22 =	vld.idx.msk [tilespmem:v14+s13+$0x0], $0xffff;
	v21 =	vmul.f32 v10, v61;
	v4 =	vadd.f32 v17, v4  }
0xb1: {  	v24 =	vor.u32 $0xA, v2;
	v23 =	vld.idx.msk [tilespmem:v14+s17+$0x0], $0xffff  }
0xb2: {  	v26 =	vld.idx.msk [tilespmem:v16+s13+$0x0], $0xffff;
	v25 =	vmul.f32 v63, v62;
	v4 =	vadd.f32 v21, v4  }
0xb3: {  	v28 =	vor.u32 $0xB, v2;
	v27 =	vld.idx.msk [tilespmem:v16+s17+$0x0], $0xffff  }
0xb4: {  	v30 =	vld.idx.msk [tilespmem:v20+s13+$0x0], $0xffff;
	v29 =	vmul.f32 v19, v18;
	v4 =	vadd.f32 v25, v4  }
0xb5: {  	v32 =	vor.u32 $0xC, v2;
	v31 =	vld.idx.msk [tilespmem:v20+s17+$0x0], $0xffff  }
0xb6: {  	v34 =	vld.idx.msk [tilespmem:v24+s13+$0x0], $0xffff;
	v33 =	vmul.f32 v23, v22;
	v4 =	vadd.f32 v29, v4  }
0xb7: {  	v36 =	vor.u32 $0xD, v2;
	v35 =	vld.idx.msk [tilespmem:v24+s17+$0x0], $0xffff  }
0xb8: {  	v38 =	vld.idx.msk [tilespmem:v28+s13+$0x0], $0xffff;
	v37 =	vmul.f32 v27, v26;
	v4 =	vadd.f32 v33, v4  }
0xb9: {  	v40 =	vor.u32 $0xE, v2;
	v39 =	vld.idx.msk [tilespmem:v28+s17+$0x0], $0xffff  }
0xba: {  	v42 =	vld.idx.msk [tilespmem:v32+s13+$0x0], $0xffff;
	v41 =	vmul.f32 v31, v30;
	v4 =	vadd.f32 v37, v4  }
0xbb: {  	v44 =	vor.u32 $0xF, v2;
	v43 =	vld.idx.msk [tilespmem:v32+s17+$0x0], $0xffff  }
0xbc: {  	v46 =	vld.idx.msk [tilespmem:v36+s13+$0x0], $0xffff;
	v45 =	vmul.f32 v35, v34;
	v4 =	vadd.f32 v41, v4  }
0xbd: {  	v47 =	vld.idx.msk [tilespmem:v36+s17+$0x0], $0xffff  }
0xbe: {  	v49 =	vld.idx.msk [tilespmem:v40+s13+$0x0], $0xffff;
	v48 =	vmul.f32 v39, v38;
	v4 =	vadd.f32 v45, v4  }
0xbf: {  	v50 =	vld.idx.msk [tilespmem:v40+s17+$0x0], $0xffff  }
0xc0: {  	v52 =	vld.idx.msk [tilespmem:v44+s13+$0x0], $0xffff;
	v51 =	vmul.f32 v43, v42;
	v4 =	vadd.f32 v48, v4  }
0xc1: {  	v53 =	vld.idx.msk [tilespmem:v44+s17+$0x0], $0xffff  }
0xc2: {  	v54 =	vmul.f32 v47, v46;
	v4 =	vadd.f32 v51, v4;
	_ =	sdelay $0x1  }
0xc3: {  	v55 =	vmul.f32 v50, v49;
	v4 =	vadd.f32 v54, v4;
	_ =	sdelay $0x1  }
0xc4: {  	v56 =	vmul.f32 v53, v52;
	v4 =	vadd.f32 v55, v4;
	_ =	sdelay $0x1  }
0xc5: {  	v4 =	vadd.f32 v56, v4;
	_ =	sdelay $0x1  }
0xc6: {  	v4 =	vmul.f32 $2.500000000e-01, v4;
	_ =	sdelay $0x1  }
0xc7: {  	v4 =	vmul.f32 $1.442695020e+00, v4;
	_ =	sdelay $0x1  }
0xc8: {  	(erf) = vpow2.f32 v4;
	_ =	sdelay $0x4  }
0xc9: {  	v3 =	vshll.u32 v3, $0x4  }
0xca: {  	v57 =	vor.u32 $0x10, v2;
	_ =	sdelay $0x1  }
0xcb: {  	v58 =	vor.u32 $0x11, v2  }
0xcc: {  	v59 =	vpop (erf)  }
0xcd: {  	v60 =	vor.u32 $0x12, v2;
	[tilespmem:v3+s15+$0x0] =	vst.idx.msk $0xffff, v59  }
0xce: {  	v61 =	vld.idx.msk [tilespmem:v57+s13+$0x0], $0xffff  }
0xcf: {  	v62 =	vor.u32 $0x13, v2;
	v4 =	vld.idx.msk [tilespmem:v57+s17+$0x0], $0xffff  }
0xd0: {  	v63 =	vld.idx.msk [tilespmem:v58+s13+$0x0], $0xffff  }
0xd1: {  	v16 =	vor.u32 $0x14, v2;
	v5 =	vld.idx.msk [tilespmem:v58+s17+$0x0], $0xffff  }
0xd2: {  	v17 =	vld.idx.msk [tilespmem:v60+s13+$0x0], $0xffff  }
0xd3: {  	v18 =	vor.u32 $0x15, v2;
	v6 =	vld.idx.msk [tilespmem:v60+s17+$0x0], $0xffff  }
0xd4: {  	v19 =	vld.idx.msk [tilespmem:v62+s13+$0x0], $0xffff;
	v4 =	vmul.f32 v4, v61  }
0xd5: {  	v20 =	vor.u32 $0x16, v2;
	v8 =	vld.idx.msk [tilespmem:v62+s17+$0x0], $0xffff  }
0xd6: {  	v21 =	vld.idx.msk [tilespmem:v16+s13+$0x0], $0xffff;
	v5 =	vmul.f32 v5, v63;
	v4 =	vadd.f32 $0.0e+00, v4  }
0xd7: {  	v22 =	vor.u32 $0x17, v2;
	v10 =	vld.idx.msk [tilespmem:v16+s17+$0x0], $0xffff  }
0xd8: {  	v24 =	vld.idx.msk [tilespmem:v18+s13+$0x0], $0xffff;
	v23 =	vmul.f32 v6, v17;
	v4 =	vadd.f32 v5, v4  }
0xd9: {  	v26 =	vor.u32 $0x18, v2;
	v25 =	vld.idx.msk [tilespmem:v18+s17+$0x0], $0xffff  }
0xda: {  	v28 =	vld.idx.msk [tilespmem:v20+s13+$0x0], $0xffff;
	v27 =	vmul.f32 v8, v19;
	v4 =	vadd.f32 v23, v4  }
0xdb: {  	v30 =	vor.u32 $0x19, v2;
	v29 =	vld.idx.msk [tilespmem:v20+s17+$0x0], $0xffff  }
0xdc: {  	v32 =	vld.idx.msk [tilespmem:v22+s13+$0x0], $0xffff;
	v31 =	vmul.f32 v10, v21;
	v4 =	vadd.f32 v27, v4  }
0xdd: {  	v34 =	vor.u32 $0x1A, v2;
	v33 =	vld.idx.msk [tilespmem:v22+s17+$0x0], $0xffff  }
0xde: {  	v36 =	vld.idx.msk [tilespmem:v26+s13+$0x0], $0xffff;
	v35 =	vmul.f32 v25, v24;
	v4 =	vadd.f32 v31, v4  }
0xdf: {  	v38 =	vor.u32 $0x1B, v2;
	v37 =	vld.idx.msk [tilespmem:v26+s17+$0x0], $0xffff  }
0xe0: {  	v40 =	vld.idx.msk [tilespmem:v30+s13+$0x0], $0xffff;
	v39 =	vmul.f32 v29, v28;
	v4 =	vadd.f32 v35, v4  }
0xe1: {  	v42 =	vor.u32 $0x1C, v2;
	v41 =	vld.idx.msk [tilespmem:v30+s17+$0x0], $0xffff  }
0xe2: {  	v44 =	vld.idx.msk [tilespmem:v34+s13+$0x0], $0xffff;
	v43 =	vmul.f32 v33, v32;
	v4 =	vadd.f32 v39, v4  }
0xe3: {  	v46 =	vor.u32 $0x1D, v2;
	v45 =	vld.idx.msk [tilespmem:v34+s17+$0x0], $0xffff  }
0xe4: {  	v48 =	vld.idx.msk [tilespmem:v38+s13+$0x0], $0xffff;
	v47 =	vmul.f32 v37, v36;
	v4 =	vadd.f32 v43, v4  }
0xe5: {  	v50 =	vor.u32 $0x1E, v2;
	v49 =	vld.idx.msk [tilespmem:v38+s17+$0x0], $0xffff  }
0xe6: {  	v52 =	vld.idx.msk [tilespmem:v42+s13+$0x0], $0xffff;
	v51 =	vmul.f32 v41, v40;
	v4 =	vadd.f32 v47, v4  }
0xe7: {  	v54 =	vor.u32 $0x1F, v2;
	v53 =	vld.idx.msk [tilespmem:v42+s17+$0x0], $0xffff  }
0xe8: {  	v56 =	vld.idx.msk [tilespmem:v46+s13+$0x0], $0xffff;
	v55 =	vmul.f32 v45, v44;
	v4 =	vadd.f32 v51, v4  }
0xe9: {  	v57 =	vld.idx.msk [tilespmem:v46+s17+$0x0], $0xffff  }
0xea: {  	v59 =	vld.idx.msk [tilespmem:v50+s13+$0x0], $0xffff;
	v58 =	vmul.f32 v49, v48;
	v4 =	vadd.f32 v55, v4  }
0xeb: {  	v60 =	vld.idx.msk [tilespmem:v50+s17+$0x0], $0xffff  }
0xec: {  	v62 =	vld.idx.msk [tilespmem:v54+s13+$0x0], $0xffff;
	v61 =	vmul.f32 v53, v52;
	v4 =	vadd.f32 v58, v4  }
0xed: {  	v63 =	vld.idx.msk [tilespmem:v54+s17+$0x0], $0xffff  }
0xee: {  	v12 =	vmul.f32 v57, v56;
	v4 =	vadd.f32 v61, v4;
	_ =	sdelay $0x1  }
0xef: {  	v13 =	vmul.f32 v60, v59;
	v4 =	vadd.f32 v12, v4;
	_ =	sdelay $0x1  }
0xf0: {  	v14 =	vmul.f32 v63, v62;
	v4 =	vadd.f32 v13, v4;
	_ =	sdelay $0x1  }
0xf1: {  	v4 =	vadd.f32 v14, v4;
	_ =	sdelay $0x1  }
0xf2: {  	v4 =	vmul.f32 $2.500000000e-01, v4;
	_ =	sdelay $0x1  }
0xf3: {  	v4 =	vmul.f32 $1.442695020e+00, v4;
	_ =	sdelay $0x1  }
0xf4: {  	(erf) = vpow2.f32 v4;
	_ =	sdelay $0x4  }
0xf5: {  	v15 =	vor.u32 $0x1, v3  }
0xf6: {  	v16 =	vor.u32 $0x20, v2;
	_ =	sdelay $0x1  }
0xf7: {  	v17 =	vor.u32 $0x21, v2  }
0xf8: {  	v18 =	vpop (erf)  }
0xf9: {  	v19 =	vor.u32 $0x22, v2;
	[tilespmem:v15+s15+$0x0] =	vst.idx.msk $0xffff, v18  }
0xfa: {  	v7 =	vld.idx.msk [tilespmem:v16+s13+$0x0], $0xffff  }
0xfb: {  	v20 =	vor.u32 $0x23, v2;
	v5 =	vld.idx.msk [tilespmem:v16+s17+$0x0], $0xffff  }
0xfc: {  	v21 =	vld.idx.msk [tilespmem:v17+s13+$0x0], $0xffff  }
0xfd: {  	v22 =	vor.u32 $0x24, v2;
	v6 =	vld.idx.msk [tilespmem:v17+s17+$0x0], $0xffff  }
0xfe: {  	v23 =	vld.idx.msk [tilespmem:v19+s13+$0x0], $0xffff  }
0xff: {  	v24 =	vor.u32 $0x25, v2;
	v4 =	vld.idx.msk [tilespmem:v19+s17+$0x0], $0xffff  }
0x100: {  	v25 =	vld.idx.msk [tilespmem:v20+s13+$0x0], $0xffff;
	v5 =	vmul.f32 v5, v7  }
0x101: {  	v26 =	vor.u32 $0x26, v2;
	v8 =	vld.idx.msk [tilespmem:v20+s17+$0x0], $0xffff  }
0x102: {  	v27 =	vld.idx.msk [tilespmem:v22+s13+$0x0], $0xffff;
	v6 =	vmul.f32 v6, v21;
	v5 =	vadd.f32 $0.0e+00, v5  }
0x103: {  	v28 =	vor.u32 $0x27, v2;
	v10 =	vld.idx.msk [tilespmem:v22+s17+$0x0], $0xffff  }
0x104: {  	v29 =	vld.idx.msk [tilespmem:v24+s13+$0x0], $0xffff;
	v4 =	vmul.f32 v4, v23;
	v5 =	vadd.f32 v6, v5  }
0x105: {  	v31 =	vor.u32 $0x28, v2;
	v30 =	vld.idx.msk [tilespmem:v24+s17+$0x0], $0xffff  }
0x106: {  	v33 =	vld.idx.msk [tilespmem:v26+s13+$0x0], $0xffff;
	v32 =	vmul.f32 v8, v25;
	v4 =	vadd.f32 v4, v5  }
0x107: {  	v35 =	vor.u32 $0x29, v2;
	v34 =	vld.idx.msk [tilespmem:v26+s17+$0x0], $0xffff  }
0x108: {  	v37 =	vld.idx.msk [tilespmem:v28+s13+$0x0], $0xffff;
	v36 =	vmul.f32 v10, v27;
	v4 =	vadd.f32 v32, v4  }
0x109: {  	v39 =	vor.u32 $0x2A, v2;
	v38 =	vld.idx.msk [tilespmem:v28+s17+$0x0], $0xffff  }
0x10a: {  	v41 =	vld.idx.msk [tilespmem:v31+s13+$0x0], $0xffff;
	v40 =	vmul.f32 v30, v29;
	v4 =	vadd.f32 v36, v4  }
0x10b: {  	v43 =	vor.u32 $0x2B, v2;
	v42 =	vld.idx.msk [tilespmem:v31+s17+$0x0], $0xffff  }
0x10c: {  	v45 =	vld.idx.msk [tilespmem:v35+s13+$0x0], $0xffff;
	v44 =	vmul.f32 v34, v33;
	v4 =	vadd.f32 v40, v4  }
0x10d: {  	v47 =	vor.u32 $0x2C, v2;
	v46 =	vld.idx.msk [tilespmem:v35+s17+$0x0], $0xffff  }
0x10e: {  	v49 =	vld.idx.msk [tilespmem:v39+s13+$0x0], $0xffff;
	v48 =	vmul.f32 v38, v37;
	v4 =	vadd.f32 v44, v4  }
0x10f: {  	v51 =	vor.u32 $0x2D, v2;
	v50 =	vld.idx.msk [tilespmem:v39+s17+$0x0], $0xffff  }
0x110: {  	v53 =	vld.idx.msk [tilespmem:v43+s13+$0x0], $0xffff;
	v52 =	vmul.f32 v42, v41;
	v4 =	vadd.f32 v48, v4  }
0x111: {  	v55 =	vor.u32 $0x2E, v2;
	v54 =	vld.idx.msk [tilespmem:v43+s17+$0x0], $0xffff  }
0x112: {  	v57 =	vld.idx.msk [tilespmem:v47+s13+$0x0], $0xffff;
	v56 =	vmul.f32 v46, v45;
	v4 =	vadd.f32 v52, v4  }
0x113: {  	v59 =	vor.u32 $0x2F, v2;
	v58 =	vld.idx.msk [tilespmem:v47+s17+$0x0], $0xffff  }
0x114: {  	v61 =	vld.idx.msk [tilespmem:v51+s13+$0x0], $0xffff;
	v60 =	vmul.f32 v50, v49;
	v4 =	vadd.f32 v56, v4  }
0x115: {  	v62 =	vld.idx.msk [tilespmem:v51+s17+$0x0], $0xffff  }
0x116: {  	v14 =	vld.idx.msk [tilespmem:v55+s13+$0x0], $0xffff;
	v63 =	vmul.f32 v54, v53;
	v4 =	vadd.f32 v60, v4  }
0x117: {  	v15 =	vld.idx.msk [tilespmem:v55+s17+$0x0], $0xffff  }
0x118: {  	v17 =	vld.idx.msk [tilespmem:v59+s13+$0x0], $0xffff;
	v16 =	vmul.f32 v58, v57;
	v4 =	vadd.f32 v63, v4  }
0x119: {  	v18 =	vld.idx.msk [tilespmem:v59+s17+$0x0], $0xffff  }
0x11a: {  	v19 =	vmul.f32 v62, v61;
	v4 =	vadd.f32 v16, v4;
	_ =	sdelay $0x1  }
0x11b: {  	v20 =	vmul.f32 v15, v14;
	v4 =	vadd.f32 v19, v4;
	_ =	sdelay $0x1  }
0x11c: {  	v21 =	vmul.f32 v18, v17;
	v4 =	vadd.f32 v20, v4;
	_ =	sdelay $0x1  }
0x11d: {  	v4 =	vadd.f32 v21, v4;
	_ =	sdelay $0x1  }
0x11e: {  	v4 =	vmul.f32 $2.500000000e-01, v4;
	_ =	sdelay $0x1  }
0x11f: {  	v4 =	vmul.f32 $1.442695020e+00, v4;
	_ =	sdelay $0x1  }
0x120: {  	(erf) = vpow2.f32 v4;
	_ =	sdelay $0x4  }
0x121: {  	v22 =	vor.u32 $0x2, v3  }
0x122: {  	v23 =	vor.u32 $0x30, v2;
	_ =	sdelay $0x1  }
0x123: {  	v24 =	vor.u32 $0x31, v2  }
0x124: {  	v25 =	vpop (erf)  }
0x125: {  	v26 =	vor.u32 $0x32, v2;
	[tilespmem:v22+s15+$0x0] =	vst.idx.msk $0xffff, v25  }
0x126: {  	v7 =	vld.idx.msk [tilespmem:v23+s13+$0x0], $0xffff  }
0x127: {  	v27 =	vor.u32 $0x33, v2;
	v5 =	vld.idx.msk [tilespmem:v23+s17+$0x0], $0xffff  }
0x128: {  	v28 =	vld.idx.msk [tilespmem:v24+s13+$0x0], $0xffff  }
0x129: {  	v29 =	vor.u32 $0x34, v2;
	v6 =	vld.idx.msk [tilespmem:v24+s17+$0x0], $0xffff  }
0x12a: {  	v30 =	vld.idx.msk [tilespmem:v26+s13+$0x0], $0xffff  }
0x12b: {  	v31 =	vor.u32 $0x35, v2;
	v4 =	vld.idx.msk [tilespmem:v26+s17+$0x0], $0xffff  }
0x12c: {  	v32 =	vld.idx.msk [tilespmem:v27+s13+$0x0], $0xffff;
	v5 =	vmul.f32 v5, v7  }
0x12d: {  	v33 =	vor.u32 $0x36, v2;
	v8 =	vld.idx.msk [tilespmem:v27+s17+$0x0], $0xffff  }
0x12e: {  	v34 =	vld.idx.msk [tilespmem:v29+s13+$0x0], $0xffff;
	v6 =	vmul.f32 v6, v28;
	v5 =	vadd.f32 $0.0e+00, v5  }
0x12f: {  	v35 =	vor.u32 $0x37, v2;
	v10 =	vld.idx.msk [tilespmem:v29+s17+$0x0], $0xffff  }
0x130: {  	v36 =	vld.idx.msk [tilespmem:v31+s13+$0x0], $0xffff;
	v4 =	vmul.f32 v4, v30;
	v5 =	vadd.f32 v6, v5  }
0x131: {  	v38 =	vor.u32 $0x38, v2;
	v37 =	vld.idx.msk [tilespmem:v31+s17+$0x0], $0xffff  }
0x132: {  	v40 =	vld.idx.msk [tilespmem:v33+s13+$0x0], $0xffff;
	v39 =	vmul.f32 v8, v32;
	v4 =	vadd.f32 v4, v5  }
0x133: {  	v42 =	vor.u32 $0x39, v2;
	v41 =	vld.idx.msk [tilespmem:v33+s17+$0x0], $0xffff  }
0x134: {  	v44 =	vld.idx.msk [tilespmem:v35+s13+$0x0], $0xffff;
	v43 =	vmul.f32 v10, v34;
	v4 =	vadd.f32 v39, v4  }
0x135: {  	v46 =	vor.u32 $0x3A, v2;
	v45 =	vld.idx.msk [tilespmem:v35+s17+$0x0], $0xffff  }
0x136: {  	v48 =	vld.idx.msk [tilespmem:v38+s13+$0x0], $0xffff;
	v47 =	vmul.f32 v37, v36;
	v4 =	vadd.f32 v43, v4  }
0x137: {  	v50 =	vor.u32 $0x3B, v2;
	v49 =	vld.idx.msk [tilespmem:v38+s17+$0x0], $0xffff  }
0x138: {  	v52 =	vld.idx.msk [tilespmem:v42+s13+$0x0], $0xffff;
	v51 =	vmul.f32 v41, v40;
	v4 =	vadd.f32 v47, v4  }
0x139: {  	v54 =	vor.u32 $0x3C, v2;
	v53 =	vld.idx.msk [tilespmem:v42+s17+$0x0], $0xffff  }
0x13a: {  	v56 =	vld.idx.msk [tilespmem:v46+s13+$0x0], $0xffff;
	v55 =	vmul.f32 v45, v44;
	v4 =	vadd.f32 v51, v4  }
0x13b: {  	v58 =	vor.u32 $0x3D, v2;
	v57 =	vld.idx.msk [tilespmem:v46+s17+$0x0], $0xffff  }
0x13c: {  	v60 =	vld.idx.msk [tilespmem:v50+s13+$0x0], $0xffff;
	v59 =	vmul.f32 v49, v48;
	v4 =	vadd.f32 v55, v4  }
0x13d: {  	v62 =	vor.u32 $0x3E, v2;
	v61 =	vld.idx.msk [tilespmem:v50+s17+$0x0], $0xffff  }
0x13e: {  	v16 =	vld.idx.msk [tilespmem:v54+s13+$0x0], $0xffff;
	v63 =	vmul.f32 v53, v52;
	v4 =	vadd.f32 v59, v4  }
0x13f: {  	v18 =	vor.u32 $0x3F, v2;
	v17 =	vld.idx.msk [tilespmem:v54+s17+$0x0], $0xffff  }
0x140: {  	v20 =	vld.idx.msk [tilespmem:v58+s13+$0x0], $0xffff;
	v19 =	vmul.f32 v57, v56;
	v4 =	vadd.f32 v63, v4  }
0x141: {  	v21 =	vld.idx.msk [tilespmem:v58+s17+$0x0], $0xffff  }
0x142: {  	v23 =	vld.idx.msk [tilespmem:v62+s13+$0x0], $0xffff;
	v22 =	vmul.f32 v61, v60;
	v4 =	vadd.f32 v19, v4  }
0x143: {  	v24 =	vld.idx.msk [tilespmem:v62+s17+$0x0], $0xffff  }
0x144: {  	v26 =	vld.idx.msk [tilespmem:v18+s13+$0x0], $0xffff;
	v25 =	vmul.f32 v17, v16;
	v4 =	vadd.f32 v22, v4  }
0x145: {  	v27 =	vld.idx.msk [tilespmem:v18+s17+$0x0], $0xffff  }
0x146: {  	v28 =	vmul.f32 v21, v20;
	v4 =	vadd.f32 v25, v4;
	_ =	sdelay $0x1  }
0x147: {  	v29 =	vmul.f32 v24, v23;
	v4 =	vadd.f32 v28, v4;
	_ =	sdelay $0x1  }
0x148: {  	v30 =	vmul.f32 v27, v26;
	v4 =	vadd.f32 v29, v4;
	_ =	sdelay $0x1  }
0x149: {  	v4 =	vadd.f32 v30, v4;
	_ =	sdelay $0x1  }
0x14a: {  	v4 =	vmul.f32 $2.500000000e-01, v4;
	_ =	sdelay $0x1  }
0x14b: {  	v4 =	vmul.f32 $1.442695020e+00, v4;
	_ =	sdelay $0x1  }
0x14c: {  	(erf) = vpow2.f32 v4;
	_ =	sdelay $0x4  }
0x14d: {  	v31 =	vor.u32 $0x3, v3  }
0x14e: {  	v32 =	vor.u32 $0x40, v2;
	_ =	sdelay $0x1  }
0x14f: {  	v33 =	vor.u32 $0x41, v2  }
0x150: {  	v34 =	vpop (erf)  }
0x151: {  	v35 =	vor.u32 $0x42, v2;
	[tilespmem:v31+s15+$0x0] =	vst.idx.msk $0xffff, v34  }
0x152: {  	v7 =	vld.idx.msk [tilespmem:v32+s13+$0x0], $0xffff  }
0x153: {  	v36 =	vor.u32 $0x43, v2;
	v5 =	vld.idx.msk [tilespmem:v32+s17+$0x0], $0xffff  }
0x154: {  	v37 =	vld.idx.msk [tilespmem:v33+s13+$0x0], $0xffff  }
0x155: {  	v38 =	vor.u32 $0x44, v2;
	v6 =	vld.idx.msk [tilespmem:v33+s17+$0x0], $0xffff  }
0x156: {  	v39 =	vld.idx.msk [tilespmem:v35+s13+$0x0], $0xffff  }
0x157: {  	v40 =	vor.u32 $0x45, v2;
	v4 =	vld.idx.msk [tilespmem:v35+s17+$0x0], $0xffff  }
0x158: {  	v41 =	vld.idx.msk [tilespmem:v36+s13+$0x0], $0xffff;
	v5 =	vmul.f32 v5, v7  }
0x159: {  	v42 =	vor.u32 $0x46, v2;
	v8 =	vld.idx.msk [tilespmem:v36+s17+$0x0], $0xffff  }
0x15a: {  	v43 =	vld.idx.msk [tilespmem:v38+s13+$0x0], $0xffff;
	v6 =	vmul.f32 v6, v37;
	v5 =	vadd.f32 $0.0e+00, v5  }
0x15b: {  	v44 =	vor.u32 $0x47, v2;
	v10 =	vld.idx.msk [tilespmem:v38+s17+$0x0], $0xffff  }
0x15c: {  	v45 =	vld.idx.msk [tilespmem:v40+s13+$0x0], $0xffff;
	v4 =	vmul.f32 v4, v39;
	v5 =	vadd.f32 v6, v5  }
0x15d: {  	v47 =	vor.u32 $0x48, v2;
	v46 =	vld.idx.msk [tilespmem:v40+s17+$0x0], $0xffff  }
0x15e: {  	v49 =	vld.idx.msk [tilespmem:v42+s13+$0x0], $0xffff;
	v48 =	vmul.f32 v8, v41;
	v4 =	vadd.f32 v4, v5  }
0x15f: {  	v51 =	vor.u32 $0x49, v2;
	v50 =	vld.idx.msk [tilespmem:v42+s17+$0x0], $0xffff  }
0x160: {  	v53 =	vld.idx.msk [tilespmem:v44+s13+$0x0], $0xffff;
	v52 =	vmul.f32 v10, v43;
	v4 =	vadd.f32 v48, v4  }
0x161: {  	v55 =	vor.u32 $0x4A, v2;
	v54 =	vld.idx.msk [tilespmem:v44+s17+$0x0], $0xffff  }
0x162: {  	v57 =	vld.idx.msk [tilespmem:v47+s13+$0x0], $0xffff;
	v56 =	vmul.f32 v46, v45;
	v4 =	vadd.f32 v52, v4  }
0x163: {  	v59 =	vor.u32 $0x4B, v2;
	v58 =	vld.idx.msk [tilespmem:v47+s17+$0x0], $0xffff  }
0x164: {  	v61 =	vld.idx.msk [tilespmem:v51+s13+$0x0], $0xffff;
	v60 =	vmul.f32 v50, v49;
	v4 =	vadd.f32 v56, v4  }
0x165: {  	v63 =	vor.u32 $0x4C, v2;
	v62 =	vld.idx.msk [tilespmem:v51+s17+$0x0], $0xffff  }
0x166: {  	v17 =	vld.idx.msk [tilespmem:v55+s13+$0x0], $0xffff;
	v16 =	vmul.f32 v54, v53;
	v4 =	vadd.f32 v60, v4  }
0x167: {  	v19 =	vor.u32 $0x4D, v2;
	v18 =	vld.idx.msk [tilespmem:v55+s17+$0x0], $0xffff  }
0x168: {  	v21 =	vld.idx.msk [tilespmem:v59+s13+$0x0], $0xffff;
	v20 =	vmul.f32 v58, v57;
	v4 =	vadd.f32 v16, v4  }
0x169: {  	v23 =	vor.u32 $0x4E, v2;
	v22 =	vld.idx.msk [tilespmem:v59+s17+$0x0], $0xffff  }
0x16a: {  	v25 =	vld.idx.msk [tilespmem:v63+s13+$0x0], $0xffff;
	v24 =	vmul.f32 v62, v61;
	v4 =	vadd.f32 v20, v4  }
0x16b: {  	v27 =	vor.u32 $0x4F, v2;
	v26 =	vld.idx.msk [tilespmem:v63+s17+$0x0], $0xffff  }
0x16c: {  	v29 =	vld.idx.msk [tilespmem:v19+s13+$0x0], $0xffff;
	v28 =	vmul.f32 v18, v17;
	v4 =	vadd.f32 v24, v4  }
0x16d: {  	v30 =	vld.idx.msk [tilespmem:v19+s17+$0x0], $0xffff  }
0x16e: {  	v32 =	vld.idx.msk [tilespmem:v23+s13+$0x0], $0xffff;
	v31 =	vmul.f32 v22, v21;
	v4 =	vadd.f32 v28, v4  }
0x16f: {  	v33 =	vld.idx.msk [tilespmem:v23+s17+$0x0], $0xffff  }
0x170: {  	v35 =	vld.idx.msk [tilespmem:v27+s13+$0x0], $0xffff;
	v34 =	vmul.f32 v26, v25;
	v4 =	vadd.f32 v31, v4  }
0x171: {  	v36 =	vld.idx.msk [tilespmem:v27+s17+$0x0], $0xffff  }
0x172: {  	v37 =	vmul.f32 v30, v29;
	v4 =	vadd.f32 v34, v4;
	_ =	sdelay $0x1  }
0x173: {  	v38 =	vmul.f32 v33, v32;
	v4 =	vadd.f32 v37, v4;
	_ =	sdelay $0x1  }
0x174: {  	v39 =	vmul.f32 v36, v35;
	v4 =	vadd.f32 v38, v4;
	_ =	sdelay $0x1  }
0x175: {  	v4 =	vadd.f32 v39, v4;
	_ =	sdelay $0x1  }
0x176: {  	v4 =	vmul.f32 $2.500000000e-01, v4;
	_ =	sdelay $0x1  }
0x177: {  	v4 =	vmul.f32 $1.442695020e+00, v4;
	_ =	sdelay $0x1  }
0x178: {  	(erf) = vpow2.f32 v4;
	_ =	sdelay $0x4  }
0x179: {  	v40 =	vor.u32 $0x4, v3  }
0x17a: {  	v41 =	vor.u32 $0x50, v2;
	_ =	sdelay $0x1  }
0x17b: {  	v42 =	vor.u32 $0x51, v2  }
0x17c: {  	v43 =	vpop (erf)  }
0x17d: {  	v44 =	vor.u32 $0x52, v2;
	[tilespmem:v40+s15+$0x0] =	vst.idx.msk $0xffff, v43  }
0x17e: {  	v7 =	vld.idx.msk [tilespmem:v41+s13+$0x0], $0xffff  }
0x17f: {  	v45 =	vor.u32 $0x53, v2;
	v5 =	vld.idx.msk [tilespmem:v41+s17+$0x0], $0xffff  }
0x180: {  	v46 =	vld.idx.msk [tilespmem:v42+s13+$0x0], $0xffff  }
0x181: {  	v47 =	vor.u32 $0x54, v2;
	v6 =	vld.idx.msk [tilespmem:v42+s17+$0x0], $0xffff  }
0x182: {  	v48 =	vld.idx.msk [tilespmem:v44+s13+$0x0], $0xffff  }
0x183: {  	v49 =	vor.u32 $0x55, v2;
	v4 =	vld.idx.msk [tilespmem:v44+s17+$0x0], $0xffff  }
0x184: {  	v50 =	vld.idx.msk [tilespmem:v45+s13+$0x0], $0xffff;
	v5 =	vmul.f32 v5, v7  }
0x185: {  	v51 =	vor.u32 $0x56, v2;
	v8 =	vld.idx.msk [tilespmem:v45+s17+$0x0], $0xffff  }
0x186: {  	v52 =	vld.idx.msk [tilespmem:v47+s13+$0x0], $0xffff;
	v6 =	vmul.f32 v6, v46;
	v5 =	vadd.f32 $0.0e+00, v5  }
0x187: {  	v53 =	vor.u32 $0x57, v2;
	v10 =	vld.idx.msk [tilespmem:v47+s17+$0x0], $0xffff  }
0x188: {  	v54 =	vld.idx.msk [tilespmem:v49+s13+$0x0], $0xffff;
	v4 =	vmul.f32 v4, v48;
	v5 =	vadd.f32 v6, v5  }
0x189: {  	v56 =	vor.u32 $0x58, v2;
	v55 =	vld.idx.msk [tilespmem:v49+s17+$0x0], $0xffff  }
0x18a: {  	v58 =	vld.idx.msk [tilespmem:v51+s13+$0x0], $0xffff;
	v57 =	vmul.f32 v8, v50;
	v4 =	vadd.f32 v4, v5  }
0x18b: {  	v60 =	vor.u32 $0x59, v2;
	v59 =	vld.idx.msk [tilespmem:v51+s17+$0x0], $0xffff  }
0x18c: {  	v62 =	vld.idx.msk [tilespmem:v53+s13+$0x0], $0xffff;
	v61 =	vmul.f32 v10, v52;
	v4 =	vadd.f32 v57, v4  }
0x18d: {  	v16 =	vor.u32 $0x5A, v2;
	v63 =	vld.idx.msk [tilespmem:v53+s17+$0x0], $0xffff  }
0x18e: {  	v18 =	vld.idx.msk [tilespmem:v56+s13+$0x0], $0xffff;
	v17 =	vmul.f32 v55, v54;
	v4 =	vadd.f32 v61, v4  }
0x18f: {  	v20 =	vor.u32 $0x5B, v2;
	v19 =	vld.idx.msk [tilespmem:v56+s17+$0x0], $0xffff  }
0x190: {  	v22 =	vld.idx.msk [tilespmem:v60+s13+$0x0], $0xffff;
	v21 =	vmul.f32 v59, v58;
	v4 =	vadd.f32 v17, v4  }
0x191: {  	v24 =	vor.u32 $0x5C, v2;
	v23 =	vld.idx.msk [tilespmem:v60+s17+$0x0], $0xffff  }
0x192: {  	v26 =	vld.idx.msk [tilespmem:v16+s13+$0x0], $0xffff;
	v25 =	vmul.f32 v63, v62;
	v4 =	vadd.f32 v21, v4  }
0x193: {  	v28 =	vor.u32 $0x5D, v2;
	v27 =	vld.idx.msk [tilespmem:v16+s17+$0x0], $0xffff  }
0x194: {  	v30 =	vld.idx.msk [tilespmem:v20+s13+$0x0], $0xffff;
	v29 =	vmul.f32 v19, v18;
	v4 =	vadd.f32 v25, v4  }
0x195: {  	v32 =	vor.u32 $0x5E, v2;
	v31 =	vld.idx.msk [tilespmem:v20+s17+$0x0], $0xffff  }
0x196: {  	v34 =	vld.idx.msk [tilespmem:v24+s13+$0x0], $0xffff;
	v33 =	vmul.f32 v23, v22;
	v4 =	vadd.f32 v29, v4  }
0x197: {  	v36 =	vor.u32 $0x5F, v2;
	v35 =	vld.idx.msk [tilespmem:v24+s17+$0x0], $0xffff  }
0x198: {  	v38 =	vld.idx.msk [tilespmem:v28+s13+$0x0], $0xffff;
	v37 =	vmul.f32 v27, v26;
	v4 =	vadd.f32 v33, v4  }
0x199: {  	v39 =	vld.idx.msk [tilespmem:v28+s17+$0x0], $0xffff  }
0x19a: {  	v41 =	vld.idx.msk [tilespmem:v32+s13+$0x0], $0xffff;
	v40 =	vmul.f32 v31, v30;
	v4 =	vadd.f32 v37, v4  }
0x19b: {  	v42 =	vld.idx.msk [tilespmem:v32+s17+$0x0], $0xffff  }
0x19c: {  	v44 =	vld.idx.msk [tilespmem:v36+s13+$0x0], $0xffff;
	v43 =	vmul.f32 v35, v34;
	v4 =	vadd.f32 v40, v4  }
0x19d: {  	v45 =	vld.idx.msk [tilespmem:v36+s17+$0x0], $0xffff  }
0x19e: {  	v46 =	vmul.f32 v39, v38;
	v4 =	vadd.f32 v43, v4;
	_ =	sdelay $0x1  }
0x19f: {  	v47 =	vmul.f32 v42, v41;
	v4 =	vadd.f32 v46, v4;
	_ =	sdelay $0x1  }
0x1a0: {  	v48 =	vmul.f32 v45, v44;
	v4 =	vadd.f32 v47, v4;
	_ =	sdelay $0x1  }
0x1a1: {  	v4 =	vadd.f32 v48, v4;
	_ =	sdelay $0x1  }
0x1a2: {  	v4 =	vmul.f32 $2.500000000e-01, v4;
	_ =	sdelay $0x1  }
0x1a3: {  	v4 =	vmul.f32 $1.442695020e+00, v4;
	_ =	sdelay $0x1  }
0x1a4: {  	(erf) = vpow2.f32 v4;
	_ =	sdelay $0x4  }
0x1a5: {  	v49 =	vor.u32 $0x5, v3  }
0x1a6: {  	v50 =	vor.u32 $0x60, v2;
	_ =	sdelay $0x1  }
0x1a7: {  	v51 =	vor.u32 $0x61, v2  }
0x1a8: {  	v52 =	vpop (erf)  }
0x1a9: {  	v53 =	vor.u32 $0x62, v2;
	[tilespmem:v49+s15+$0x0] =	vst.idx.msk $0xffff, v52  }
0x1aa: {  	v7 =	vld.idx.msk [tilespmem:v50+s13+$0x0], $0xffff  }
0x1ab: {  	v54 =	vor.u32 $0x63, v2;
	v5 =	vld.idx.msk [tilespmem:v50+s17+$0x0], $0xffff  }
0x1ac: {  	v55 =	vld.idx.msk [tilespmem:v51+s13+$0x0], $0xffff  }
0x1ad: {  	v56 =	vor.u32 $0x64, v2;
	v6 =	vld.idx.msk [tilespmem:v51+s17+$0x0], $0xffff  }
0x1ae: {  	v57 =	vld.idx.msk [tilespmem:v53+s13+$0x0], $0xffff  }
0x1af: {  	v58 =	vor.u32 $0x65, v2;
	v4 =	vld.idx.msk [tilespmem:v53+s17+$0x0], $0xffff  }
0x1b0: {  	v59 =	vld.idx.msk [tilespmem:v54+s13+$0x0], $0xffff;
	v5 =	vmul.f32 v5, v7  }
0x1b1: {  	v60 =	vor.u32 $0x66, v2;
	v8 =	vld.idx.msk [tilespmem:v54+s17+$0x0], $0xffff  }
0x1b2: {  	v61 =	vld.idx.msk [tilespmem:v56+s13+$0x0], $0xffff;
	v6 =	vmul.f32 v6, v55;
	v5 =	vadd.f32 $0.0e+00, v5  }
0x1b3: {  	v62 =	vor.u32 $0x67, v2;
	v10 =	vld.idx.msk [tilespmem:v56+s17+$0x0], $0xffff  }
0x1b4: {  	v63 =	vld.idx.msk [tilespmem:v58+s13+$0x0], $0xffff;
	v4 =	vmul.f32 v4, v57;
	v5 =	vadd.f32 v6, v5  }
0x1b5: {  	v17 =	vor.u32 $0x68, v2;
	v16 =	vld.idx.msk [tilespmem:v58+s17+$0x0], $0xffff  }
0x1b6: {  	v19 =	vld.idx.msk [tilespmem:v60+s13+$0x0], $0xffff;
	v18 =	vmul.f32 v8, v59;
	v4 =	vadd.f32 v4, v5  }
0x1b7: {  	v21 =	vor.u32 $0x69, v2;
	v20 =	vld.idx.msk [tilespmem:v60+s17+$0x0], $0xffff  }
0x1b8: {  	v23 =	vld.idx.msk [tilespmem:v62+s13+$0x0], $0xffff;
	v22 =	vmul.f32 v10, v61;
	v4 =	vadd.f32 v18, v4  }
0x1b9: {  	v25 =	vor.u32 $0x6A, v2;
	v24 =	vld.idx.msk [tilespmem:v62+s17+$0x0], $0xffff  }
0x1ba: {  	v27 =	vld.idx.msk [tilespmem:v17+s13+$0x0], $0xffff;
	v26 =	vmul.f32 v16, v63;
	v4 =	vadd.f32 v22, v4  }
0x1bb: {  	v29 =	vor.u32 $0x6B, v2;
	v28 =	vld.idx.msk [tilespmem:v17+s17+$0x0], $0xffff  }
0x1bc: {  	v31 =	vld.idx.msk [tilespmem:v21+s13+$0x0], $0xffff;
	v30 =	vmul.f32 v20, v19;
	v4 =	vadd.f32 v26, v4  }
0x1bd: {  	v33 =	vor.u32 $0x6C, v2;
	v32 =	vld.idx.msk [tilespmem:v21+s17+$0x0], $0xffff  }
0x1be: {  	v35 =	vld.idx.msk [tilespmem:v25+s13+$0x0], $0xffff;
	v34 =	vmul.f32 v24, v23;
	v4 =	vadd.f32 v30, v4  }
0x1bf: {  	v37 =	vor.u32 $0x6D, v2;
	v36 =	vld.idx.msk [tilespmem:v25+s17+$0x0], $0xffff  }
0x1c0: {  	v39 =	vld.idx.msk [tilespmem:v29+s13+$0x0], $0xffff;
	v38 =	vmul.f32 v28, v27;
	v4 =	vadd.f32 v34, v4  }
0x1c1: {  	v41 =	vor.u32 $0x6E, v2;
	v40 =	vld.idx.msk [tilespmem:v29+s17+$0x0], $0xffff  }
0x1c2: {  	v43 =	vld.idx.msk [tilespmem:v33+s13+$0x0], $0xffff;
	v42 =	vmul.f32 v32, v31;
	v4 =	vadd.f32 v38, v4  }
0x1c3: {  	v45 =	vor.u32 $0x6F, v2;
	v44 =	vld.idx.msk [tilespmem:v33+s17+$0x0], $0xffff  }
0x1c4: {  	v47 =	vld.idx.msk [tilespmem:v37+s13+$0x0], $0xffff;
	v46 =	vmul.f32 v36, v35;
	v4 =	vadd.f32 v42, v4  }
0x1c5: {  	v48 =	vld.idx.msk [tilespmem:v37+s17+$0x0], $0xffff  }
0x1c6: {  	v50 =	vld.idx.msk [tilespmem:v41+s13+$0x0], $0xffff;
	v49 =	vmul.f32 v40, v39;
	v4 =	vadd.f32 v46, v4  }
0x1c7: {  	v51 =	vld.idx.msk [tilespmem:v41+s17+$0x0], $0xffff  }
0x1c8: {  	v53 =	vld.idx.msk [tilespmem:v45+s13+$0x0], $0xffff;
	v52 =	vmul.f32 v44, v43;
	v4 =	vadd.f32 v49, v4  }
0x1c9: {  	v54 =	vld.idx.msk [tilespmem:v45+s17+$0x0], $0xffff  }
0x1ca: {  	v55 =	vmul.f32 v48, v47;
	v4 =	vadd.f32 v52, v4;
	_ =	sdelay $0x1  }
0x1cb: {  	v56 =	vmul.f32 v51, v50;
	v4 =	vadd.f32 v55, v4;
	_ =	sdelay $0x1  }
0x1cc: {  	v57 =	vmul.f32 v54, v53;
	v4 =	vadd.f32 v56, v4;
	_ =	sdelay $0x1  }
0x1cd: {  	v4 =	vadd.f32 v57, v4;
	_ =	sdelay $0x1  }
0x1ce: {  	v4 =	vmul.f32 $2.500000000e-01, v4;
	_ =	sdelay $0x1  }
0x1cf: {  	v4 =	vmul.f32 $1.442695020e+00, v4;
	_ =	sdelay $0x1  }
0x1d0: {  	(erf) = vpow2.f32 v4;
	_ =	sdelay $0x4  }
0x1d1: {  	v58 =	vor.u32 $0x6, v3  }
0x1d2: {  	v59 =	vor.u32 $0x70, v2;
	_ =	sdelay $0x1  }
0x1d3: {  	v60 =	vor.u32 $0x71, v2  }
0x1d4: {  	v61 =	vpop (erf)  }
0x1d5: {  	v62 =	vor.u32 $0x72, v2;
	[tilespmem:v58+s15+$0x0] =	vst.idx.msk $0xffff, v61  }
0x1d6: {  	v7 =	vld.idx.msk [tilespmem:v59+s13+$0x0], $0xffff  }
0x1d7: {  	v63 =	vor.u32 $0x73, v2;
	v5 =	vld.idx.msk [tilespmem:v59+s17+$0x0], $0xffff  }
0x1d8: {  	v16 =	vld.idx.msk [tilespmem:v60+s13+$0x0], $0xffff  }
0x1d9: {  	v17 =	vor.u32 $0x74, v2;
	v6 =	vld.idx.msk [tilespmem:v60+s17+$0x0], $0xffff  }
0x1da: {  	v18 =	vld.idx.msk [tilespmem:v62+s13+$0x0], $0xffff  }
0x1db: {  	v19 =	vor.u32 $0x75, v2;
	v4 =	vld.idx.msk [tilespmem:v62+s17+$0x0], $0xffff  }
0x1dc: {  	v20 =	vld.idx.msk [tilespmem:v63+s13+$0x0], $0xffff;
	v5 =	vmul.f32 v5, v7  }
0x1dd: {  	v21 =	vor.u32 $0x76, v2;
	v8 =	vld.idx.msk [tilespmem:v63+s17+$0x0], $0xffff  }
0x1de: {  	v22 =	vld.idx.msk [tilespmem:v17+s13+$0x0], $0xffff;
	v6 =	vmul.f32 v6, v16;
	v5 =	vadd.f32 $0.0e+00, v5  }
0x1df: {  	v23 =	vor.u32 $0x77, v2;
	v10 =	vld.idx.msk [tilespmem:v17+s17+$0x0], $0xffff  }
0x1e0: {  	v24 =	vld.idx.msk [tilespmem:v19+s13+$0x0], $0xffff;
	v4 =	vmul.f32 v4, v18;
	v5 =	vadd.f32 v6, v5  }
0x1e1: {  	v26 =	vor.u32 $0x78, v2;
	v25 =	vld.idx.msk [tilespmem:v19+s17+$0x0], $0xffff  }
0x1e2: {  	v28 =	vld.idx.msk [tilespmem:v21+s13+$0x0], $0xffff;
	v27 =	vmul.f32 v8, v20;
	v4 =	vadd.f32 v4, v5  }
0x1e3: {  	v30 =	vor.u32 $0x79, v2;
	v29 =	vld.idx.msk [tilespmem:v21+s17+$0x0], $0xffff  }
0x1e4: {  	v32 =	vld.idx.msk [tilespmem:v23+s13+$0x0], $0xffff;
	v31 =	vmul.f32 v10, v22;
	v4 =	vadd.f32 v27, v4  }
0x1e5: {  	v34 =	vor.u32 $0x7A, v2;
	v33 =	vld.idx.msk [tilespmem:v23+s17+$0x0], $0xffff  }
0x1e6: {  	v36 =	vld.idx.msk [tilespmem:v26+s13+$0x0], $0xffff;
	v35 =	vmul.f32 v25, v24;
	v4 =	vadd.f32 v31, v4  }
0x1e7: {  	v38 =	vor.u32 $0x7B, v2;
	v37 =	vld.idx.msk [tilespmem:v26+s17+$0x0], $0xffff  }
0x1e8: {  	v40 =	vld.idx.msk [tilespmem:v30+s13+$0x0], $0xffff;
	v39 =	vmul.f32 v29, v28;
	v4 =	vadd.f32 v35, v4  }
0x1e9: {  	v42 =	vor.u32 $0x7C, v2;
	v41 =	vld.idx.msk [tilespmem:v30+s17+$0x0], $0xffff  }
0x1ea: {  	v44 =	vld.idx.msk [tilespmem:v34+s13+$0x0], $0xffff;
	v43 =	vmul.f32 v33, v32;
	v4 =	vadd.f32 v39, v4  }
0x1eb: {  	v46 =	vor.u32 $0x7D, v2;
	v45 =	vld.idx.msk [tilespmem:v34+s17+$0x0], $0xffff  }
0x1ec: {  	v48 =	vld.idx.msk [tilespmem:v38+s13+$0x0], $0xffff;
	v47 =	vmul.f32 v37, v36;
	v4 =	vadd.f32 v43, v4  }
0x1ed: {  	v50 =	vor.u32 $0x7E, v2;
	v49 =	vld.idx.msk [tilespmem:v38+s17+$0x0], $0xffff  }
0x1ee: {  	v52 =	vld.idx.msk [tilespmem:v42+s13+$0x0], $0xffff;
	v51 =	vmul.f32 v41, v40;
	v4 =	vadd.f32 v47, v4  }
0x1ef: {  	v2 =	vor.u32 $0x7F, v2;
	v53 =	vld.idx.msk [tilespmem:v42+s17+$0x0], $0xffff  }
0x1f0: {  	v55 =	vld.idx.msk [tilespmem:v46+s13+$0x0], $0xffff;
	v54 =	vmul.f32 v45, v44;
	v4 =	vadd.f32 v51, v4  }
0x1f1: {  	v56 =	vld.idx.msk [tilespmem:v46+s17+$0x0], $0xffff  }
0x1f2: {  	v58 =	vld.idx.msk [tilespmem:v50+s13+$0x0], $0xffff;
	v57 =	vmul.f32 v49, v48;
	v4 =	vadd.f32 v54, v4  }
0x1f3: {  	v59 =	vld.idx.msk [tilespmem:v50+s17+$0x0], $0xffff  }
0x1f4: {  	v61 =	vld.idx.msk [tilespmem:v2+s13+$0x0], $0xffff;
	v60 =	vmul.f32 v53, v52;
	v4 =	vadd.f32 v57, v4  }
0x1f5: {  	v2 =	vld.idx.msk [tilespmem:v2+s17+$0x0], $0xffff  }
0x1f6: {  	v62 =	vmul.f32 v56, v55;
	v4 =	vadd.f32 v60, v4;
	_ =	sdelay $0x1  }
0x1f7: {  	v63 =	vmul.f32 v59, v58;
	v4 =	vadd.f32 v62, v4;
	_ =	sdelay $0x1  }
0x1f8: {  	v2 =	vmul.f32 v2, v61;
	v4 =	vadd.f32 v63, v4;
	_ =	sdelay $0x1  }
0x1f9: {  	v2 =	vadd.f32 v2, v4;
	_ =	sdelay $0x1  }
0x1fa: {  	v2 =	vmul.f32 $2.500000000e-01, v2;
	_ =	sdelay $0x1  }
0x1fb: {  	v2 =	vmul.f32 $1.442695020e+00, v2;
	_ =	sdelay $0x1  }
0x1fc: {  	(erf) = vpow2.f32 v2;
	_ =	sdelay $0x4  }
0x1fd: {  	p2 =	sne.s32 s23, $0x40;
	v2 =	vor.u32 $0x7, v3  }
.Ltmp1:
0x1fe: {  	_ = 	snop;
	(pc) =	sbr.rel @p2 .LBB2_5-.Ltmp1, $3  }
0x1ff: {  	_ =	sdelay $0x1  }
0x200: {  	v3 =	vpop (erf)  }
0x201: {  	s23 =	sadd.s32 $0x10, s23;
	[tilespmem:v2+s15+$0x0] =	vst.idx.msk $0xffff, v3  }
0x202: {  	[spmem:s5] =	stream.indirect.scatter.add.f32 [tilespmem:s15], [sflag:$0x2], $0x10, s6, s16, $0xb8;
	[tilespmem:$0x1DD30] =	vst v63  }
0x203: {  	s22 =	sadd.s32 $0x1, s22;
	_ =	swait.ge [sflag:s14], $0x500  }
0x204: {  	p2 =	sne.s32 s22, $0x7D;
	[sflag:s14] =	ssyncset.done $0x0  }
.Ltmp2:
0x205: {  	[sflag:s14] =	ssyncadd.s32 $0xFFFFFB00;
	(pc) =	sbr.rel @p2 .LBB2_4-.Ltmp2, $4  }
0x206: {  	[spmem:s4] =	stream.indirect.scatter.add.f32 [tilespmem:s18], [sflag:$0x2], $0x80, s6, s16, $0xb8;
	[tilespmem:$0x1DD30] =	vst v63  }
0x207: {  	_ =	swait.ge [sflag:s14], $0x2800  }
0x208: {  	[sflag:s14] =	ssyncset.done $0x0  }
0x209: {  	[sflag:s14] =	ssyncadd.s32 $0xFFFFD800  }
0x20a: {  	[bflag:$0x0] =	sbarrier.arrive $0xFFFF;
	s21 =	simm.s32 @p1 $0x1FC2;
	s22 =	simm.s32 @p1 $0x2  }
0x20b: {  	[hbm:s30], [sflag:s21] =	dma.local @p1 [spmem:s7], $0x410  }
0x20c: {  	_ =	swait.ge @p1 [sflag:s22], $0x410  }
0x20d: {  	[sflag:s22] =	ssyncset.done @p1 $0x0  }
0x20e: {  	[sflag:s22] =	ssyncadd.s32 @p1 $0xFFFFFBF0  }
0x20f: {  	[hbm:s31], [sflag:s21] =	dma.local @p1 [spmem:s10], $0x2080  }
0x210: {  	s21 =	stileid.u32;
	_ =	swait.ge @p1 [sflag:s22], $0x2080  }
0x211: {  	s21 =	sshll.u32 @!p1 s21, $0x6;
	[sflag:s22] =	ssyncset.done @p1 $0x0  }
0x212: {  	s21 =	sor.u32 @!p1 $0x1C02, s21;
	[sflag:s22] =	ssyncadd.s32 @p1 $0xFFFFDF80;
	s22 =	rddreg [dreg:$0xb]  }
0x213: {  	[hbm:s22], [sflag:s21] =	dma.local @!p1 [spmem:s11], $0x4F0  }
0x214: {  	s22 =	simm.s32 @!p1 $0x2  }
0x215: {  	s20 =	sadd.s32 $0x1, s20;
	_ =	swait.ge @!p1 [sflag:s22], $0x4F0  }
0x216: {  	p2 =	sne.s32 s20, s0;
	[sflag:s22] =	ssyncset.done @!p1 $0x0  }
.Ltmp3:
0x217: {  	s23 =	rddreg [dreg:$0xc];
	[sflag:s22] =	ssyncadd.s32 @!p1 $0xFFFFFB10;
	(pc) =	sbr.rel @p2 .LBB2_1-.Ltmp3, $4  }
0x218: {  	[hbm:s23], [sflag:s21] =	dma.local @!p1 [spmem:s12], $0x2780  }
0x219: {  	_ =	swait.ge @!p1 [sflag:s22], $0x2780  }
0x21a: {  	[sflag:s22] =	ssyncset.done @!p1 $0x0  }
0x21b: {  	[sflag:s22] =	ssyncadd.s32 @!p1 $0xFFFFD880  }
0x21c: {  	_ =	sfence.sel $0x180000  }
0x21d: {  	[bflag:$0x0] =	sbarrier.arrive $0xFFFF  }
0x21e: {  	_ =	strace $0x90000047  }
0x21f: {  	s0 =	stileid.u32;
	[bflag:$0x2] =	sbarrier.arrive $0xFFFF  }
0x220: {  	p0 =	sne.s32 s0, $0x0;
	s0 =	rddreg [dreg:$0x6]  }
0x221: {  	s0 =	sadd.s32 @!p0 $0x100000, s0  }
0x222: {  	[sflag:s0] =	ssyncadd.tile.s32 @!p0 $0x1;
	_ =	shalt  }
.Lfunc_end2:
_tile_overlayer_lowered:
.L_overlay_start_2:
0x223: {  	(tag) =	ssettag $0x2  }
0x224: {  	s0 =	rddreg [dreg:$0x0];
	s2 =	stileid.u32  }
0x225: {  	s1 =	rddreg [dreg:$0x1];
	p0 =	sne.s32 s2, $0x0  }
0x226: {  	s3 =	rddreg [dreg:$0x2];
	[bflag:$0x3] =	sbarrier.arrive $0xFFFF;
	s2 =	simm.s32 @!p0 $0x1C02  }
0x227: {  	[timem:s3], [sflag:s2] =	dma.local @!p0 [hbm:s0], s1  }
0x228: {  	s0 =	simm.s32 @!p0 $0x2  }
0x229: {  	_ =	swait.ge @!p0 [sflag:s0], s1  }
0x22a: {  	s1 =	ssub.s32 @!p0 $0x0, s1;
	[sflag:s0] =	ssyncset.done @!p0 $0x0  }
0x22b: {  	[sflag:s0] =	ssyncadd.s32 @!p0 s1  }
0x22c: {  	[bflag:$0x3] =	sbarrier.arrive $0xFFFF  }
0x22d: {  	_ =	shalt  }

</sc_bundles>
